<compile_context>
chip_gen: v7x
topology: tpu7x:2x2x1
jax: 0.10.2.dev20260603
libtpu: 0.0.44.dev20260713+nightly
codegen_flags: <defaults>
</compile_context>

<pallas_src>
import functools

import jax
import jax.numpy as jnp
from jax import lax
from jax.experimental import pallas as pl
from jax.experimental.pallas import tpu as pltpu
from jax.experimental.pallas import tpu_sc as plsc

_NW = 32
_R = 32
_NBUF = 2


def _sc_body(s, b, f, table_hbm, out_hbm, bufs, in_sems, out_sems):
    wid = lax.axis_index("s") * 2 + lax.axis_index("c")
    rows_per_w = s // _NW
    nch = rows_per_w // _R
    base = wid * rows_per_w

    def in_copy(i):
        return pltpu.make_async_copy(
            table_hbm.at[pl.ds(base + i * _R, _R), :],
            bufs.at[i % _NBUF],
            in_sems.at[i % _NBUF],
        )

    def out_copy(i, j):
        return pltpu.make_async_copy(
            bufs.at[i % _NBUF],
            out_hbm.at[pl.ds(base + i * _R, _R), pl.ds(j * f, f)],
            out_sems.at[i % _NBUF],
        )

    for i in range(min(_NBUF, nch)):
        in_copy(i).start()
    for i in range(nch):
        if i >= _NBUF:
            for j in range(b):
                out_copy(i - _NBUF, j).wait()
            in_copy(i).start()
        in_copy(i).wait()
        for j in range(b):
            out_copy(i, j).start()
    for i in range(max(0, nch - _NBUF), nch):
        for j in range(b):
            out_copy(i, j).wait()


def kernel(x, table):
    s, b, f = x.shape
    mesh = plsc.VectorSubcoreMesh(core_axis_name="c", subcore_axis_name="s")
    sc_call = functools.partial(
        pl.kernel,
        mesh=mesh,
        out_type=jax.ShapeDtypeStruct((s, b * f), jnp.float32),
        scratch_types=[
            pltpu.VMEM((_NBUF, _R, f), jnp.float32),
            pltpu.SemaphoreType.DMA((_NBUF,)),
            pltpu.SemaphoreType.DMA((_NBUF,)),
        ],
    )

    @sc_call
    def run(table_hbm, out_hbm, bufs, in_sems, out_sems):
        _sc_body(s, b, f, table_hbm, out_hbm, bufs, in_sems, out_sems)

    out2d = run(table)
    return out2d.reshape(s, b, f)

# --- scband reference (transcript-rebuilt; emitter-appended) ---
"""Pipeline reference for scband-learnable-position-embedding-36696200577349 (READ-ONLY COPY).

The authoritative reference and input builder live on the scoring server;
editing this copy changes nothing except your own understanding.
"""

import jax, jax.numpy as jnp
import numpy as np


def setup_inputs(seed: int = 0) -> dict:
    key = jax.random.key(seed)
    k1, k2 = jax.random.split(key)
    x = jax.random.normal(k1, (8192, 4, 1024), dtype=jnp.float32)
    # learned position embedding table sized per init_kwargs (max_len, hidden_size)
    table = jax.random.normal(k2, (8192, 1024), dtype=jnp.float32) * 0.02
    return {"x": x, "table": table}


def reference(x, table):
    s, b, f = x.shape
    # positions = arange(s).unsqueeze(1).repeat(1, b)
    positions = jnp.tile(jnp.arange(s)[:, None], (1, b))  # [s, b]
    # nn.Embedding lookup -> gather rows of the table
    return jnp.take(table, positions, axis=0)  # [s, b, hidden_size]

if __name__ == "__main__":
    import jax
    _d = setup_inputs()
    print(jax.jit(kernel)(*tuple(_d.values())))

</pallas_src>

<mosaic_0001>
#map = affine_map<(d0, d1) -> (0, 0)>
module attributes {stable_mosaic.version = 14 : i64} {
  func.func @run(%arg0: i32, %arg1: i32, %arg2: memref<8192x1024xf32, #tpu.memory_space<hbm>>, %arg3: memref<8192x4096xf32, #tpu.memory_space<hbm>>, %arg4: memref<2x32x1024xf32, #tpu.memory_space<vmem>>, %arg5: memref<2x!tpu.dma_semaphore, #tpu.memory_space<semaphore_mem>>, %arg6: memref<2x!tpu.dma_semaphore, #tpu.memory_space<semaphore_mem>>) attributes {dimension_semantics = [#tpu.dimension_semantics<core_parallel>, #tpu.dimension_semantics<subcore_parallel>], iteration_bounds = array<i64: 2, 16>, scalar_prefetch = 0 : i64, scratch_operands = 3 : i64, tpu.core_type = #tpu.core_type<sc_vector_subcore>, window_params = [{transform_indices = #map}, {transform_indices = #map}]} {
    %mul3A = arith.constant 2 : i32
    %mul3A_0 = arith.muli %arg1, %mul3A : i32
    %add3A = arith.addi %mul3A_0, %arg0 : i32
    %mul3A_1 = arith.constant 256 : i32
    %mul3A_2 = arith.muli %add3A, %mul3A_1 : i32
    %add3A_3 = arith.constant 0 : i32
    %add3A_4 = arith.addi %mul3A_2, %add3A_3 : i32
    %dma_start3A = arith.constant 0 : i32
    %dma_start3A_5 = arith.constant 0 : i32
    %dma_start3A_6 = arith.constant 0 : i32
    %dma_start3A_7 = arith.constant 0 : i32
    %dma_start3A_8 = tpu.memref_slice %arg4[%dma_start3A, %dma_start3A_6, %dma_start3A_7] : memref<2x32x1024xf32, #tpu.memory_space<vmem>> -> memref<1x32x1024xf32, #tpu.memory_space<vmem>>
    %dma_start3A_9 = tpu.memref_squeeze %dma_start3A_8 : memref<1x32x1024xf32, #tpu.memory_space<vmem>> -> memref<32x1024xf32, #tpu.memory_space<vmem>>
    %dma_start3A_10 = arith.constant 0 : i32
    %dma_start3A_11 = tpu.memref_slice %arg2[%add3A_4, %dma_start3A_10] : memref<8192x1024xf32, #tpu.memory_space<hbm>> -> memref<32x1024xf32, #tpu.memory_space<hbm>>
    %dma_start3A_12 = tpu.memref_slice %arg5[%dma_start3A_5] : memref<2x!tpu.dma_semaphore, #tpu.memory_space<semaphore_mem>> -> memref<1x!tpu.dma_semaphore, #tpu.memory_space<semaphore_mem>>
    %dma_start3A_13 = tpu.memref_squeeze %dma_start3A_12 : memref<1x!tpu.dma_semaphore, #tpu.memory_space<semaphore_mem>> -> memref<!tpu.dma_semaphore, #tpu.memory_space<semaphore_mem>>
    %dma_start3A_14 = arith.constant 0 : i32
    %dma_start3A_15 = arith.constant 0 : i32
    %dma_start3A_16 = tpu.memref_slice %arg4[%dma_start3A, %dma_start3A_14, %dma_start3A_15] : memref<2x32x1024xf32, #tpu.memory_space<vmem>> -> memref<1x32x1024xf32, #tpu.memory_space<vmem>>
    %dma_start3A_17 = tpu.memref_squeeze %dma_start3A_16 : memref<1x32x1024xf32, #tpu.memory_space<vmem>> -> memref<32x1024xf32, #tpu.memory_space<vmem>>
    %dma_start3A_18 = arith.constant 0 : i32
    %dma_start3A_19 = tpu.memref_slice %arg2[%add3A_4, %dma_start3A_18] : memref<8192x1024xf32, #tpu.memory_space<hbm>> -> memref<32x1024xf32, #tpu.memory_space<hbm>>
    tpu.enqueue_dma source(%dma_start3A_19 : memref<32x1024xf32, #tpu.memory_space<hbm>>) target(%dma_start3A_17 : memref<32x1024xf32, #tpu.memory_space<vmem>>) target_semaphore(%dma_start3A_13 : memref<!tpu.dma_semaphore, #tpu.memory_space<semaphore_mem>>)
    %add3A_20 = arith.constant 32 : i32
    %add3A_21 = arith.addi %mul3A_2, %add3A_20 : i32
    %dma_start3A_22 = arith.constant 1 : i32
    %dma_start3A_23 = arith.constant 1 : i32
    %dma_start3A_24 = arith.constant 0 : i32
    %dma_start3A_25 = arith.constant 0 : i32
    %dma_start3A_26 = tpu.memref_slice %arg4[%dma_start3A_22, %dma_start3A_24, %dma_start3A_25] : memref<2x32x1024xf32, #tpu.memory_space<vmem>> -> memref<1x32x1024xf32, #tpu.memory_space<vmem>>
    %dma_start3A_27 = tpu.memref_squeeze %dma_start3A_26 : memref<1x32x1024xf32, #tpu.memory_space<vmem>> -> memref<32x1024xf32, #tpu.memory_space<vmem>>
    %dma_start3A_28 = arith.constant 0 : i32
    %dma_start3A_29 = tpu.memref_slice %arg2[%add3A_21, %dma_start3A_28] : memref<8192x1024xf32, #tpu.memory_space<hbm>> -> memref<32x1024xf32, #tpu.memory_space<hbm>>
    %dma_start3A_30 = tpu.memref_slice %arg5[%dma_start3A_23] : memref<2x!tpu.dma_semaphore, #tpu.memory_space<semaphore_mem>> -> memref<1x!tpu.dma_semaphore, #tpu.memory_space<semaphore_mem>>
    %dma_start3A_31 = tpu.memref_squeeze %dma_start3A_30 : memref<1x!tpu.dma_semaphore, #tpu.memory_space<semaphore_mem>> -> memref<!tpu.dma_semaphore, #tpu.memory_space<semaphore_mem>>
    %dma_start3A_32 = arith.constant 0 : i32
    %dma_start3A_33 = arith.constant 0 : i32
    %dma_start3A_34 = tpu.memref_slice %arg4[%dma_start3A_22, %dma_start3A_32, %dma_start3A_33] : memref<2x32x1024xf32, #tpu.memory_space<vmem>> -> memref<1x32x1024xf32, #tpu.memory_space<vmem>>
    %dma_start3A_35 = tpu.memref_squeeze %dma_start3A_34 : memref<1x32x1024xf32, #tpu.memory_space<vmem>> -> memref<32x1024xf32, #tpu.memory_space<vmem>>
    %dma_start3A_36 = arith.constant 0 : i32
    %dma_start3A_37 = tpu.memref_slice %arg2[%add3A_21, %dma_start3A_36] : memref<8192x1024xf32, #tpu.memory_space<hbm>> -> memref<32x1024xf32, #tpu.memory_space<hbm>>
    tpu.enqueue_dma source(%dma_start3A_37 : memref<32x1024xf32, #tpu.memory_space<hbm>>) target(%dma_start3A_35 : memref<32x1024xf32, #tpu.memory_space<vmem>>) target_semaphore(%dma_start3A_31 : memref<!tpu.dma_semaphore, #tpu.memory_space<semaphore_mem>>)
    %add3A_38 = arith.constant 0 : i32
    %add3A_39 = arith.addi %mul3A_2, %add3A_38 : i32
    %dma_wait3A = arith.constant 0 : i32
    %dma_wait3A_40 = arith.constant 0 : i32
    %dma_wait3A_41 = arith.constant 0 : i32
    %dma_wait3A_42 = arith.constant 0 : i32
    %dma_wait3A_43 = tpu.memref_slice %arg4[%dma_wait3A, %dma_wait3A_41, %dma_wait3A_42] : memref<2x32x1024xf32, #tpu.memory_space<vmem>> -> memref<1x32x1024xf32, #tpu.memory_space<vmem>>
    %dma_wait3A_44 = tpu.memref_squeeze %dma_wait3A_43 : memref<1x32x1024xf32, #tpu.memory_space<vmem>> -> memref<32x1024xf32, #tpu.memory_space<vmem>>
    %dma_wait3A_45 = arith.constant 0 : i32
    %dma_wait3A_46 = tpu.memref_slice %arg2[%add3A_39, %dma_wait3A_45] : memref<8192x1024xf32, #tpu.memory_space<hbm>> -> memref<32x1024xf32, #tpu.memory_space<hbm>>
    %dma_wait3A_47 = tpu.memref_slice %arg5[%dma_wait3A_40] : memref<2x!tpu.dma_semaphore, #tpu.memory_space<semaphore_mem>> -> memref<1x!tpu.dma_semaphore, #tpu.memory_space<semaphore_mem>>
    %dma_wait3A_48 = tpu.memref_squeeze %dma_wait3A_47 : memref<1x!tpu.dma_semaphore, #tpu.memory_space<semaphore_mem>> -> memref<!tpu.dma_semaphore, #tpu.memory_space<semaphore_mem>>
    %dma_wait3A_49 = arith.constant 0 : i32
    %dma_wait3A_50 = arith.constant 0 : i32
    %dma_wait3A_51 = tpu.memref_slice %arg4[%dma_wait3A, %dma_wait3A_49, %dma_wait3A_50] : memref<2x32x1024xf32, #tpu.memory_space<vmem>> -> memref<1x32x1024xf32, #tpu.memory_space<vmem>>
    %dma_wait3A_52 = tpu.memref_squeeze %dma_wait3A_51 : memref<1x32x1024xf32, #tpu.memory_space<vmem>> -> memref<32x1024xf32, #tpu.memory_space<vmem>>
    %dma_wait3A_53 = arith.constant 0 : i32
    %dma_wait3A_54 = tpu.memref_slice %arg2[%add3A_39, %dma_wait3A_53] : memref<8192x1024xf32, #tpu.memory_space<hbm>> -> memref<32x1024xf32, #tpu.memory_space<hbm>>
    tpu.wait_dma2 semaphore(%dma_wait3A_48 : memref<!tpu.dma_semaphore, #tpu.memory_space<semaphore_mem>>) src(%dma_wait3A_54 : memref<32x1024xf32, #tpu.memory_space<hbm>>) dst(%dma_wait3A_52 : memref<32x1024xf32, #tpu.memory_space<vmem>>)
    %add3A_55 = arith.constant 0 : i32
    %add3A_56 = arith.addi %mul3A_2, %add3A_55 : i32
    %dma_start3A_57 = arith.constant 0 : i32
    %dma_start3A_58 = arith.constant 0 : i32
    %dma_start3A_59 = arith.constant 0 : i32
    %dma_start3A_60 = arith.constant 0 : i32
    %dma_start3A_61 = tpu.memref_slice %arg4[%dma_start3A_57, %dma_start3A_59, %dma_start3A_60] : memref<2x32x1024xf32, #tpu.memory_space<vmem>> -> memref<1x32x1024xf32, #tpu.memory_space<vmem>>
    %dma_start3A_62 = tpu.memref_squeeze %dma_start3A_61 : memref<1x32x1024xf32, #tpu.memory_space<vmem>> -> memref<32x1024xf32, #tpu.memory_space<vmem>>
    %dma_start3A_63 = arith.constant 0 : i32
    %dma_start3A_64 = tpu.memref_slice %arg3[%add3A_56, %dma_start3A_63] : memref<8192x4096xf32, #tpu.memory_space<hbm>> -> memref<32x1024xf32, #tpu.memory_space<hbm>>
    %dma_start3A_65 = tpu.memref_slice %arg6[%dma_start3A_58] : memref<2x!tpu.dma_semaphore, #tpu.memory_space<semaphore_mem>> -> memref<1x!tpu.dma_semaphore, #tpu.memory_space<semaphore_mem>>
    %dma_start3A_66 = tpu.memref_squeeze %dma_start3A_65 : memref<1x!tpu.dma_semaphore, #tpu.memory_space<semaphore_mem>> -> memref<!tpu.dma_semaphore, #tpu.memory_space<semaphore_mem>>
    %dma_start3A_67 = arith.constant 0 : i32
    %dma_start3A_68 = tpu.memref_slice %arg3[%add3A_56, %dma_start3A_67] : memref<8192x4096xf32, #tpu.memory_space<hbm>> -> memref<32x1024xf32, #tpu.memory_space<hbm>>
    %dma_start3A_69 = arith.constant 0 : i32
    %dma_start3A_70 = arith.constant 0 : i32
    %dma_start3A_71 = tpu.memref_slice %arg4[%dma_start3A_57, %dma_start3A_69, %dma_start3A_70] : memref<2x32x1024xf32, #tpu.memory_space<vmem>> -> memref<1x32x1024xf32, #tpu.memory_space<vmem>>
    %dma_start3A_72 = tpu.memref_squeeze %dma_start3A_71 : memref<1x32x1024xf32, #tpu.memory_space<vmem>> -> memref<32x1024xf32, #tpu.memory_space<vmem>>
    tpu.enqueue_dma source(%dma_start3A_72 : memref<32x1024xf32, #tpu.memory_space<vmem>>) target(%dma_start3A_68 : memref<32x1024xf32, #tpu.memory_space<hbm>>) target_semaphore(%dma_start3A_66 : memref<!tpu.dma_semaphore, #tpu.memory_space<semaphore_mem>>)
    %add3A_73 = arith.constant 0 : i32
    %add3A_74 = arith.addi %mul3A_2, %add3A_73 : i32
    %dma_start3A_75 = arith.constant 0 : i32
    %dma_start3A_76 = arith.constant 0 : i32
    %dma_start3A_77 = arith.constant 0 : i32
    %dma_start3A_78 = arith.constant 0 : i32
    %dma_start3A_79 = tpu.memref_slice %arg4[%dma_start3A_75, %dma_start3A_77, %dma_start3A_78] : memref<2x32x1024xf32, #tpu.memory_space<vmem>> -> memref<1x32x1024xf32, #tpu.memory_space<vmem>>
    %dma_start3A_80 = tpu.memref_squeeze %dma_start3A_79 : memref<1x32x1024xf32, #tpu.memory_space<vmem>> -> memref<32x1024xf32, #tpu.memory_space<vmem>>
    %dma_start3A_81 = arith.constant 1024 : i32
    %dma_start3A_82 = tpu.memref_slice %arg3[%add3A_74, %dma_start3A_81] : memref<8192x4096xf32, #tpu.memory_space<hbm>> -> memref<32x1024xf32, #tpu.memory_space<hbm>>
    %dma_start3A_83 = tpu.memref_slice %arg6[%dma_start3A_76] : memref<2x!tpu.dma_semaphore, #tpu.memory_space<semaphore_mem>> -> memref<1x!tpu.dma_semaphore, #tpu.memory_space<semaphore_mem>>
    %dma_start3A_84 = tpu.memref_squeeze %dma_start3A_83 : memref<1x!tpu.dma_semaphore, #tpu.memory_space<semaphore_mem>> -> memref<!tpu.dma_semaphore, #tpu.memory_space<semaphore_mem>>
    %dma_start3A_85 = arith.constant 1024 : i32
    %dma_start3A_86 = tpu.memref_slice %arg3[%add3A_74, %dma_start3A_85] : memref<8192x4096xf32, #tpu.memory_space<hbm>> -> memref<32x1024xf32, #tpu.memory_space<hbm>>
    %dma_start3A_87 = arith.constant 0 : i32
    %dma_start3A_88 = arith.constant 0 : i32
    %dma_start3A_89 = tpu.memref_slice %arg4[%dma_start3A_75, %dma_start3A_87, %dma_start3A_88] : memref<2x32x1024xf32, #tpu.memory_space<vmem>> -> memref<1x32x1024xf32, #tpu.memory_space<vmem>>
    %dma_start3A_90 = tpu.memref_squeeze %dma_start3A_89 : memref<1x32x1024xf32, #tpu.memory_space<vmem>> -> memref<32x1024xf32, #tpu.memory_space<vmem>>
    tpu.enqueue_dma source(%dma_start3A_90 : memref<32x1024xf32, #tpu.memory_space<vmem>>) target(%dma_start3A_86 : memref<32x1024xf32, #tpu.memory_space<hbm>>) target_semaphore(%dma_start3A_84 : memref<!tpu.dma_semaphore, #tpu.memory_space<semaphore_mem>>)
    %add3A_91 = arith.constant 0 : i32
    %add3A_92 = arith.addi %mul3A_2, %add3A_91 : i32
    %dma_start3A_93 = arith.constant 0 : i32
    %dma_start3A_94 = arith.constant 0 : i32
    %dma_start3A_95 = arith.constant 0 : i32
    %dma_start3A_96 = arith.constant 0 : i32
    %dma_start3A_97 = tpu.memref_slice %arg4[%dma_start3A_93, %dma_start3A_95, %dma_start3A_96] : memref<2x32x1024xf32, #tpu.memory_space<vmem>> -> memref<1x32x1024xf32, #tpu.memory_space<vmem>>
    %dma_start3A_98 = tpu.memref_squeeze %dma_start3A_97 : memref<1x32x1024xf32, #tpu.memory_space<vmem>> -> memref<32x1024xf32, #tpu.memory_space<vmem>>
    %dma_start3A_99 = arith.constant 2048 : i32
    %dma_start3A_100 = tpu.memref_slice %arg3[%add3A_92, %dma_start3A_99] : memref<8192x4096xf32, #tpu.memory_space<hbm>> -> memref<32x1024xf32, #tpu.memory_space<hbm>>
    %dma_start3A_101 = tpu.memref_slice %arg6[%dma_start3A_94] : memref<2x!tpu.dma_semaphore, #tpu.memory_space<semaphore_mem>> -> memref<1x!tpu.dma_semaphore, #tpu.memory_space<semaphore_mem>>
    %dma_start3A_102 = tpu.memref_squeeze %dma_start3A_101 : memref<1x!tpu.dma_semaphore, #tpu.memory_space<semaphore_mem>> -> memref<!tpu.dma_semaphore, #tpu.memory_space<semaphore_mem>>
    %dma_start3A_103 = arith.constant 2048 : i32
    %dma_start3A_104 = tpu.memref_slice %arg3[%add3A_92, %dma_start3A_103] : memref<8192x4096xf32, #tpu.memory_space<hbm>> -> memref<32x1024xf32, #tpu.memory_space<hbm>>
    %dma_start3A_105 = arith.constant 0 : i32
    %dma_start3A_106 = arith.constant 0 : i32
    %dma_start3A_107 = tpu.memref_slice %arg4[%dma_start3A_93, %dma_start3A_105, %dma_start3A_106] : memref<2x32x1024xf32, #tpu.memory_space<vmem>> -> memref<1x32x1024xf32, #tpu.memory_space<vmem>>
    %dma_start3A_108 = tpu.memref_squeeze %dma_start3A_107 : memref<1x32x1024xf32, #tpu.memory_space<vmem>> -> memref<32x1024xf32, #tpu.memory_space<vmem>>
    tpu.enqueue_dma source(%dma_start3A_108 : memref<32x1024xf32, #tpu.memory_space<vmem>>) target(%dma_start3A_104 : memref<32x1024xf32, #tpu.memory_space<hbm>>) target_semaphore(%dma_start3A_102 : memref<!tpu.dma_semaphore, #tpu.memory_space<semaphore_mem>>)
    %add3A_109 = arith.constant 0 : i32
    %add3A_110 = arith.addi %mul3A_2, %add3A_109 : i32
    %dma_start3A_111 = arith.constant 0 : i32
    %dma_start3A_112 = arith.constant 0 : i32
    %dma_start3A_113 = arith.constant 0 : i32
    %dma_start3A_114 = arith.constant 0 : i32
    %dma_start3A_115 = tpu.memref_slice %arg4[%dma_start3A_111, %dma_start3A_113, %dma_start3A_114] : memref<2x32x1024xf32, #tpu.memory_space<vmem>> -> memref<1x32x1024xf32, #tpu.memory_space<vmem>>
    %dma_start3A_116 = tpu.memref_squeeze %dma_start3A_115 : memref<1x32x1024xf32, #tpu.memory_space<vmem>> -> memref<32x1024xf32, #tpu.memory_space<vmem>>
    %dma_start3A_117 = arith.constant 3072 : i32
    %dma_start3A_118 = tpu.memref_slice %arg3[%add3A_110, %dma_start3A_117] : memref<8192x4096xf32, #tpu.memory_space<hbm>> -> memref<32x1024xf32, #tpu.memory_space<hbm>>
    %dma_start3A_119 = tpu.memref_slice %arg6[%dma_start3A_112] : memref<2x!tpu.dma_semaphore, #tpu.memory_space<semaphore_mem>> -> memref<1x!tpu.dma_semaphore, #tpu.memory_space<semaphore_mem>>
    %dma_start3A_120 = tpu.memref_squeeze %dma_start3A_119 : memref<1x!tpu.dma_semaphore, #tpu.memory_space<semaphore_mem>> -> memref<!tpu.dma_semaphore, #tpu.memory_space<semaphore_mem>>
    %dma_start3A_121 = arith.constant 3072 : i32
    %dma_start3A_122 = tpu.memref_slice %arg3[%add3A_110, %dma_start3A_121] : memref<8192x4096xf32, #tpu.memory_space<hbm>> -> memref<32x1024xf32, #tpu.memory_space<hbm>>
    %dma_start3A_123 = arith.constant 0 : i32
    %dma_start3A_124 = arith.constant 0 : i32
    %dma_start3A_125 = tpu.memref_slice %arg4[%dma_start3A_111, %dma_start3A_123, %dma_start3A_124] : memref<2x32x1024xf32, #tpu.memory_space<vmem>> -> memref<1x32x1024xf32, #tpu.memory_space<vmem>>
    %dma_start3A_126 = tpu.memref_squeeze %dma_start3A_125 : memref<1x32x1024xf32, #tpu.memory_space<vmem>> -> memref<32x1024xf32, #tpu.memory_space<vmem>>
    tpu.enqueue_dma source(%dma_start3A_126 : memref<32x1024xf32, #tpu.memory_space<vmem>>) target(%dma_start3A_122 : memref<32x1024xf32, #tpu.memory_space<hbm>>) target_semaphore(%dma_start3A_120 : memref<!tpu.dma_semaphore, #tpu.memory_space<semaphore_mem>>)
    %add3A_127 = arith.constant 32 : i32
    %add3A_128 = arith.addi %mul3A_2, %add3A_127 : i32
    %dma_wait3A_129 = arith.constant 1 : i32
    %dma_wait3A_130 = arith.constant 1 : i32
    %dma_wait3A_131 = arith.constant 0 : i32
    %dma_wait3A_132 = arith.constant 0 : i32
    %dma_wait3A_133 = tpu.memref_slice %arg4[%dma_wait3A_129, %dma_wait3A_131, %dma_wait3A_132] : memref<2x32x1024xf32, #tpu.memory_space<vmem>> -> memref<1x32x1024xf32, #tpu.memory_space<vmem>>
    %dma_wait3A_134 = tpu.memref_squeeze %dma_wait3A_133 : memref<1x32x1024xf32, #tpu.memory_space<vmem>> -> memref<32x1024xf32, #tpu.memory_space<vmem>>
    %dma_wait3A_135 = arith.constant 0 : i32
    %dma_wait3A_136 = tpu.memref_slice %arg2[%add3A_128, %dma_wait3A_135] : memref<8192x1024xf32, #tpu.memory_space<hbm>> -> memref<32x1024xf32, #tpu.memory_space<hbm>>
    %dma_wait3A_137 = tpu.memref_slice %arg5[%dma_wait3A_130] : memref<2x!tpu.dma_semaphore, #tpu.memory_space<semaphore_mem>> -> memref<1x!tpu.dma_semaphore, #tpu.memory_space<semaphore_mem>>
    %dma_wait3A_138 = tpu.memref_squeeze %dma_wait3A_137 : memref<1x!tpu.dma_semaphore, #tpu.memory_space<semaphore_mem>> -> memref<!tpu.dma_semaphore, #tpu.memory_space<semaphore_mem>>
    %dma_wait3A_139 = arith.constant 0 : i32
    %dma_wait3A_140 = arith.constant 0 : i32
    %dma_wait3A_141 = tpu.memref_slice %arg4[%dma_wait3A_129, %dma_wait3A_139, %dma_wait3A_140] : memref<2x32x1024xf32, #tpu.memory_space<vmem>> -> memref<1x32x1024xf32, #tpu.memory_space<vmem>>
    %dma_wait3A_142 = tpu.memref_squeeze %dma_wait3A_141 : memref<1x32x1024xf32, #tpu.memory_space<vmem>> -> memref<32x1024xf32, #tpu.memory_space<vmem>>
    %dma_wait3A_143 = arith.constant 0 : i32
    %dma_wait3A_144 = tpu.memref_slice %arg2[%add3A_128, %dma_wait3A_143] : memref<8192x1024xf32, #tpu.memory_space<hbm>> -> memref<32x1024xf32, #tpu.memory_space<hbm>>
    tpu.wait_dma2 semaphore(%dma_wait3A_138 : memref<!tpu.dma_semaphore, #tpu.memory_space<semaphore_mem>>) src(%dma_wait3A_144 : memref<32x1024xf32, #tpu.memory_space<hbm>>) dst(%dma_wait3A_142 : memref<32x1024xf32, #tpu.memory_space<vmem>>)
    %add3A_145 = arith.constant 32 : i32
    %add3A_146 = arith.addi %mul3A_2, %add3A_145 : i32
    %dma_start3A_147 = arith.constant 1 : i32
    %dma_start3A_148 = arith.constant 1 : i32
    %dma_start3A_149 = arith.constant 0 : i32
    %dma_start3A_150 = arith.constant 0 : i32
    %dma_start3A_151 = tpu.memref_slice %arg4[%dma_start3A_147, %dma_start3A_149, %dma_start3A_150] : memref<2x32x1024xf32, #tpu.memory_space<vmem>> -> memref<1x32x1024xf32, #tpu.memory_space<vmem>>
    %dma_start3A_152 = tpu.memref_squeeze %dma_start3A_151 : memref<1x32x1024xf32, #tpu.memory_space<vmem>> -> memref<32x1024xf32, #tpu.memory_space<vmem>>
    %dma_start3A_153 = arith.constant 0 : i32
    %dma_start3A_154 = tpu.memref_slice %arg3[%add3A_146, %dma_start3A_153] : memref<8192x4096xf32, #tpu.memory_space<hbm>> -> memref<32x1024xf32, #tpu.memory_space<hbm>>
    %dma_start3A_155 = tpu.memref_slice %arg6[%dma_start3A_148] : memref<2x!tpu.dma_semaphore, #tpu.memory_space<semaphore_mem>> -> memref<1x!tpu.dma_semaphore, #tpu.memory_space<semaphore_mem>>
    %dma_start3A_156 = tpu.memref_squeeze %dma_start3A_155 : memref<1x!tpu.dma_semaphore, #tpu.memory_space<semaphore_mem>> -> memref<!tpu.dma_semaphore, #tpu.memory_space<semaphore_mem>>
    %dma_start3A_157 = arith.constant 0 : i32
    %dma_start3A_158 = tpu.memref_slice %arg3[%add3A_146, %dma_start3A_157] : memref<8192x4096xf32, #tpu.memory_space<hbm>> -> memref<32x1024xf32, #tpu.memory_space<hbm>>
    %dma_start3A_159 = arith.constant 0 : i32
    %dma_start3A_160 = arith.constant 0 : i32
    %dma_start3A_161 = tpu.memref_slice %arg4[%dma_start3A_147, %dma_start3A_159, %dma_start3A_160] : memref<2x32x1024xf32, #tpu.memory_space<vmem>> -> memref<1x32x1024xf32, #tpu.memory_space<vmem>>
    %dma_start3A_162 = tpu.memref_squeeze %dma_start3A_161 : memref<1x32x1024xf32, #tpu.memory_space<vmem>> -> memref<32x1024xf32, #tpu.memory_space<vmem>>
    tpu.enqueue_dma source(%dma_start3A_162 : memref<32x1024xf32, #tpu.memory_space<vmem>>) target(%dma_start3A_158 : memref<32x1024xf32, #tpu.memory_space<hbm>>) target_semaphore(%dma_start3A_156 : memref<!tpu.dma_semaphore, #tpu.memory_space<semaphore_mem>>)
    %add3A_163 = arith.constant 32 : i32
    %add3A_164 = arith.addi %mul3A_2, %add3A_163 : i32
    %dma_start3A_165 = arith.constant 1 : i32
    %dma_start3A_166 = arith.constant 1 : i32
    %dma_start3A_167 = arith.constant 0 : i32
    %dma_start3A_168 = arith.constant 0 : i32
    %dma_start3A_169 = tpu.memref_slice %arg4[%dma_start3A_165, %dma_start3A_167, %dma_start3A_168] : memref<2x32x1024xf32, #tpu.memory_space<vmem>> -> memref<1x32x1024xf32, #tpu.memory_space<vmem>>
    %dma_start3A_170 = tpu.memref_squeeze %dma_start3A_169 : memref<1x32x1024xf32, #tpu.memory_space<vmem>> -> memref<32x1024xf32, #tpu.memory_space<vmem>>
    %dma_start3A_171 = arith.constant 1024 : i32
    %dma_start3A_172 = tpu.memref_slice %arg3[%add3A_164, %dma_start3A_171] : memref<8192x4096xf32, #tpu.memory_space<hbm>> -> memref<32x1024xf32, #tpu.memory_space<hbm>>
    %dma_start3A_173 = tpu.memref_slice %arg6[%dma_start3A_166] : memref<2x!tpu.dma_semaphore, #tpu.memory_space<semaphore_mem>> -> memref<1x!tpu.dma_semaphore, #tpu.memory_space<semaphore_mem>>
    %dma_start3A_174 = tpu.memref_squeeze %dma_start3A_173 : memref<1x!tpu.dma_semaphore, #tpu.memory_space<semaphore_mem>> -> memref<!tpu.dma_semaphore, #tpu.memory_space<semaphore_mem>>
    %dma_start3A_175 = arith.constant 1024 : i32
    %dma_start3A_176 = tpu.memref_slice %arg3[%add3A_164, %dma_start3A_175] : memref<8192x4096xf32, #tpu.memory_space<hbm>> -> memref<32x1024xf32, #tpu.memory_space<hbm>>
    %dma_start3A_177 = arith.constant 0 : i32
    %dma_start3A_178 = arith.constant 0 : i32
    %dma_start3A_179 = tpu.memref_slice %arg4[%dma_start3A_165, %dma_start3A_177, %dma_start3A_178] : memref<2x32x1024xf32, #tpu.memory_space<vmem>> -> memref<1x32x1024xf32, #tpu.memory_space<vmem>>
    %dma_start3A_180 = tpu.memref_squeeze %dma_start3A_179 : memref<1x32x1024xf32, #tpu.memory_space<vmem>> -> memref<32x1024xf32, #tpu.memory_space<vmem>>
    tpu.enqueue_dma source(%dma_start3A_180 : memref<32x1024xf32, #tpu.memory_space<vmem>>) target(%dma_start3A_176 : memref<32x1024xf32, #tpu.memory_space<hbm>>) target_semaphore(%dma_start3A_174 : memref<!tpu.dma_semaphore, #tpu.memory_space<semaphore_mem>>)
    %add3A_181 = arith.constant 32 : i32
    %add3A_182 = arith.addi %mul3A_2, %add3A_181 : i32
    %dma_start3A_183 = arith.constant 1 : i32
    %dma_start3A_184 = arith.constant 1 : i32
    %dma_start3A_185 = arith.constant 0 : i32
    %dma_start3A_186 = arith.constant 0 : i32
    %dma_start3A_187 = tpu.memref_slice %arg4[%dma_start3A_183, %dma_start3A_185, %dma_start3A_186] : memref<2x32x1024xf32, #tpu.memory_space<vmem>> -> memref<1x32x1024xf32, #tpu.memory_space<vmem>>
    %dma_start3A_188 = tpu.memref_squeeze %dma_start3A_187 : memref<1x32x1024xf32, #tpu.memory_space<vmem>> -> memref<32x1024xf32, #tpu.memory_space<vmem>>
    %dma_start3A_189 = arith.constant 2048 : i32
    %dma_start3A_190 = tpu.memref_slice %arg3[%add3A_182, %dma_start3A_189] : memref<8192x4096xf32, #tpu.memory_space<hbm>> -> memref<32x1024xf32, #tpu.memory_space<hbm>>
    %dma_start3A_191 = tpu.memref_slice %arg6[%dma_start3A_184] : memref<2x!tpu.dma_semaphore, #tpu.memory_space<semaphore_mem>> -> memref<1x!tpu.dma_semaphore, #tpu.memory_space<semaphore_mem>>
    %dma_start3A_192 = tpu.memref_squeeze %dma_start3A_191 : memref<1x!tpu.dma_semaphore, #tpu.memory_space<semaphore_mem>> -> memref<!tpu.dma_semaphore, #tpu.memory_space<semaphore_mem>>
    %dma_start3A_193 = arith.constant 2048 : i32
    %dma_start3A_194 = tpu.memref_slice %arg3[%add3A_182, %dma_start3A_193] : memref<8192x4096xf32, #tpu.memory_space<hbm>> -> memref<32x1024xf32, #tpu.memory_space<hbm>>
    %dma_start3A_195 = arith.constant 0 : i32
    %dma_start3A_196 = arith.constant 0 : i32
    %dma_start3A_197 = tpu.memref_slice %arg4[%dma_start3A_183, %dma_start3A_195, %dma_start3A_196] : memref<2x32x1024xf32, #tpu.memory_space<vmem>> -> memref<1x32x1024xf32, #tpu.memory_space<vmem>>
    %dma_start3A_198 = tpu.memref_squeeze %dma_start3A_197 : memref<1x32x1024xf32, #tpu.memory_space<vmem>> -> memref<32x1024xf32, #tpu.memory_space<vmem>>
    tpu.enqueue_dma source(%dma_start3A_198 : memref<32x1024xf32, #tpu.memory_space<vmem>>) target(%dma_start3A_194 : memref<32x1024xf32, #tpu.memory_space<hbm>>) target_semaphore(%dma_start3A_192 : memref<!tpu.dma_semaphore, #tpu.memory_space<semaphore_mem>>)
    %add3A_199 = arith.constant 32 : i32
    %add3A_200 = arith.addi %mul3A_2, %add3A_199 : i32
    %dma_start3A_201 = arith.constant 1 : i32
    %dma_start3A_202 = arith.constant 1 : i32
    %dma_start3A_203 = arith.constant 0 : i32
    %dma_start3A_204 = arith.constant 0 : i32
    %dma_start3A_205 = tpu.memref_slice %arg4[%dma_start3A_201, %dma_start3A_203, %dma_start3A_204] : memref<2x32x1024xf32, #tpu.memory_space<vmem>> -> memref<1x32x1024xf32, #tpu.memory_space<vmem>>
    %dma_start3A_206 = tpu.memref_squeeze %dma_start3A_205 : memref<1x32x1024xf32, #tpu.memory_space<vmem>> -> memref<32x1024xf32, #tpu.memory_space<vmem>>
    %dma_start3A_207 = arith.constant 3072 : i32
    %dma_start3A_208 = tpu.memref_slice %arg3[%add3A_200, %dma_start3A_207] : memref<8192x4096xf32, #tpu.memory_space<hbm>> -> memref<32x1024xf32, #tpu.memory_space<hbm>>
    %dma_start3A_209 = tpu.memref_slice %arg6[%dma_start3A_202] : memref<2x!tpu.dma_semaphore, #tpu.memory_space<semaphore_mem>> -> memref<1x!tpu.dma_semaphore, #tpu.memory_space<semaphore_mem>>
    %dma_start3A_210 = tpu.memref_squeeze %dma_start3A_209 : memref<1x!tpu.dma_semaphore, #tpu.memory_space<semaphore_mem>> -> memref<!tpu.dma_semaphore, #tpu.memory_space<semaphore_mem>>
    %dma_start3A_211 = arith.constant 3072 : i32
    %dma_start3A_212 = tpu.memref_slice %arg3[%add3A_200, %dma_start3A_211] : memref<8192x4096xf32, #tpu.memory_space<hbm>> -> memref<32x1024xf32, #tpu.memory_space<hbm>>
    %dma_start3A_213 = arith.constant 0 : i32
    %dma_start3A_214 = arith.constant 0 : i32
    %dma_start3A_215 = tpu.memref_slice %arg4[%dma_start3A_201, %dma_start3A_213, %dma_start3A_214] : memref<2x32x1024xf32, #tpu.memory_space<vmem>> -> memref<1x32x1024xf32, #tpu.memory_space<vmem>>
    %dma_start3A_216 = tpu.memref_squeeze %dma_start3A_215 : memref<1x32x1024xf32, #tpu.memory_space<vmem>> -> memref<32x1024xf32, #tpu.memory_space<vmem>>
    tpu.enqueue_dma source(%dma_start3A_216 : memref<32x1024xf32, #tpu.memory_space<vmem>>) target(%dma_start3A_212 : memref<32x1024xf32, #tpu.memory_space<hbm>>) target_semaphore(%dma_start3A_210 : memref<!tpu.dma_semaphore, #tpu.memory_space<semaphore_mem>>)
    %add3A_217 = arith.constant 0 : i32
    %add3A_218 = arith.addi %mul3A_2, %add3A_217 : i32
    %dma_wait3A_219 = arith.constant 0 : i32
    %dma_wait3A_220 = arith.constant 0 : i32
    %dma_wait3A_221 = arith.constant 0 : i32
    %dma_wait3A_222 = arith.constant 0 : i32
    %dma_wait3A_223 = tpu.memref_slice %arg4[%dma_wait3A_219, %dma_wait3A_221, %dma_wait3A_222] : memref<2x32x1024xf32, #tpu.memory_space<vmem>> -> memref<1x32x1024xf32, #tpu.memory_space<vmem>>
    %dma_wait3A_224 = tpu.memref_squeeze %dma_wait3A_223 : memref<1x32x1024xf32, #tpu.memory_space<vmem>> -> memref<32x1024xf32, #tpu.memory_space<vmem>>
    %dma_wait3A_225 = arith.constant 0 : i32
    %dma_wait3A_226 = tpu.memref_slice %arg3[%add3A_218, %dma_wait3A_225] : memref<8192x4096xf32, #tpu.memory_space<hbm>> -> memref<32x1024xf32, #tpu.memory_space<hbm>>
    %dma_wait3A_227 = tpu.memref_slice %arg6[%dma_wait3A_220] : memref<2x!tpu.dma_semaphore, #tpu.memory_space<semaphore_mem>> -> memref<1x!tpu.dma_semaphore, #tpu.memory_space<semaphore_mem>>
    %dma_wait3A_228 = tpu.memref_squeeze %dma_wait3A_227 : memref<1x!tpu.dma_semaphore, #tpu.memory_space<semaphore_mem>> -> memref<!tpu.dma_semaphore, #tpu.memory_space<semaphore_mem>>
    %dma_wait3A_229 = arith.constant 0 : i32
    %dma_wait3A_230 = tpu.memref_slice %arg3[%add3A_218, %dma_wait3A_229] : memref<8192x4096xf32, #tpu.memory_space<hbm>> -> memref<32x1024xf32, #tpu.memory_space<hbm>>
    %dma_wait3A_231 = arith.constant 0 : i32
    %dma_wait3A_232 = arith.constant 0 : i32
    %dma_wait3A_233 = tpu.memref_slice %arg4[%dma_wait3A_219, %dma_wait3A_231, %dma_wait3A_232] : memref<2x32x1024xf32, #tpu.memory_space<vmem>> -> memref<1x32x1024xf32, #tpu.memory_space<vmem>>
    %dma_wait3A_234 = tpu.memref_squeeze %dma_wait3A_233 : memref<1x32x1024xf32, #tpu.memory_space<vmem>> -> memref<32x1024xf32, #tpu.memory_space<vmem>>
    tpu.wait_dma2 semaphore(%dma_wait3A_228 : memref<!tpu.dma_semaphore, #tpu.memory_space<semaphore_mem>>) src(%dma_wait3A_234 : memref<32x1024xf32, #tpu.memory_space<vmem>>) dst(%dma_wait3A_230 : memref<32x1024xf32, #tpu.memory_space<hbm>>)
    %add3A_235 = arith.constant 0 : i32
    %add3A_236 = arith.addi %mul3A_2, %add3A_235 : i32
    %dma_wait3A_237 = arith.constant 0 : i32
    %dma_wait3A_238 = arith.constant 0 : i32
    %dma_wait3A_239 = arith.constant 0 : i32
    %dma_wait3A_240 = arith.constant 0 : i32
    %dma_wait3A_241 = tpu.memref_slice %arg4[%dma_wait3A_237, %dma_wait3A_239, %dma_wait3A_240] : memref<2x32x1024xf32, #tpu.memory_space<vmem>> -> memref<1x32x1024xf32, #tpu.memory_space<vmem>>
    %dma_wait3A_242 = tpu.memref_squeeze %dma_wait3A_241 : memref<1x32x1024xf32, #tpu.memory_space<vmem>> -> memref<32x1024xf32, #tpu.memory_space<vmem>>
    %dma_wait3A_243 = arith.constant 1024 : i32
    %dma_wait3A_244 = tpu.memref_slice %arg3[%add3A_236, %dma_wait3A_243] : memref<8192x4096xf32, #tpu.memory_space<hbm>> -> memref<32x1024xf32, #tpu.memory_space<hbm>>
    %dma_wait3A_245 = tpu.memref_slice %arg6[%dma_wait3A_238] : memref<2x!tpu.dma_semaphore, #tpu.memory_space<semaphore_mem>> -> memref<1x!tpu.dma_semaphore, #tpu.memory_space<semaphore_mem>>
    %dma_wait3A_246 = tpu.memref_squeeze %dma_wait3A_245 : memref<1x!tpu.dma_semaphore, #tpu.memory_space<semaphore_mem>> -> memref<!tpu.dma_semaphore, #tpu.memory_space<semaphore_mem>>
    %dma_wait3A_247 = arith.constant 1024 : i32
    %dma_wait3A_248 = tpu.memref_slice %arg3[%add3A_236, %dma_wait3A_247] : memref<8192x4096xf32, #tpu.memory_space<hbm>> -> memref<32x1024xf32, #tpu.memory_space<hbm>>
    %dma_wait3A_249 = arith.constant 0 : i32
    %dma_wait3A_250 = arith.constant 0 : i32
    %dma_wait3A_251 = tpu.memref_slice %arg4[%dma_wait3A_237, %dma_wait3A_249, %dma_wait3A_250] : memref<2x32x1024xf32, #tpu.memory_space<vmem>> -> memref<1x32x1024xf32, #tpu.memory_space<vmem>>
    %dma_wait3A_252 = tpu.memref_squeeze %dma_wait3A_251 : memref<1x32x1024xf32, #tpu.memory_space<vmem>> -> memref<32x1024xf32, #tpu.memory_space<vmem>>
    tpu.wait_dma2 semaphore(%dma_wait3A_246 : memref<!tpu.dma_semaphore, #tpu.memory_space<semaphore_mem>>) src(%dma_wait3A_252 : memref<32x1024xf32, #tpu.memory_space<vmem>>) dst(%dma_wait3A_248 : memref<32x1024xf32, #tpu.memory_space<hbm>>)
    %add3A_253 = arith.constant 0 : i32
    %add3A_254 = arith.addi %mul3A_2, %add3A_253 : i32
    %dma_wait3A_255 = arith.constant 0 : i32
    %dma_wait3A_256 = arith.constant 0 : i32
    %dma_wait3A_257 = arith.constant 0 : i32
    %dma_wait3A_258 = arith.constant 0 : i32
    %dma_wait3A_259 = tpu.memref_slice %arg4[%dma_wait3A_255, %dma_wait3A_257, %dma_wait3A_258] : memref<2x32x1024xf32, #tpu.memory_space<vmem>> -> memref<1x32x1024xf32, #tpu.memory_space<vmem>>
    %dma_wait3A_260 = tpu.memref_squeeze %dma_wait3A_259 : memref<1x32x1024xf32, #tpu.memory_space<vmem>> -> memref<32x1024xf32, #tpu.memory_space<vmem>>
    %dma_wait3A_261 = arith.constant 2048 : i32
    %dma_wait3A_262 = tpu.memref_slice %arg3[%add3A_254, %dma_wait3A_261] : memref<8192x4096xf32, #tpu.memory_space<hbm>> -> memref<32x1024xf32, #tpu.memory_space<hbm>>
    %dma_wait3A_263 = tpu.memref_slice %arg6[%dma_wait3A_256] : memref<2x!tpu.dma_semaphore, #tpu.memory_space<semaphore_mem>> -> memref<1x!tpu.dma_semaphore, #tpu.memory_space<semaphore_mem>>
    %dma_wait3A_264 = tpu.memref_squeeze %dma_wait3A_263 : memref<1x!tpu.dma_semaphore, #tpu.memory_space<semaphore_mem>> -> memref<!tpu.dma_semaphore, #tpu.memory_space<semaphore_mem>>
    %dma_wait3A_265 = arith.constant 2048 : i32
    %dma_wait3A_266 = tpu.memref_slice %arg3[%add3A_254, %dma_wait3A_265] : memref<8192x4096xf32, #tpu.memory_space<hbm>> -> memref<32x1024xf32, #tpu.memory_space<hbm>>
    %dma_wait3A_267 = arith.constant 0 : i32
    %dma_wait3A_268 = arith.constant 0 : i32
    %dma_wait3A_269 = tpu.memref_slice %arg4[%dma_wait3A_255, %dma_wait3A_267, %dma_wait3A_268] : memref<2x32x1024xf32, #tpu.memory_space<vmem>> -> memref<1x32x1024xf32, #tpu.memory_space<vmem>>
    %dma_wait3A_270 = tpu.memref_squeeze %dma_wait3A_269 : memref<1x32x1024xf32, #tpu.memory_space<vmem>> -> memref<32x1024xf32, #tpu.memory_space<vmem>>
    tpu.wait_dma2 semaphore(%dma_wait3A_264 : memref<!tpu.dma_semaphore, #tpu.memory_space<semaphore_mem>>) src(%dma_wait3A_270 : memref<32x1024xf32, #tpu.memory_space<vmem>>) dst(%dma_wait3A_266 : memref<32x1024xf32, #tpu.memory_space<hbm>>)
    %add3A_271 = arith.constant 0 : i32
    %add3A_272 = arith.addi %mul3A_2, %add3A_271 : i32
    %dma_wait3A_273 = arith.constant 0 : i32
    %dma_wait3A_274 = arith.constant 0 : i32
    %dma_wait3A_275 = arith.constant 0 : i32
    %dma_wait3A_276 = arith.constant 0 : i32
    %dma_wait3A_277 = tpu.memref_slice %arg4[%dma_wait3A_273, %dma_wait3A_275, %dma_wait3A_276] : memref<2x32x1024xf32, #tpu.memory_space<vmem>> -> memref<1x32x1024xf32, #tpu.memory_space<vmem>>
    %dma_wait3A_278 = tpu.memref_squeeze %dma_wait3A_277 : memref<1x32x1024xf32, #tpu.memory_space<vmem>> -> memref<32x1024xf32, #tpu.memory_space<vmem>>
    %dma_wait3A_279 = arith.constant 3072 : i32
    %dma_wait3A_280 = tpu.memref_slice %arg3[%add3A_272, %dma_wait3A_279] : memref<8192x4096xf32, #tpu.memory_space<hbm>> -> memref<32x1024xf32, #tpu.memory_space<hbm>>
    %dma_wait3A_281 = tpu.memref_slice %arg6[%dma_wait3A_274] : memref<2x!tpu.dma_semaphore, #tpu.memory_space<semaphore_mem>> -> memref<1x!tpu.dma_semaphore, #tpu.memory_space<semaphore_mem>>
    %dma_wait3A_282 = tpu.memref_squeeze %dma_wait3A_281 : memref<1x!tpu.dma_semaphore, #tpu.memory_space<semaphore_mem>> -> memref<!tpu.dma_semaphore, #tpu.memory_space<semaphore_mem>>
    %dma_wait3A_283 = arith.constant 3072 : i32
    %dma_wait3A_284 = tpu.memref_slice %arg3[%add3A_272, %dma_wait3A_283] : memref<8192x4096xf32, #tpu.memory_space<hbm>> -> memref<32x1024xf32, #tpu.memory_space<hbm>>
    %dma_wait3A_285 = arith.constant 0 : i32
    %dma_wait3A_286 = arith.constant 0 : i32
    %dma_wait3A_287 = tpu.memref_slice %arg4[%dma_wait3A_273, %dma_wait3A_285, %dma_wait3A_286] : memref<2x32x1024xf32, #tpu.memory_space<vmem>> -> memref<1x32x1024xf32, #tpu.memory_space<vmem>>
    %dma_wait3A_288 = tpu.memref_squeeze %dma_wait3A_287 : memref<1x32x1024xf32, #tpu.memory_space<vmem>> -> memref<32x1024xf32, #tpu.memory_space<vmem>>
    tpu.wait_dma2 semaphore(%dma_wait3A_282 : memref<!tpu.dma_semaphore, #tpu.memory_space<semaphore_mem>>) src(%dma_wait3A_288 : memref<32x1024xf32, #tpu.memory_space<vmem>>) dst(%dma_wait3A_284 : memref<32x1024xf32, #tpu.memory_space<hbm>>)
    %add3A_289 = arith.constant 64 : i32
    %add3A_290 = arith.addi %mul3A_2, %add3A_289 : i32
    %dma_start3A_291 = arith.constant 0 : i32
    %dma_start3A_292 = arith.constant 0 : i32
    %dma_start3A_293 = arith.constant 0 : i32
    %dma_start3A_294 = arith.constant 0 : i32
    %dma_start3A_295 = tpu.memref_slice %arg4[%dma_start3A_291, %dma_start3A_293, %dma_start3A_294] : memref<2x32x1024xf32, #tpu.memory_space<vmem>> -> memref<1x32x1024xf32, #tpu.memory_space<vmem>>
    %dma_start3A_296 = tpu.memref_squeeze %dma_start3A_295 : memref<1x32x1024xf32, #tpu.memory_space<vmem>> -> memref<32x1024xf32, #tpu.memory_space<vmem>>
    %dma_start3A_297 = arith.constant 0 : i32
    %dma_start3A_298 = tpu.memref_slice %arg2[%add3A_290, %dma_start3A_297] : memref<8192x1024xf32, #tpu.memory_space<hbm>> -> memref<32x1024xf32, #tpu.memory_space<hbm>>
    %dma_start3A_299 = tpu.memref_slice %arg5[%dma_start3A_292] : memref<2x!tpu.dma_semaphore, #tpu.memory_space<semaphore_mem>> -> memref<1x!tpu.dma_semaphore, #tpu.memory_space<semaphore_mem>>
    %dma_start3A_300 = tpu.memref_squeeze %dma_start3A_299 : memref<1x!tpu.dma_semaphore, #tpu.memory_space<semaphore_mem>> -> memref<!tpu.dma_semaphore, #tpu.memory_space<semaphore_mem>>
    %dma_start3A_301 = arith.constant 0 : i32
    %dma_start3A_302 = arith.constant 0 : i32
    %dma_start3A_303 = tpu.memref_slice %arg4[%dma_start3A_291, %dma_start3A_301, %dma_start3A_302] : memref<2x32x1024xf32, #tpu.memory_space<vmem>> -> memref<1x32x1024xf32, #tpu.memory_space<vmem>>
    %dma_start3A_304 = tpu.memref_squeeze %dma_start3A_303 : memref<1x32x1024xf32, #tpu.memory_space<vmem>> -> memref<32x1024xf32, #tpu.memory_space<vmem>>
    %dma_start3A_305 = arith.constant 0 : i32
    %dma_start3A_306 = tpu.memref_slice %arg2[%add3A_290, %dma_start3A_305] : memref<8192x1024xf32, #tpu.memory_space<hbm>> -> memref<32x1024xf32, #tpu.memory_space<hbm>>
    tpu.enqueue_dma source(%dma_start3A_306 : memref<32x1024xf32, #tpu.memory_space<hbm>>) target(%dma_start3A_304 : memref<32x1024xf32, #tpu.memory_space<vmem>>) target_semaphore(%dma_start3A_300 : memref<!tpu.dma_semaphore, #tpu.memory_space<semaphore_mem>>)
    %add3A_307 = arith.constant 64 : i32
    %add3A_308 = arith.addi %mul3A_2, %add3A_307 : i32
    %dma_wait3A_309 = arith.constant 0 : i32
    %dma_wait3A_310 = arith.constant 0 : i32
    %dma_wait3A_311 = arith.constant 0 : i32
    %dma_wait3A_312 = arith.constant 0 : i32
    %dma_wait3A_313 = tpu.memref_slice %arg4[%dma_wait3A_309, %dma_wait3A_311, %dma_wait3A_312] : memref<2x32x1024xf32, #tpu.memory_space<vmem>> -> memref<1x32x1024xf32, #tpu.memory_space<vmem>>
    %dma_wait3A_314 = tpu.memref_squeeze %dma_wait3A_313 : memref<1x32x1024xf32, #tpu.memory_space<vmem>> -> memref<32x1024xf32, #tpu.memory_space<vmem>>
    %dma_wait3A_315 = arith.constant 0 : i32
    %dma_wait3A_316 = tpu.memref_slice %arg2[%add3A_308, %dma_wait3A_315] : memref<8192x1024xf32, #tpu.memory_space<hbm>> -> memref<32x1024xf32, #tpu.memory_space<hbm>>
    %dma_wait3A_317 = tpu.memref_slice %arg5[%dma_wait3A_310] : memref<2x!tpu.dma_semaphore, #tpu.memory_space<semaphore_mem>> -> memref<1x!tpu.dma_semaphore, #tpu.memory_space<semaphore_mem>>
    %dma_wait3A_318 = tpu.memref_squeeze %dma_wait3A_317 : memref<1x!tpu.dma_semaphore, #tpu.memory_space<semaphore_mem>> -> memref<!tpu.dma_semaphore, #tpu.memory_space<semaphore_mem>>
    %dma_wait3A_319 = arith.constant 0 : i32
    %dma_wait3A_320 = arith.constant 0 : i32
    %dma_wait3A_321 = tpu.memref_slice %arg4[%dma_wait3A_309, %dma_wait3A_319, %dma_wait3A_320] : memref<2x32x1024xf32, #tpu.memory_space<vmem>> -> memref<1x32x1024xf32, #tpu.memory_space<vmem>>
    %dma_wait3A_322 = tpu.memref_squeeze %dma_wait3A_321 : memref<1x32x1024xf32, #tpu.memory_space<vmem>> -> memref<32x1024xf32, #tpu.memory_space<vmem>>
    %dma_wait3A_323 = arith.constant 0 : i32
    %dma_wait3A_324 = tpu.memref_slice %arg2[%add3A_308, %dma_wait3A_323] : memref<8192x1024xf32, #tpu.memory_space<hbm>> -> memref<32x1024xf32, #tpu.memory_space<hbm>>
    tpu.wait_dma2 semaphore(%dma_wait3A_318 : memref<!tpu.dma_semaphore, #tpu.memory_space<semaphore_mem>>) src(%dma_wait3A_324 : memref<32x1024xf32, #tpu.memory_space<hbm>>) dst(%dma_wait3A_322 : memref<32x1024xf32, #tpu.memory_space<vmem>>)
    %add3A_325 = arith.constant 64 : i32
    %add3A_326 = arith.addi %mul3A_2, %add3A_325 : i32
    %dma_start3A_327 = arith.constant 0 : i32
    %dma_start3A_328 = arith.constant 0 : i32
    %dma_start3A_329 = arith.constant 0 : i32
    %dma_start3A_330 = arith.constant 0 : i32
    %dma_start3A_331 = tpu.memref_slice %arg4[%dma_start3A_327, %dma_start3A_329, %dma_start3A_330] : memref<2x32x1024xf32, #tpu.memory_space<vmem>> -> memref<1x32x1024xf32, #tpu.memory_space<vmem>>
    %dma_start3A_332 = tpu.memref_squeeze %dma_start3A_331 : memref<1x32x1024xf32, #tpu.memory_space<vmem>> -> memref<32x1024xf32, #tpu.memory_space<vmem>>
    %dma_start3A_333 = arith.constant 0 : i32
    %dma_start3A_334 = tpu.memref_slice %arg3[%add3A_326, %dma_start3A_333] : memref<8192x4096xf32, #tpu.memory_space<hbm>> -> memref<32x1024xf32, #tpu.memory_space<hbm>>
    %dma_start3A_335 = tpu.memref_slice %arg6[%dma_start3A_328] : memref<2x!tpu.dma_semaphore, #tpu.memory_space<semaphore_mem>> -> memref<1x!tpu.dma_semaphore, #tpu.memory_space<semaphore_mem>>
    %dma_start3A_336 = tpu.memref_squeeze %dma_start3A_335 : memref<1x!tpu.dma_semaphore, #tpu.memory_space<semaphore_mem>> -> memref<!tpu.dma_semaphore, #tpu.memory_space<semaphore_mem>>
    %dma_start3A_337 = arith.constant 0 : i32
    %dma_start3A_338 = tpu.memref_slice %arg3[%add3A_326, %dma_start3A_337] : memref<8192x4096xf32, #tpu.memory_space<hbm>> -> memref<32x1024xf32, #tpu.memory_space<hbm>>
    %dma_start3A_339 = arith.constant 0 : i32
    %dma_start3A_340 = arith.constant 0 : i32
    %dma_start3A_341 = tpu.memref_slice %arg4[%dma_start3A_327, %dma_start3A_339, %dma_start3A_340] : memref<2x32x1024xf32, #tpu.memory_space<vmem>> -> memref<1x32x1024xf32, #tpu.memory_space<vmem>>
    %dma_start3A_342 = tpu.memref_squeeze %dma_start3A_341 : memref<1x32x1024xf32, #tpu.memory_space<vmem>> -> memref<32x1024xf32, #tpu.memory_space<vmem>>
    tpu.enqueue_dma source(%dma_start3A_342 : memref<32x1024xf32, #tpu.memory_space<vmem>>) target(%dma_start3A_338 : memref<32x1024xf32, #tpu.memory_space<hbm>>) target_semaphore(%dma_start3A_336 : memref<!tpu.dma_semaphore, #tpu.memory_space<semaphore_mem>>)
    %add3A_343 = arith.constant 64 : i32
    %add3A_344 = arith.addi %mul3A_2, %add3A_343 : i32
    %dma_start3A_345 = arith.constant 0 : i32
    %dma_start3A_346 = arith.constant 0 : i32
    %dma_start3A_347 = arith.constant 0 : i32
    %dma_start3A_348 = arith.constant 0 : i32
    %dma_start3A_349 = tpu.memref_slice %arg4[%dma_start3A_345, %dma_start3A_347, %dma_start3A_348] : memref<2x32x1024xf32, #tpu.memory_space<vmem>> -> memref<1x32x1024xf32, #tpu.memory_space<vmem>>
    %dma_start3A_350 = tpu.memref_squeeze %dma_start3A_349 : memref<1x32x1024xf32, #tpu.memory_space<vmem>> -> memref<32x1024xf32, #tpu.memory_space<vmem>>
    %dma_start3A_351 = arith.constant 1024 : i32
    %dma_start3A_352 = tpu.memref_slice %arg3[%add3A_344, %dma_start3A_351] : memref<8192x4096xf32, #tpu.memory_space<hbm>> -> memref<32x1024xf32, #tpu.memory_space<hbm>>
    %dma_start3A_353 = tpu.memref_slice %arg6[%dma_start3A_346] : memref<2x!tpu.dma_semaphore, #tpu.memory_space<semaphore_mem>> -> memref<1x!tpu.dma_semaphore, #tpu.memory_space<semaphore_mem>>
    %dma_start3A_354 = tpu.memref_squeeze %dma_start3A_353 : memref<1x!tpu.dma_semaphore, #tpu.memory_space<semaphore_mem>> -> memref<!tpu.dma_semaphore, #tpu.memory_space<semaphore_mem>>
    %dma_start3A_355 = arith.constant 1024 : i32
    %dma_start3A_356 = tpu.memref_slice %arg3[%add3A_344, %dma_start3A_355] : memref<8192x4096xf32, #tpu.memory_space<hbm>> -> memref<32x1024xf32, #tpu.memory_space<hbm>>
    %dma_start3A_357 = arith.constant 0 : i32
    %dma_start3A_358 = arith.constant 0 : i32
    %dma_start3A_359 = tpu.memref_slice %arg4[%dma_start3A_345, %dma_start3A_357, %dma_start3A_358] : memref<2x32x1024xf32, #tpu.memory_space<vmem>> -> memref<1x32x1024xf32, #tpu.memory_space<vmem>>
    %dma_start3A_360 = tpu.memref_squeeze %dma_start3A_359 : memref<1x32x1024xf32, #tpu.memory_space<vmem>> -> memref<32x1024xf32, #tpu.memory_space<vmem>>
    tpu.enqueue_dma source(%dma_start3A_360 : memref<32x1024xf32, #tpu.memory_space<vmem>>) target(%dma_start3A_356 : memref<32x1024xf32, #tpu.memory_space<hbm>>) target_semaphore(%dma_start3A_354 : memref<!tpu.dma_semaphore, #tpu.memory_space<semaphore_mem>>)
    %add3A_361 = arith.constant 64 : i32
    %add3A_362 = arith.addi %mul3A_2, %add3A_361 : i32
    %dma_start3A_363 = arith.constant 0 : i32
    %dma_start3A_364 = arith.constant 0 : i32
    %dma_start3A_365 = arith.constant 0 : i32
    %dma_start3A_366 = arith.constant 0 : i32
    %dma_start3A_367 = tpu.memref_slice %arg4[%dma_start3A_363, %dma_start3A_365, %dma_start3A_366] : memref<2x32x1024xf32, #tpu.memory_space<vmem>> -> memref<1x32x1024xf32, #tpu.memory_space<vmem>>
    %dma_start3A_368 = tpu.memref_squeeze %dma_start3A_367 : memref<1x32x1024xf32, #tpu.memory_space<vmem>> -> memref<32x1024xf32, #tpu.memory_space<vmem>>
    %dma_start3A_369 = arith.constant 2048 : i32
    %dma_start3A_370 = tpu.memref_slice %arg3[%add3A_362, %dma_start3A_369] : memref<8192x4096xf32, #tpu.memory_space<hbm>> -> memref<32x1024xf32, #tpu.memory_space<hbm>>
    %dma_start3A_371 = tpu.memref_slice %arg6[%dma_start3A_364] : memref<2x!tpu.dma_semaphore, #tpu.memory_space<semaphore_mem>> -> memref<1x!tpu.dma_semaphore, #tpu.memory_space<semaphore_mem>>
    %dma_start3A_372 = tpu.memref_squeeze %dma_start3A_371 : memref<1x!tpu.dma_semaphore, #tpu.memory_space<semaphore_mem>> -> memref<!tpu.dma_semaphore, #tpu.memory_space<semaphore_mem>>
    %dma_start3A_373 = arith.constant 2048 : i32
    %dma_start3A_374 = tpu.memref_slice %arg3[%add3A_362, %dma_start3A_373] : memref<8192x4096xf32, #tpu.memory_space<hbm>> -> memref<32x1024xf32, #tpu.memory_space<hbm>>
    %dma_start3A_375 = arith.constant 0 : i32
    %dma_start3A_376 = arith.constant 0 : i32
    %dma_start3A_377 = tpu.memref_slice %arg4[%dma_start3A_363, %dma_start3A_375, %dma_start3A_376] : memref<2x32x1024xf32, #tpu.memory_space<vmem>> -> memref<1x32x1024xf32, #tpu.memory_space<vmem>>
    %dma_start3A_378 = tpu.memref_squeeze %dma_start3A_377 : memref<1x32x1024xf32, #tpu.memory_space<vmem>> -> memref<32x1024xf32, #tpu.memory_space<vmem>>
    tpu.enqueue_dma source(%dma_start3A_378 : memref<32x1024xf32, #tpu.memory_space<vmem>>) target(%dma_start3A_374 : memref<32x1024xf32, #tpu.memory_space<hbm>>) target_semaphore(%dma_start3A_372 : memref<!tpu.dma_semaphore, #tpu.memory_space<semaphore_mem>>)
    %add3A_379 = arith.constant 64 : i32
    %add3A_380 = arith.addi %mul3A_2, %add3A_379 : i32
    %dma_start3A_381 = arith.constant 0 : i32
    %dma_start3A_382 = arith.constant 0 : i32
    %dma_start3A_383 = arith.constant 0 : i32
    %dma_start3A_384 = arith.constant 0 : i32
    %dma_start3A_385 = tpu.memref_slice %arg4[%dma_start3A_381, %dma_start3A_383, %dma_start3A_384] : memref<2x32x1024xf32, #tpu.memory_space<vmem>> -> memref<1x32x1024xf32, #tpu.memory_space<vmem>>
    %dma_start3A_386 = tpu.memref_squeeze %dma_start3A_385 : memref<1x32x1024xf32, #tpu.memory_space<vmem>> -> memref<32x1024xf32, #tpu.memory_space<vmem>>
    %dma_start3A_387 = arith.constant 3072 : i32
    %dma_start3A_388 = tpu.memref_slice %arg3[%add3A_380, %dma_start3A_387] : memref<8192x4096xf32, #tpu.memory_space<hbm>> -> memref<32x1024xf32, #tpu.memory_space<hbm>>
    %dma_start3A_389 = tpu.memref_slice %arg6[%dma_start3A_382] : memref<2x!tpu.dma_semaphore, #tpu.memory_space<semaphore_mem>> -> memref<1x!tpu.dma_semaphore, #tpu.memory_space<semaphore_mem>>
    %dma_start3A_390 = tpu.memref_squeeze %dma_start3A_389 : memref<1x!tpu.dma_semaphore, #tpu.memory_space<semaphore_mem>> -> memref<!tpu.dma_semaphore, #tpu.memory_space<semaphore_mem>>
    %dma_start3A_391 = arith.constant 3072 : i32
    %dma_start3A_392 = tpu.memref_slice %arg3[%add3A_380, %dma_start3A_391] : memref<8192x4096xf32, #tpu.memory_space<hbm>> -> memref<32x1024xf32, #tpu.memory_space<hbm>>
    %dma_start3A_393 = arith.constant 0 : i32
    %dma_start3A_394 = arith.constant 0 : i32
    %dma_start3A_395 = tpu.memref_slice %arg4[%dma_start3A_381, %dma_start3A_393, %dma_start3A_394] : memref<2x32x1024xf32, #tpu.memory_space<vmem>> -> memref<1x32x1024xf32, #tpu.memory_space<vmem>>
    %dma_start3A_396 = tpu.memref_squeeze %dma_start3A_395 : memref<1x32x1024xf32, #tpu.memory_space<vmem>> -> memref<32x1024xf32, #tpu.memory_space<vmem>>
    tpu.enqueue_dma source(%dma_start3A_396 : memref<32x1024xf32, #tpu.memory_space<vmem>>) target(%dma_start3A_392 : memref<32x1024xf32, #tpu.memory_space<hbm>>) target_semaphore(%dma_start3A_390 : memref<!tpu.dma_semaphore, #tpu.memory_space<semaphore_mem>>)
    %add3A_397 = arith.constant 32 : i32
    %add3A_398 = arith.addi %mul3A_2, %add3A_397 : i32
    %dma_wait3A_399 = arith.constant 1 : i32
    %dma_wait3A_400 = arith.constant 1 : i32
    %dma_wait3A_401 = arith.constant 0 : i32
    %dma_wait3A_402 = arith.constant 0 : i32
    %dma_wait3A_403 = tpu.memref_slice %arg4[%dma_wait3A_399, %dma_wait3A_401, %dma_wait3A_402] : memref<2x32x1024xf32, #tpu.memory_space<vmem>> -> memref<1x32x1024xf32, #tpu.memory_space<vmem>>
    %dma_wait3A_404 = tpu.memref_squeeze %dma_wait3A_403 : memref<1x32x1024xf32, #tpu.memory_space<vmem>> -> memref<32x1024xf32, #tpu.memory_space<vmem>>
    %dma_wait3A_405 = arith.constant 0 : i32
    %dma_wait3A_406 = tpu.memref_slice %arg3[%add3A_398, %dma_wait3A_405] : memref<8192x4096xf32, #tpu.memory_space<hbm>> -> memref<32x1024xf32, #tpu.memory_space<hbm>>
    %dma_wait3A_407 = tpu.memref_slice %arg6[%dma_wait3A_400] : memref<2x!tpu.dma_semaphore, #tpu.memory_space<semaphore_mem>> -> memref<1x!tpu.dma_semaphore, #tpu.memory_space<semaphore_mem>>
    %dma_wait3A_408 = tpu.memref_squeeze %dma_wait3A_407 : memref<1x!tpu.dma_semaphore, #tpu.memory_space<semaphore_mem>> -> memref<!tpu.dma_semaphore, #tpu.memory_space<semaphore_mem>>
    %dma_wait3A_409 = arith.constant 0 : i32
    %dma_wait3A_410 = tpu.memref_slice %arg3[%add3A_398, %dma_wait3A_409] : memref<8192x4096xf32, #tpu.memory_space<hbm>> -> memref<32x1024xf32, #tpu.memory_space<hbm>>
    %dma_wait3A_411 = arith.constant 0 : i32
    %dma_wait3A_412 = arith.constant 0 : i32
    %dma_wait3A_413 = tpu.memref_slice %arg4[%dma_wait3A_399, %dma_wait3A_411, %dma_wait3A_412] : memref<2x32x1024xf32, #tpu.memory_space<vmem>> -> memref<1x32x1024xf32, #tpu.memory_space<vmem>>
    %dma_wait3A_414 = tpu.memref_squeeze %dma_wait3A_413 : memref<1x32x1024xf32, #tpu.memory_space<vmem>> -> memref<32x1024xf32, #tpu.memory_space<vmem>>
    tpu.wait_dma2 semaphore(%dma_wait3A_408 : memref<!tpu.dma_semaphore, #tpu.memory_space<semaphore_mem>>) src(%dma_wait3A_414 : memref<32x1024xf32, #tpu.memory_space<vmem>>) dst(%dma_wait3A_410 : memref<32x1024xf32, #tpu.memory_space<hbm>>)
    %add3A_415 = arith.constant 32 : i32
    %add3A_416 = arith.addi %mul3A_2, %add3A_415 : i32
    %dma_wait3A_417 = arith.constant 1 : i32
    %dma_wait3A_418 = arith.constant 1 : i32
    %dma_wait3A_419 = arith.constant 0 : i32
    %dma_wait3A_420 = arith.constant 0 : i32
    %dma_wait3A_421 = tpu.memref_slice %arg4[%dma_wait3A_417, %dma_wait3A_419, %dma_wait3A_420] : memref<2x32x1024xf32, #tpu.memory_space<vmem>> -> memref<1x32x1024xf32, #tpu.memory_space<vmem>>
    %dma_wait3A_422 = tpu.memref_squeeze %dma_wait3A_421 : memref<1x32x1024xf32, #tpu.memory_space<vmem>> -> memref<32x1024xf32, #tpu.memory_space<vmem>>
    %dma_wait3A_423 = arith.constant 1024 : i32
    %dma_wait3A_424 = tpu.memref_slice %arg3[%add3A_416, %dma_wait3A_423] : memref<8192x4096xf32, #tpu.memory_space<hbm>> -> memref<32x1024xf32, #tpu.memory_space<hbm>>
    %dma_wait3A_425 = tpu.memref_slice %arg6[%dma_wait3A_418] : memref<2x!tpu.dma_semaphore, #tpu.memory_space<semaphore_mem>> -> memref<1x!tpu.dma_semaphore, #tpu.memory_space<semaphore_mem>>
    %dma_wait3A_426 = tpu.memref_squeeze %dma_wait3A_425 : memref<1x!tpu.dma_semaphore, #tpu.memory_space<semaphore_mem>> -> memref<!tpu.dma_semaphore, #tpu.memory_space<semaphore_mem>>
    %dma_wait3A_427 = arith.constant 1024 : i32
    %dma_wait3A_428 = tpu.memref_slice %arg3[%add3A_416, %dma_wait3A_427] : memref<8192x4096xf32, #tpu.memory_space<hbm>> -> memref<32x1024xf32, #tpu.memory_space<hbm>>
    %dma_wait3A_429 = arith.constant 0 : i32
    %dma_wait3A_430 = arith.constant 0 : i32
    %dma_wait3A_431 = tpu.memref_slice %arg4[%dma_wait3A_417, %dma_wait3A_429, %dma_wait3A_430] : memref<2x32x1024xf32, #tpu.memory_space<vmem>> -> memref<1x32x1024xf32, #tpu.memory_space<vmem>>
    %dma_wait3A_432 = tpu.memref_squeeze %dma_wait3A_431 : memref<1x32x1024xf32, #tpu.memory_space<vmem>> -> memref<32x1024xf32, #tpu.memory_space<vmem>>
    tpu.wait_dma2 semaphore(%dma_wait3A_426 : memref<!tpu.dma_semaphore, #tpu.memory_space<semaphore_mem>>) src(%dma_wait3A_432 : memref<32x1024xf32, #tpu.memory_space<vmem>>) dst(%dma_wait3A_428 : memref<32x1024xf32, #tpu.memory_space<hbm>>)
    %add3A_433 = arith.constant 32 : i32
    %add3A_434 = arith.addi %mul3A_2, %add3A_433 : i32
    %dma_wait3A_435 = arith.constant 1 : i32
    %dma_wait3A_436 = arith.constant 1 : i32
    %dma_wait3A_437 = arith.constant 0 : i32
    %dma_wait3A_438 = arith.constant 0 : i32
    %dma_wait3A_439 = tpu.memref_slice %arg4[%dma_wait3A_435, %dma_wait3A_437, %dma_wait3A_438] : memref<2x32x1024xf32, #tpu.memory_space<vmem>> -> memref<1x32x1024xf32, #tpu.memory_space<vmem>>
    %dma_wait3A_440 = tpu.memref_squeeze %dma_wait3A_439 : memref<1x32x1024xf32, #tpu.memory_space<vmem>> -> memref<32x1024xf32, #tpu.memory_space<vmem>>
    %dma_wait3A_441 = arith.constant 2048 : i32
    %dma_wait3A_442 = tpu.memref_slice %arg3[%add3A_434, %dma_wait3A_441] : memref<8192x4096xf32, #tpu.memory_space<hbm>> -> memref<32x1024xf32, #tpu.memory_space<hbm>>
    %dma_wait3A_443 = tpu.memref_slice %arg6[%dma_wait3A_436] : memref<2x!tpu.dma_semaphore, #tpu.memory_space<semaphore_mem>> -> memref<1x!tpu.dma_semaphore, #tpu.memory_space<semaphore_mem>>
    %dma_wait3A_444 = tpu.memref_squeeze %dma_wait3A_443 : memref<1x!tpu.dma_semaphore, #tpu.memory_space<semaphore_mem>> -> memref<!tpu.dma_semaphore, #tpu.memory_space<semaphore_mem>>
    %dma_wait3A_445 = arith.constant 2048 : i32
    %dma_wait3A_446 = tpu.memref_slice %arg3[%add3A_434, %dma_wait3A_445] : memref<8192x4096xf32, #tpu.memory_space<hbm>> -> memref<32x1024xf32, #tpu.memory_space<hbm>>
    %dma_wait3A_447 = arith.constant 0 : i32
    %dma_wait3A_448 = arith.constant 0 : i32
    %dma_wait3A_449 = tpu.memref_slice %arg4[%dma_wait3A_435, %dma_wait3A_447, %dma_wait3A_448] : memref<2x32x1024xf32, #tpu.memory_space<vmem>> -> memref<1x32x1024xf32, #tpu.memory_space<vmem>>
    %dma_wait3A_450 = tpu.memref_squeeze %dma_wait3A_449 : memref<1x32x1024xf32, #tpu.memory_space<vmem>> -> memref<32x1024xf32, #tpu.memory_space<vmem>>
    tpu.wait_dma2 semaphore(%dma_wait3A_444 : memref<!tpu.dma_semaphore, #tpu.memory_space<semaphore_mem>>) src(%dma_wait3A_450 : memref<32x1024xf32, #tpu.memory_space<vmem>>) dst(%dma_wait3A_446 : memref<32x1024xf32, #tpu.memory_space<hbm>>)
    %add3A_451 = arith.constant 32 : i32
    %add3A_452 = arith.addi %mul3A_2, %add3A_451 : i32
    %dma_wait3A_453 = arith.constant 1 : i32
    %dma_wait3A_454 = arith.constant 1 : i32
    %dma_wait3A_455 = arith.constant 0 : i32
    %dma_wait3A_456 = arith.constant 0 : i32
    %dma_wait3A_457 = tpu.memref_slice %arg4[%dma_wait3A_453, %dma_wait3A_455, %dma_wait3A_456] : memref<2x32x1024xf32, #tpu.memory_space<vmem>> -> memref<1x32x1024xf32, #tpu.memory_space<vmem>>
    %dma_wait3A_458 = tpu.memref_squeeze %dma_wait3A_457 : memref<1x32x1024xf32, #tpu.memory_space<vmem>> -> memref<32x1024xf32, #tpu.memory_space<vmem>>
    %dma_wait3A_459 = arith.constant 3072 : i32
    %dma_wait3A_460 = tpu.memref_slice %arg3[%add3A_452, %dma_wait3A_459] : memref<8192x4096xf32, #tpu.memory_space<hbm>> -> memref<32x1024xf32, #tpu.memory_space<hbm>>
    %dma_wait3A_461 = tpu.memref_slice %arg6[%dma_wait3A_454] : memref<2x!tpu.dma_semaphore, #tpu.memory_space<semaphore_mem>> -> memref<1x!tpu.dma_semaphore, #tpu.memory_space<semaphore_mem>>
    %dma_wait3A_462 = tpu.memref_squeeze %dma_wait3A_461 : memref<1x!tpu.dma_semaphore, #tpu.memory_space<semaphore_mem>> -> memref<!tpu.dma_semaphore, #tpu.memory_space<semaphore_mem>>
    %dma_wait3A_463 = arith.constant 3072 : i32
    %dma_wait3A_464 = tpu.memref_slice %arg3[%add3A_452, %dma_wait3A_463] : memref<8192x4096xf32, #tpu.memory_space<hbm>> -> memref<32x1024xf32, #tpu.memory_space<hbm>>
    %dma_wait3A_465 = arith.constant 0 : i32
    %dma_wait3A_466 = arith.constant 0 : i32
    %dma_wait3A_467 = tpu.memref_slice %arg4[%dma_wait3A_453, %dma_wait3A_465, %dma_wait3A_466] : memref<2x32x1024xf32, #tpu.memory_space<vmem>> -> memref<1x32x1024xf32, #tpu.memory_space<vmem>>
    %dma_wait3A_468 = tpu.memref_squeeze %dma_wait3A_467 : memref<1x32x1024xf32, #tpu.memory_space<vmem>> -> memref<32x1024xf32, #tpu.memory_space<vmem>>
    tpu.wait_dma2 semaphore(%dma_wait3A_462 : memref<!tpu.dma_semaphore, #tpu.memory_space<semaphore_mem>>) src(%dma_wait3A_468 : memref<32x1024xf32, #tpu.memory_space<vmem>>) dst(%dma_wait3A_464 : memref<32x1024xf32, #tpu.memory_space<hbm>>)
    %add3A_469 = arith.constant 96 : i32
    %add3A_470 = arith.addi %mul3A_2, %add3A_469 : i32
    %dma_start3A_471 = arith.constant 1 : i32
    %dma_start3A_472 = arith.constant 1 : i32
    %dma_start3A_473 = arith.constant 0 : i32
    %dma_start3A_474 = arith.constant 0 : i32
    %dma_start3A_475 = tpu.memref_slice %arg4[%dma_start3A_471, %dma_start3A_473, %dma_start3A_474] : memref<2x32x1024xf32, #tpu.memory_space<vmem>> -> memref<1x32x1024xf32, #tpu.memory_space<vmem>>
    %dma_start3A_476 = tpu.memref_squeeze %dma_start3A_475 : memref<1x32x1024xf32, #tpu.memory_space<vmem>> -> memref<32x1024xf32, #tpu.memory_space<vmem>>
    %dma_start3A_477 = arith.constant 0 : i32
    %dma_start3A_478 = tpu.memref_slice %arg2[%add3A_470, %dma_start3A_477] : memref<8192x1024xf32, #tpu.memory_space<hbm>> -> memref<32x1024xf32, #tpu.memory_space<hbm>>
    %dma_start3A_479 = tpu.memref_slice %arg5[%dma_start3A_472] : memref<2x!tpu.dma_semaphore, #tpu.memory_space<semaphore_mem>> -> memref<1x!tpu.dma_semaphore, #tpu.memory_space<semaphore_mem>>
    %dma_start3A_480 = tpu.memref_squeeze %dma_start3A_479 : memref<1x!tpu.dma_semaphore, #tpu.memory_space<semaphore_mem>> -> memref<!tpu.dma_semaphore, #tpu.memory_space<semaphore_mem>>
    %dma_start3A_481 = arith.constant 0 : i32
    %dma_start3A_482 = arith.constant 0 : i32
    %dma_start3A_483 = tpu.memref_slice %arg4[%dma_start3A_471, %dma_start3A_481, %dma_start3A_482] : memref<2x32x1024xf32, #tpu.memory_space<vmem>> -> memref<1x32x1024xf32, #tpu.memory_space<vmem>>
    %dma_start3A_484 = tpu.memref_squeeze %dma_start3A_483 : memref<1x32x1024xf32, #tpu.memory_space<vmem>> -> memref<32x1024xf32, #tpu.memory_space<vmem>>
    %dma_start3A_485 = arith.constant 0 : i32
    %dma_start3A_486 = tpu.memref_slice %arg2[%add3A_470, %dma_start3A_485] : memref<8192x1024xf32, #tpu.memory_space<hbm>> -> memref<32x1024xf32, #tpu.memory_space<hbm>>
    tpu.enqueue_dma source(%dma_start3A_486 : memref<32x1024xf32, #tpu.memory_space<hbm>>) target(%dma_start3A_484 : memref<32x1024xf32, #tpu.memory_space<vmem>>) target_semaphore(%dma_start3A_480 : memref<!tpu.dma_semaphore, #tpu.memory_space<semaphore_mem>>)
    %add3A_487 = arith.constant 96 : i32
    %add3A_488 = arith.addi %mul3A_2, %add3A_487 : i32
    %dma_wait3A_489 = arith.constant 1 : i32
    %dma_wait3A_490 = arith.constant 1 : i32
    %dma_wait3A_491 = arith.constant 0 : i32
    %dma_wait3A_492 = arith.constant 0 : i32
    %dma_wait3A_493 = tpu.memref_slice %arg4[%dma_wait3A_489, %dma_wait3A_491, %dma_wait3A_492] : memref<2x32x1024xf32, #tpu.memory_space<vmem>> -> memref<1x32x1024xf32, #tpu.memory_space<vmem>>
    %dma_wait3A_494 = tpu.memref_squeeze %dma_wait3A_493 : memref<1x32x1024xf32, #tpu.memory_space<vmem>> -> memref<32x1024xf32, #tpu.memory_space<vmem>>
    %dma_wait3A_495 = arith.constant 0 : i32
    %dma_wait3A_496 = tpu.memref_slice %arg2[%add3A_488, %dma_wait3A_495] : memref<8192x1024xf32, #tpu.memory_space<hbm>> -> memref<32x1024xf32, #tpu.memory_space<hbm>>
    %dma_wait3A_497 = tpu.memref_slice %arg5[%dma_wait3A_490] : memref<2x!tpu.dma_semaphore, #tpu.memory_space<semaphore_mem>> -> memref<1x!tpu.dma_semaphore, #tpu.memory_space<semaphore_mem>>
    %dma_wait3A_498 = tpu.memref_squeeze %dma_wait3A_497 : memref<1x!tpu.dma_semaphore, #tpu.memory_space<semaphore_mem>> -> memref<!tpu.dma_semaphore, #tpu.memory_space<semaphore_mem>>
    %dma_wait3A_499 = arith.constant 0 : i32
    %dma_wait3A_500 = arith.constant 0 : i32
    %dma_wait3A_501 = tpu.memref_slice %arg4[%dma_wait3A_489, %dma_wait3A_499, %dma_wait3A_500] : memref<2x32x1024xf32, #tpu.memory_space<vmem>> -> memref<1x32x1024xf32, #tpu.memory_space<vmem>>
    %dma_wait3A_502 = tpu.memref_squeeze %dma_wait3A_501 : memref<1x32x1024xf32, #tpu.memory_space<vmem>> -> memref<32x1024xf32, #tpu.memory_space<vmem>>
    %dma_wait3A_503 = arith.constant 0 : i32
    %dma_wait3A_504 = tpu.memref_slice %arg2[%add3A_488, %dma_wait3A_503] : memref<8192x1024xf32, #tpu.memory_space<hbm>> -> memref<32x1024xf32, #tpu.memory_space<hbm>>
    tpu.wait_dma2 semaphore(%dma_wait3A_498 : memref<!tpu.dma_semaphore, #tpu.memory_space<semaphore_mem>>) src(%dma_wait3A_504 : memref<32x1024xf32, #tpu.memory_space<hbm>>) dst(%dma_wait3A_502 : memref<32x1024xf32, #tpu.memory_space<vmem>>)
    %add3A_505 = arith.constant 96 : i32
    %add3A_506 = arith.addi %mul3A_2, %add3A_505 : i32
    %dma_start3A_507 = arith.constant 1 : i32
    %dma_start3A_508 = arith.constant 1 : i32
    %dma_start3A_509 = arith.constant 0 : i32
    %dma_start3A_510 = arith.constant 0 : i32
    %dma_start3A_511 = tpu.memref_slice %arg4[%dma_start3A_507, %dma_start3A_509, %dma_start3A_510] : memref<2x32x1024xf32, #tpu.memory_space<vmem>> -> memref<1x32x1024xf32, #tpu.memory_space<vmem>>
    %dma_start3A_512 = tpu.memref_squeeze %dma_start3A_511 : memref<1x32x1024xf32, #tpu.memory_space<vmem>> -> memref<32x1024xf32, #tpu.memory_space<vmem>>
    %dma_start3A_513 = arith.constant 0 : i32
    %dma_start3A_514 = tpu.memref_slice %arg3[%add3A_506, %dma_start3A_513] : memref<8192x4096xf32, #tpu.memory_space<hbm>> -> memref<32x1024xf32, #tpu.memory_space<hbm>>
    %dma_start3A_515 = tpu.memref_slice %arg6[%dma_start3A_508] : memref<2x!tpu.dma_semaphore, #tpu.memory_space<semaphore_mem>> -> memref<1x!tpu.dma_semaphore, #tpu.memory_space<semaphore_mem>>
    %dma_start3A_516 = tpu.memref_squeeze %dma_start3A_515 : memref<1x!tpu.dma_semaphore, #tpu.memory_space<semaphore_mem>> -> memref<!tpu.dma_semaphore, #tpu.memory_space<semaphore_mem>>
    %dma_start3A_517 = arith.constant 0 : i32
    %dma_start3A_518 = tpu.memref_slice %arg3[%add3A_506, %dma_start3A_517] : memref<8192x4096xf32, #tpu.memory_space<hbm>> -> memref<32x1024xf32, #tpu.memory_space<hbm>>
    %dma_start3A_519 = arith.constant 0 : i32
    %dma_start3A_520 = arith.constant 0 : i32
    %dma_start3A_521 = tpu.memref_slice %arg4[%dma_start3A_507, %dma_start3A_519, %dma_start3A_520] : memref<2x32x1024xf32, #tpu.memory_space<vmem>> -> memref<1x32x1024xf32, #tpu.memory_space<vmem>>
    %dma_start3A_522 = tpu.memref_squeeze %dma_start3A_521 : memref<1x32x1024xf32, #tpu.memory_space<vmem>> -> memref<32x1024xf32, #tpu.memory_space<vmem>>
    tpu.enqueue_dma source(%dma_start3A_522 : memref<32x1024xf32, #tpu.memory_space<vmem>>) target(%dma_start3A_518 : memref<32x1024xf32, #tpu.memory_space<hbm>>) target_semaphore(%dma_start3A_516 : memref<!tpu.dma_semaphore, #tpu.memory_space<semaphore_mem>>)
    %add3A_523 = arith.constant 96 : i32
    %add3A_524 = arith.addi %mul3A_2, %add3A_523 : i32
    %dma_start3A_525 = arith.constant 1 : i32
    %dma_start3A_526 = arith.constant 1 : i32
    %dma_start3A_527 = arith.constant 0 : i32
    %dma_start3A_528 = arith.constant 0 : i32
    %dma_start3A_529 = tpu.memref_slice %arg4[%dma_start3A_525, %dma_start3A_527, %dma_start3A_528] : memref<2x32x1024xf32, #tpu.memory_space<vmem>> -> memref<1x32x1024xf32, #tpu.memory_space<vmem>>
    %dma_start3A_530 = tpu.memref_squeeze %dma_start3A_529 : memref<1x32x1024xf32, #tpu.memory_space<vmem>> -> memref<32x1024xf32, #tpu.memory_space<vmem>>
    %dma_start3A_531 = arith.constant 1024 : i32
    %dma_start3A_532 = tpu.memref_slice %arg3[%add3A_524, %dma_start3A_531] : memref<8192x4096xf32, #tpu.memory_space<hbm>> -> memref<32x1024xf32, #tpu.memory_space<hbm>>
    %dma_start3A_533 = tpu.memref_slice %arg6[%dma_start3A_526] : memref<2x!tpu.dma_semaphore, #tpu.memory_space<semaphore_mem>> -> memref<1x!tpu.dma_semaphore, #tpu.memory_space<semaphore_mem>>
    %dma_start3A_534 = tpu.memref_squeeze %dma_start3A_533 : memref<1x!tpu.dma_semaphore, #tpu.memory_space<semaphore_mem>> -> memref<!tpu.dma_semaphore, #tpu.memory_space<semaphore_mem>>
    %dma_start3A_535 = arith.constant 1024 : i32
    %dma_start3A_536 = tpu.memref_slice %arg3[%add3A_524, %dma_start3A_535] : memref<8192x4096xf32, #tpu.memory_space<hbm>> -> memref<32x1024xf32, #tpu.memory_space<hbm>>
    %dma_start3A_537 = arith.constant 0 : i32
    %dma_start3A_538 = arith.constant 0 : i32
    %dma_start3A_539 = tpu.memref_slice %arg4[%dma_start3A_525, %dma_start3A_537, %dma_start3A_538] : memref<2x32x1024xf32, #tpu.memory_space<vmem>> -> memref<1x32x1024xf32, #tpu.memory_space<vmem>>
    %dma_start3A_540 = tpu.memref_squeeze %dma_start3A_539 : memref<1x32x1024xf32, #tpu.memory_space<vmem>> -> memref<32x1024xf32, #tpu.memory_space<vmem>>
    tpu.enqueue_dma source(%dma_start3A_540 : memref<32x1024xf32, #tpu.memory_space<vmem>>) target(%dma_start3A_536 : memref<32x1024xf32, #tpu.memory_space<hbm>>) target_semaphore(%dma_start3A_534 : memref<!tpu.dma_semaphore, #tpu.memory_space<semaphore_mem>>)
    %add3A_541 = arith.constant 96 : i32
    %add3A_542 = arith.addi %mul3A_2, %add3A_541 : i32
    %dma_start3A_543 = arith.constant 1 : i32
    %dma_start3A_544 = arith.constant 1 : i32
    %dma_start3A_545 = arith.constant 0 : i32
    %dma_start3A_546 = arith.constant 0 : i32
    %dma_start3A_547 = tpu.memref_slice %arg4[%dma_start3A_543, %dma_start3A_545, %dma_start3A_546] : memref<2x32x1024xf32, #tpu.memory_space<vmem>> -> memref<1x32x1024xf32, #tpu.memory_space<vmem>>
    %dma_start3A_548 = tpu.memref_squeeze %dma_start3A_547 : memref<1x32x1024xf32, #tpu.memory_space<vmem>> -> memref<32x1024xf32, #tpu.memory_space<vmem>>
    %dma_start3A_549 = arith.constant 2048 : i32
    %dma_start3A_550 = tpu.memref_slice %arg3[%add3A_542, %dma_start3A_549] : memref<8192x4096xf32, #tpu.memory_space<hbm>> -> memref<32x1024xf32, #tpu.memory_space<hbm>>
    %dma_start3A_551 = tpu.memref_slice %arg6[%dma_start3A_544] : memref<2x!tpu.dma_semaphore, #tpu.memory_space<semaphore_mem>> -> memref<1x!tpu.dma_semaphore, #tpu.memory_space<semaphore_mem>>
    %dma_start3A_552 = tpu.memref_squeeze %dma_start3A_551 : memref<1x!tpu.dma_semaphore, #tpu.memory_space<semaphore_mem>> -> memref<!tpu.dma_semaphore, #tpu.memory_space<semaphore_mem>>
    %dma_start3A_553 = arith.constant 2048 : i32
    %dma_start3A_554 = tpu.memref_slice %arg3[%add3A_542, %dma_start3A_553] : memref<8192x4096xf32, #tpu.memory_space<hbm>> -> memref<32x1024xf32, #tpu.memory_space<hbm>>
    %dma_start3A_555 = arith.constant 0 : i32
    %dma_start3A_556 = arith.constant 0 : i32
    %dma_start3A_557 = tpu.memref_slice %arg4[%dma_start3A_543, %dma_start3A_555, %dma_start3A_556] : memref<2x32x1024xf32, #tpu.memory_space<vmem>> -> memref<1x32x1024xf32, #tpu.memory_space<vmem>>
    %dma_start3A_558 = tpu.memref_squeeze %dma_start3A_557 : memref<1x32x1024xf32, #tpu.memory_space<vmem>> -> memref<32x1024xf32, #tpu.memory_space<vmem>>
    tpu.enqueue_dma source(%dma_start3A_558 : memref<32x1024xf32, #tpu.memory_space<vmem>>) target(%dma_start3A_554 : memref<32x1024xf32, #tpu.memory_space<hbm>>) target_semaphore(%dma_start3A_552 : memref<!tpu.dma_semaphore, #tpu.memory_space<semaphore_mem>>)
    %add3A_559 = arith.constant 96 : i32
    %add3A_560 = arith.addi %mul3A_2, %add3A_559 : i32
    %dma_start3A_561 = arith.constant 1 : i32
    %dma_start3A_562 = arith.constant 1 : i32
    %dma_start3A_563 = arith.constant 0 : i32
    %dma_start3A_564 = arith.constant 0 : i32
    %dma_start3A_565 = tpu.memref_slice %arg4[%dma_start3A_561, %dma_start3A_563, %dma_start3A_564] : memref<2x32x1024xf32, #tpu.memory_space<vmem>> -> memref<1x32x1024xf32, #tpu.memory_space<vmem>>
    %dma_start3A_566 = tpu.memref_squeeze %dma_start3A_565 : memref<1x32x1024xf32, #tpu.memory_space<vmem>> -> memref<32x1024xf32, #tpu.memory_space<vmem>>
    %dma_start3A_567 = arith.constant 3072 : i32
    %dma_start3A_568 = tpu.memref_slice %arg3[%add3A_560, %dma_start3A_567] : memref<8192x4096xf32, #tpu.memory_space<hbm>> -> memref<32x1024xf32, #tpu.memory_space<hbm>>
    %dma_start3A_569 = tpu.memref_slice %arg6[%dma_start3A_562] : memref<2x!tpu.dma_semaphore, #tpu.memory_space<semaphore_mem>> -> memref<1x!tpu.dma_semaphore, #tpu.memory_space<semaphore_mem>>
    %dma_start3A_570 = tpu.memref_squeeze %dma_start3A_569 : memref<1x!tpu.dma_semaphore, #tpu.memory_space<semaphore_mem>> -> memref<!tpu.dma_semaphore, #tpu.memory_space<semaphore_mem>>
    %dma_start3A_571 = arith.constant 3072 : i32
    %dma_start3A_572 = tpu.memref_slice %arg3[%add3A_560, %dma_start3A_571] : memref<8192x4096xf32, #tpu.memory_space<hbm>> -> memref<32x1024xf32, #tpu.memory_space<hbm>>
    %dma_start3A_573 = arith.constant 0 : i32
    %dma_start3A_574 = arith.constant 0 : i32
    %dma_start3A_575 = tpu.memref_slice %arg4[%dma_start3A_561, %dma_start3A_573, %dma_start3A_574] : memref<2x32x1024xf32, #tpu.memory_space<vmem>> -> memref<1x32x1024xf32, #tpu.memory_space<vmem>>
    %dma_start3A_576 = tpu.memref_squeeze %dma_start3A_575 : memref<1x32x1024xf32, #tpu.memory_space<vmem>> -> memref<32x1024xf32, #tpu.memory_space<vmem>>
    tpu.enqueue_dma source(%dma_start3A_576 : memref<32x1024xf32, #tpu.memory_space<vmem>>) target(%dma_start3A_572 : memref<32x1024xf32, #tpu.memory_space<hbm>>) target_semaphore(%dma_start3A_570 : memref<!tpu.dma_semaphore, #tpu.memory_space<semaphore_mem>>)
    %add3A_577 = arith.constant 64 : i32
    %add3A_578 = arith.addi %mul3A_2, %add3A_577 : i32
    %dma_wait3A_579 = arith.constant 0 : i32
    %dma_wait3A_580 = arith.constant 0 : i32
    %dma_wait3A_581 = arith.constant 0 : i32
    %dma_wait3A_582 = arith.constant 0 : i32
    %dma_wait3A_583 = tpu.memref_slice %arg4[%dma_wait3A_579, %dma_wait3A_581, %dma_wait3A_582] : memref<2x32x1024xf32, #tpu.memory_space<vmem>> -> memref<1x32x1024xf32, #tpu.memory_space<vmem>>
    %dma_wait3A_584 = tpu.memref_squeeze %dma_wait3A_583 : memref<1x32x1024xf32, #tpu.memory_space<vmem>> -> memref<32x1024xf32, #tpu.memory_space<vmem>>
    %dma_wait3A_585 = arith.constant 0 : i32
    %dma_wait3A_586 = tpu.memref_slice %arg3[%add3A_578, %dma_wait3A_585] : memref<8192x4096xf32, #tpu.memory_space<hbm>> -> memref<32x1024xf32, #tpu.memory_space<hbm>>
    %dma_wait3A_587 = tpu.memref_slice %arg6[%dma_wait3A_580] : memref<2x!tpu.dma_semaphore, #tpu.memory_space<semaphore_mem>> -> memref<1x!tpu.dma_semaphore, #tpu.memory_space<semaphore_mem>>
    %dma_wait3A_588 = tpu.memref_squeeze %dma_wait3A_587 : memref<1x!tpu.dma_semaphore, #tpu.memory_space<semaphore_mem>> -> memref<!tpu.dma_semaphore, #tpu.memory_space<semaphore_mem>>
    %dma_wait3A_589 = arith.constant 0 : i32
    %dma_wait3A_590 = tpu.memref_slice %arg3[%add3A_578, %dma_wait3A_589] : memref<8192x4096xf32, #tpu.memory_space<hbm>> -> memref<32x1024xf32, #tpu.memory_space<hbm>>
    %dma_wait3A_591 = arith.constant 0 : i32
    %dma_wait3A_592 = arith.constant 0 : i32
    %dma_wait3A_593 = tpu.memref_slice %arg4[%dma_wait3A_579, %dma_wait3A_591, %dma_wait3A_592] : memref<2x32x1024xf32, #tpu.memory_space<vmem>> -> memref<1x32x1024xf32, #tpu.memory_space<vmem>>
    %dma_wait3A_594 = tpu.memref_squeeze %dma_wait3A_593 : memref<1x32x1024xf32, #tpu.memory_space<vmem>> -> memref<32x1024xf32, #tpu.memory_space<vmem>>
    tpu.wait_dma2 semaphore(%dma_wait3A_588 : memref<!tpu.dma_semaphore, #tpu.memory_space<semaphore_mem>>) src(%dma_wait3A_594 : memref<32x1024xf32, #tpu.memory_space<vmem>>) dst(%dma_wait3A_590 : memref<32x1024xf32, #tpu.memory_space<hbm>>)
    %add3A_595 = arith.constant 64 : i32
    %add3A_596 = arith.addi %mul3A_2, %add3A_595 : i32
    %dma_wait3A_597 = arith.constant 0 : i32
    %dma_wait3A_598 = arith.constant 0 : i32
    %dma_wait3A_599 = arith.constant 0 : i32
    %dma_wait3A_600 = arith.constant 0 : i32
    %dma_wait3A_601 = tpu.memref_slice %arg4[%dma_wait3A_597, %dma_wait3A_599, %dma_wait3A_600] : memref<2x32x1024xf32, #tpu.memory_space<vmem>> -> memref<1x32x1024xf32, #tpu.memory_space<vmem>>
    %dma_wait3A_602 = tpu.memref_squeeze %dma_wait3A_601 : memref<1x32x1024xf32, #tpu.memory_space<vmem>> -> memref<32x1024xf32, #tpu.memory_space<vmem>>
    %dma_wait3A_603 = arith.constant 1024 : i32
    %dma_wait3A_604 = tpu.memref_slice %arg3[%add3A_596, %dma_wait3A_603] : memref<8192x4096xf32, #tpu.memory_space<hbm>> -> memref<32x1024xf32, #tpu.memory_space<hbm>>
    %dma_wait3A_605 = tpu.memref_slice %arg6[%dma_wait3A_598] : memref<2x!tpu.dma_semaphore, #tpu.memory_space<semaphore_mem>> -> memref<1x!tpu.dma_semaphore, #tpu.memory_space<semaphore_mem>>
    %dma_wait3A_606 = tpu.memref_squeeze %dma_wait3A_605 : memref<1x!tpu.dma_semaphore, #tpu.memory_space<semaphore_mem>> -> memref<!tpu.dma_semaphore, #tpu.memory_space<semaphore_mem>>
    %dma_wait3A_607 = arith.constant 1024 : i32
    %dma_wait3A_608 = tpu.memref_slice %arg3[%add3A_596, %dma_wait3A_607] : memref<8192x4096xf32, #tpu.memory_space<hbm>> -> memref<32x1024xf32, #tpu.memory_space<hbm>>
    %dma_wait3A_609 = arith.constant 0 : i32
    %dma_wait3A_610 = arith.constant 0 : i32
    %dma_wait3A_611 = tpu.memref_slice %arg4[%dma_wait3A_597, %dma_wait3A_609, %dma_wait3A_610] : memref<2x32x1024xf32, #tpu.memory_space<vmem>> -> memref<1x32x1024xf32, #tpu.memory_space<vmem>>
    %dma_wait3A_612 = tpu.memref_squeeze %dma_wait3A_611 : memref<1x32x1024xf32, #tpu.memory_space<vmem>> -> memref<32x1024xf32, #tpu.memory_space<vmem>>
    tpu.wait_dma2 semaphore(%dma_wait3A_606 : memref<!tpu.dma_semaphore, #tpu.memory_space<semaphore_mem>>) src(%dma_wait3A_612 : memref<32x1024xf32, #tpu.memory_space<vmem>>) dst(%dma_wait3A_608 : memref<32x1024xf32, #tpu.memory_space<hbm>>)
    %add3A_613 = arith.constant 64 : i32
    %add3A_614 = arith.addi %mul3A_2, %add3A_613 : i32
    %dma_wait3A_615 = arith.constant 0 : i32
    %dma_wait3A_616 = arith.constant 0 : i32
    %dma_wait3A_617 = arith.constant 0 : i32
    %dma_wait3A_618 = arith.constant 0 : i32
    %dma_wait3A_619 = tpu.memref_slice %arg4[%dma_wait3A_615, %dma_wait3A_617, %dma_wait3A_618] : memref<2x32x1024xf32, #tpu.memory_space<vmem>> -> memref<1x32x1024xf32, #tpu.memory_space<vmem>>
    %dma_wait3A_620 = tpu.memref_squeeze %dma_wait3A_619 : memref<1x32x1024xf32, #tpu.memory_space<vmem>> -> memref<32x1024xf32, #tpu.memory_space<vmem>>
    %dma_wait3A_621 = arith.constant 2048 : i32
    %dma_wait3A_622 = tpu.memref_slice %arg3[%add3A_614, %dma_wait3A_621] : memref<8192x4096xf32, #tpu.memory_space<hbm>> -> memref<32x1024xf32, #tpu.memory_space<hbm>>
    %dma_wait3A_623 = tpu.memref_slice %arg6[%dma_wait3A_616] : memref<2x!tpu.dma_semaphore, #tpu.memory_space<semaphore_mem>> -> memref<1x!tpu.dma_semaphore, #tpu.memory_space<semaphore_mem>>
    %dma_wait3A_624 = tpu.memref_squeeze %dma_wait3A_623 : memref<1x!tpu.dma_semaphore, #tpu.memory_space<semaphore_mem>> -> memref<!tpu.dma_semaphore, #tpu.memory_space<semaphore_mem>>
    %dma_wait3A_625 = arith.constant 2048 : i32
    %dma_wait3A_626 = tpu.memref_slice %arg3[%add3A_614, %dma_wait3A_625] : memref<8192x4096xf32, #tpu.memory_space<hbm>> -> memref<32x1024xf32, #tpu.memory_space<hbm>>
    %dma_wait3A_627 = arith.constant 0 : i32
    %dma_wait3A_628 = arith.constant 0 : i32
    %dma_wait3A_629 = tpu.memref_slice %arg4[%dma_wait3A_615, %dma_wait3A_627, %dma_wait3A_628] : memref<2x32x1024xf32, #tpu.memory_space<vmem>> -> memref<1x32x1024xf32, #tpu.memory_space<vmem>>
    %dma_wait3A_630 = tpu.memref_squeeze %dma_wait3A_629 : memref<1x32x1024xf32, #tpu.memory_space<vmem>> -> memref<32x1024xf32, #tpu.memory_space<vmem>>
    tpu.wait_dma2 semaphore(%dma_wait3A_624 : memref<!tpu.dma_semaphore, #tpu.memory_space<semaphore_mem>>) src(%dma_wait3A_630 : memref<32x1024xf32, #tpu.memory_space<vmem>>) dst(%dma_wait3A_626 : memref<32x1024xf32, #tpu.memory_space<hbm>>)
    %add3A_631 = arith.constant 64 : i32
    %add3A_632 = arith.addi %mul3A_2, %add3A_631 : i32
    %dma_wait3A_633 = arith.constant 0 : i32
    %dma_wait3A_634 = arith.constant 0 : i32
    %dma_wait3A_635 = arith.constant 0 : i32
    %dma_wait3A_636 = arith.constant 0 : i32
    %dma_wait3A_637 = tpu.memref_slice %arg4[%dma_wait3A_633, %dma_wait3A_635, %dma_wait3A_636] : memref<2x32x1024xf32, #tpu.memory_space<vmem>> -> memref<1x32x1024xf32, #tpu.memory_space<vmem>>
    %dma_wait3A_638 = tpu.memref_squeeze %dma_wait3A_637 : memref<1x32x1024xf32, #tpu.memory_space<vmem>> -> memref<32x1024xf32, #tpu.memory_space<vmem>>
    %dma_wait3A_639 = arith.constant 3072 : i32
    %dma_wait3A_640 = tpu.memref_slice %arg3[%add3A_632, %dma_wait3A_639] : memref<8192x4096xf32, #tpu.memory_space<hbm>> -> memref<32x1024xf32, #tpu.memory_space<hbm>>
    %dma_wait3A_641 = tpu.memref_slice %arg6[%dma_wait3A_634] : memref<2x!tpu.dma_semaphore, #tpu.memory_space<semaphore_mem>> -> memref<1x!tpu.dma_semaphore, #tpu.memory_space<semaphore_mem>>
    %dma_wait3A_642 = tpu.memref_squeeze %dma_wait3A_641 : memref<1x!tpu.dma_semaphore, #tpu.memory_space<semaphore_mem>> -> memref<!tpu.dma_semaphore, #tpu.memory_space<semaphore_mem>>
    %dma_wait3A_643 = arith.constant 3072 : i32
    %dma_wait3A_644 = tpu.memref_slice %arg3[%add3A_632, %dma_wait3A_643] : memref<8192x4096xf32, #tpu.memory_space<hbm>> -> memref<32x1024xf32, #tpu.memory_space<hbm>>
    %dma_wait3A_645 = arith.constant 0 : i32
    %dma_wait3A_646 = arith.constant 0 : i32
    %dma_wait3A_647 = tpu.memref_slice %arg4[%dma_wait3A_633, %dma_wait3A_645, %dma_wait3A_646] : memref<2x32x1024xf32, #tpu.memory_space<vmem>> -> memref<1x32x1024xf32, #tpu.memory_space<vmem>>
    %dma_wait3A_648 = tpu.memref_squeeze %dma_wait3A_647 : memref<1x32x1024xf32, #tpu.memory_space<vmem>> -> memref<32x1024xf32, #tpu.memory_space<vmem>>
    tpu.wait_dma2 semaphore(%dma_wait3A_642 : memref<!tpu.dma_semaphore, #tpu.memory_space<semaphore_mem>>) src(%dma_wait3A_648 : memref<32x1024xf32, #tpu.memory_space<vmem>>) dst(%dma_wait3A_644 : memref<32x1024xf32, #tpu.memory_space<hbm>>)
    %add3A_649 = arith.constant 128 : i32
    %add3A_650 = arith.addi %mul3A_2, %add3A_649 : i32
    %dma_start3A_651 = arith.constant 0 : i32
    %dma_start3A_652 = arith.constant 0 : i32
    %dma_start3A_653 = arith.constant 0 : i32
    %dma_start3A_654 = arith.constant 0 : i32
    %dma_start3A_655 = tpu.memref_slice %arg4[%dma_start3A_651, %dma_start3A_653, %dma_start3A_654] : memref<2x32x1024xf32, #tpu.memory_space<vmem>> -> memref<1x32x1024xf32, #tpu.memory_space<vmem>>
    %dma_start3A_656 = tpu.memref_squeeze %dma_start3A_655 : memref<1x32x1024xf32, #tpu.memory_space<vmem>> -> memref<32x1024xf32, #tpu.memory_space<vmem>>
    %dma_start3A_657 = arith.constant 0 : i32
    %dma_start3A_658 = tpu.memref_slice %arg2[%add3A_650, %dma_start3A_657] : memref<8192x1024xf32, #tpu.memory_space<hbm>> -> memref<32x1024xf32, #tpu.memory_space<hbm>>
    %dma_start3A_659 = tpu.memref_slice %arg5[%dma_start3A_652] : memref<2x!tpu.dma_semaphore, #tpu.memory_space<semaphore_mem>> -> memref<1x!tpu.dma_semaphore, #tpu.memory_space<semaphore_mem>>
    %dma_start3A_660 = tpu.memref_squeeze %dma_start3A_659 : memref<1x!tpu.dma_semaphore, #tpu.memory_space<semaphore_mem>> -> memref<!tpu.dma_semaphore, #tpu.memory_space<semaphore_mem>>
    %dma_start3A_661 = arith.constant 0 : i32
    %dma_start3A_662 = arith.constant 0 : i32
    %dma_start3A_663 = tpu.memref_slice %arg4[%dma_start3A_651, %dma_start3A_661, %dma_start3A_662] : memref<2x32x1024xf32, #tpu.memory_space<vmem>> -> memref<1x32x1024xf32, #tpu.memory_space<vmem>>
    %dma_start3A_664 = tpu.memref_squeeze %dma_start3A_663 : memref<1x32x1024xf32, #tpu.memory_space<vmem>> -> memref<32x1024xf32, #tpu.memory_space<vmem>>
    %dma_start3A_665 = arith.constant 0 : i32
    %dma_start3A_666 = tpu.memref_slice %arg2[%add3A_650, %dma_start3A_665] : memref<8192x1024xf32, #tpu.memory_space<hbm>> -> memref<32x1024xf32, #tpu.memory_space<hbm>>
    tpu.enqueue_dma source(%dma_start3A_666 : memref<32x1024xf32, #tpu.memory_space<hbm>>) target(%dma_start3A_664 : memref<32x1024xf32, #tpu.memory_space<vmem>>) target_semaphore(%dma_start3A_660 : memref<!tpu.dma_semaphore, #tpu.memory_space<semaphore_mem>>)
    %add3A_667 = arith.constant 128 : i32
    %add3A_668 = arith.addi %mul3A_2, %add3A_667 : i32
    %dma_wait3A_669 = arith.constant 0 : i32
    %dma_wait3A_670 = arith.constant 0 : i32
    %dma_wait3A_671 = arith.constant 0 : i32
    %dma_wait3A_672 = arith.constant 0 : i32
    %dma_wait3A_673 = tpu.memref_slice %arg4[%dma_wait3A_669, %dma_wait3A_671, %dma_wait3A_672] : memref<2x32x1024xf32, #tpu.memory_space<vmem>> -> memref<1x32x1024xf32, #tpu.memory_space<vmem>>
    %dma_wait3A_674 = tpu.memref_squeeze %dma_wait3A_673 : memref<1x32x1024xf32, #tpu.memory_space<vmem>> -> memref<32x1024xf32, #tpu.memory_space<vmem>>
    %dma_wait3A_675 = arith.constant 0 : i32
    %dma_wait3A_676 = tpu.memref_slice %arg2[%add3A_668, %dma_wait3A_675] : memref<8192x1024xf32, #tpu.memory_space<hbm>> -> memref<32x1024xf32, #tpu.memory_space<hbm>>
    %dma_wait3A_677 = tpu.memref_slice %arg5[%dma_wait3A_670] : memref<2x!tpu.dma_semaphore, #tpu.memory_space<semaphore_mem>> -> memref<1x!tpu.dma_semaphore, #tpu.memory_space<semaphore_mem>>
    %dma_wait3A_678 = tpu.memref_squeeze %dma_wait3A_677 : memref<1x!tpu.dma_semaphore, #tpu.memory_space<semaphore_mem>> -> memref<!tpu.dma_semaphore, #tpu.memory_space<semaphore_mem>>
    %dma_wait3A_679 = arith.constant 0 : i32
    %dma_wait3A_680 = arith.constant 0 : i32
    %dma_wait3A_681 = tpu.memref_slice %arg4[%dma_wait3A_669, %dma_wait3A_679, %dma_wait3A_680] : memref<2x32x1024xf32, #tpu.memory_space<vmem>> -> memref<1x32x1024xf32, #tpu.memory_space<vmem>>
    %dma_wait3A_682 = tpu.memref_squeeze %dma_wait3A_681 : memref<1x32x1024xf32, #tpu.memory_space<vmem>> -> memref<32x1024xf32, #tpu.memory_space<vmem>>
    %dma_wait3A_683 = arith.constant 0 : i32
    %dma_wait3A_684 = tpu.memref_slice %arg2[%add3A_668, %dma_wait3A_683] : memref<8192x1024xf32, #tpu.memory_space<hbm>> -> memref<32x1024xf32, #tpu.memory_space<hbm>>
    tpu.wait_dma2 semaphore(%dma_wait3A_678 : memref<!tpu.dma_semaphore, #tpu.memory_space<semaphore_mem>>) src(%dma_wait3A_684 : memref<32x1024xf32, #tpu.memory_space<hbm>>) dst(%dma_wait3A_682 : memref<32x1024xf32, #tpu.memory_space<vmem>>)
    %add3A_685 = arith.constant 128 : i32
    %add3A_686 = arith.addi %mul3A_2, %add3A_685 : i32
    %dma_start3A_687 = arith.constant 0 : i32
    %dma_start3A_688 = arith.constant 0 : i32
    %dma_start3A_689 = arith.constant 0 : i32
    %dma_start3A_690 = arith.constant 0 : i32
    %dma_start3A_691 = tpu.memref_slice %arg4[%dma_start3A_687, %dma_start3A_689, %dma_start3A_690] : memref<2x32x1024xf32, #tpu.memory_space<vmem>> -> memref<1x32x1024xf32, #tpu.memory_space<vmem>>
    %dma_start3A_692 = tpu.memref_squeeze %dma_start3A_691 : memref<1x32x1024xf32, #tpu.memory_space<vmem>> -> memref<32x1024xf32, #tpu.memory_space<vmem>>
    %dma_start3A_693 = arith.constant 0 : i32
    %dma_start3A_694 = tpu.memref_slice %arg3[%add3A_686, %dma_start3A_693] : memref<8192x4096xf32, #tpu.memory_space<hbm>> -> memref<32x1024xf32, #tpu.memory_space<hbm>>
    %dma_start3A_695 = tpu.memref_slice %arg6[%dma_start3A_688] : memref<2x!tpu.dma_semaphore, #tpu.memory_space<semaphore_mem>> -> memref<1x!tpu.dma_semaphore, #tpu.memory_space<semaphore_mem>>
    %dma_start3A_696 = tpu.memref_squeeze %dma_start3A_695 : memref<1x!tpu.dma_semaphore, #tpu.memory_space<semaphore_mem>> -> memref<!tpu.dma_semaphore, #tpu.memory_space<semaphore_mem>>
    %dma_start3A_697 = arith.constant 0 : i32
    %dma_start3A_698 = tpu.memref_slice %arg3[%add3A_686, %dma_start3A_697] : memref<8192x4096xf32, #tpu.memory_space<hbm>> -> memref<32x1024xf32, #tpu.memory_space<hbm>>
    %dma_start3A_699 = arith.constant 0 : i32
    %dma_start3A_700 = arith.constant 0 : i32
    %dma_start3A_701 = tpu.memref_slice %arg4[%dma_start3A_687, %dma_start3A_699, %dma_start3A_700] : memref<2x32x1024xf32, #tpu.memory_space<vmem>> -> memref<1x32x1024xf32, #tpu.memory_space<vmem>>
    %dma_start3A_702 = tpu.memref_squeeze %dma_start3A_701 : memref<1x32x1024xf32, #tpu.memory_space<vmem>> -> memref<32x1024xf32, #tpu.memory_space<vmem>>
    tpu.enqueue_dma source(%dma_start3A_702 : memref<32x1024xf32, #tpu.memory_space<vmem>>) target(%dma_start3A_698 : memref<32x1024xf32, #tpu.memory_space<hbm>>) target_semaphore(%dma_start3A_696 : memref<!tpu.dma_semaphore, #tpu.memory_space<semaphore_mem>>)
    %add3A_703 = arith.constant 128 : i32
    %add3A_704 = arith.addi %mul3A_2, %add3A_703 : i32
    %dma_start3A_705 = arith.constant 0 : i32
    %dma_start3A_706 = arith.constant 0 : i32
    %dma_start3A_707 = arith.constant 0 : i32
    %dma_start3A_708 = arith.constant 0 : i32
    %dma_start3A_709 = tpu.memref_slice %arg4[%dma_start3A_705, %dma_start3A_707, %dma_start3A_708] : memref<2x32x1024xf32, #tpu.memory_space<vmem>> -> memref<1x32x1024xf32, #tpu.memory_space<vmem>>
    %dma_start3A_710 = tpu.memref_squeeze %dma_start3A_709 : memref<1x32x1024xf32, #tpu.memory_space<vmem>> -> memref<32x1024xf32, #tpu.memory_space<vmem>>
    %dma_start3A_711 = arith.constant 1024 : i32
    %dma_start3A_712 = tpu.memref_slice %arg3[%add3A_704, %dma_start3A_711] : memref<8192x4096xf32, #tpu.memory_space<hbm>> -> memref<32x1024xf32, #tpu.memory_space<hbm>>
    %dma_start3A_713 = tpu.memref_slice %arg6[%dma_start3A_706] : memref<2x!tpu.dma_semaphore, #tpu.memory_space<semaphore_mem>> -> memref<1x!tpu.dma_semaphore, #tpu.memory_space<semaphore_mem>>
    %dma_start3A_714 = tpu.memref_squeeze %dma_start3A_713 : memref<1x!tpu.dma_semaphore, #tpu.memory_space<semaphore_mem>> -> memref<!tpu.dma_semaphore, #tpu.memory_space<semaphore_mem>>
    %dma_start3A_715 = arith.constant 1024 : i32
    %dma_start3A_716 = tpu.memref_slice %arg3[%add3A_704, %dma_start3A_715] : memref<8192x4096xf32, #tpu.memory_space<hbm>> -> memref<32x1024xf32, #tpu.memory_space<hbm>>
    %dma_start3A_717 = arith.constant 0 : i32
    %dma_start3A_718 = arith.constant 0 : i32
    %dma_start3A_719 = tpu.memref_slice %arg4[%dma_start3A_705, %dma_start3A_717, %dma_start3A_718] : memref<2x32x1024xf32, #tpu.memory_space<vmem>> -> memref<1x32x1024xf32, #tpu.memory_space<vmem>>
    %dma_start3A_720 = tpu.memref_squeeze %dma_start3A_719 : memref<1x32x1024xf32, #tpu.memory_space<vmem>> -> memref<32x1024xf32, #tpu.memory_space<vmem>>
    tpu.enqueue_dma source(%dma_start3A_720 : memref<32x1024xf32, #tpu.memory_space<vmem>>) target(%dma_start3A_716 : memref<32x1024xf32, #tpu.memory_space<hbm>>) target_semaphore(%dma_start3A_714 : memref<!tpu.dma_semaphore, #tpu.memory_space<semaphore_mem>>)
    %add3A_721 = arith.constant 128 : i32
    %add3A_722 = arith.addi %mul3A_2, %add3A_721 : i32
    %dma_start3A_723 = arith.constant 0 : i32
    %dma_start3A_724 = arith.constant 0 : i32
    %dma_start3A_725 = arith.constant 0 : i32
    %dma_start3A_726 = arith.constant 0 : i32
    %dma_start3A_727 = tpu.memref_slice %arg4[%dma_start3A_723, %dma_start3A_725, %dma_start3A_726] : memref<2x32x1024xf32, #tpu.memory_space<vmem>> -> memref<1x32x1024xf32, #tpu.memory_space<vmem>>
    %dma_start3A_728 = tpu.memref_squeeze %dma_start3A_727 : memref<1x32x1024xf32, #tpu.memory_space<vmem>> -> memref<32x1024xf32, #tpu.memory_space<vmem>>
    %dma_start3A_729 = arith.constant 2048 : i32
    %dma_start3A_730 = tpu.memref_slice %arg3[%add3A_722, %dma_start3A_729] : memref<8192x4096xf32, #tpu.memory_space<hbm>> -> memref<32x1024xf32, #tpu.memory_space<hbm>>
    %dma_start3A_731 = tpu.memref_slice %arg6[%dma_start3A_724] : memref<2x!tpu.dma_semaphore, #tpu.memory_space<semaphore_mem>> -> memref<1x!tpu.dma_semaphore, #tpu.memory_space<semaphore_mem>>
    %dma_start3A_732 = tpu.memref_squeeze %dma_start3A_731 : memref<1x!tpu.dma_semaphore, #tpu.memory_space<semaphore_mem>> -> memref<!tpu.dma_semaphore, #tpu.memory_space<semaphore_mem>>
    %dma_start3A_733 = arith.constant 2048 : i32
    %dma_start3A_734 = tpu.memref_slice %arg3[%add3A_722, %dma_start3A_733] : memref<8192x4096xf32, #tpu.memory_space<hbm>> -> memref<32x1024xf32, #tpu.memory_space<hbm>>
    %dma_start3A_735 = arith.constant 0 : i32
    %dma_start3A_736 = arith.constant 0 : i32
    %dma_start3A_737 = tpu.memref_slice %arg4[%dma_start3A_723, %dma_start3A_735, %dma_start3A_736] : memref<2x32x1024xf32, #tpu.memory_space<vmem>> -> memref<1x32x1024xf32, #tpu.memory_space<vmem>>
    %dma_start3A_738 = tpu.memref_squeeze %dma_start3A_737 : memref<1x32x1024xf32, #tpu.memory_space<vmem>> -> memref<32x1024xf32, #tpu.memory_space<vmem>>
    tpu.enqueue_dma source(%dma_start3A_738 : memref<32x1024xf32, #tpu.memory_space<vmem>>) target(%dma_start3A_734 : memref<32x1024xf32, #tpu.memory_space<hbm>>) target_semaphore(%dma_start3A_732 : memref<!tpu.dma_semaphore, #tpu.memory_space<semaphore_mem>>)
    %add3A_739 = arith.constant 128 : i32
    %add3A_740 = arith.addi %mul3A_2, %add3A_739 : i32
    %dma_start3A_741 = arith.constant 0 : i32
    %dma_start3A_742 = arith.constant 0 : i32
    %dma_start3A_743 = arith.constant 0 : i32
    %dma_start3A_744 = arith.constant 0 : i32
    %dma_start3A_745 = tpu.memref_slice %arg4[%dma_start3A_741, %dma_start3A_743, %dma_start3A_744] : memref<2x32x1024xf32, #tpu.memory_space<vmem>> -> memref<1x32x1024xf32, #tpu.memory_space<vmem>>
    %dma_start3A_746 = tpu.memref_squeeze %dma_start3A_745 : memref<1x32x1024xf32, #tpu.memory_space<vmem>> -> memref<32x1024xf32, #tpu.memory_space<vmem>>
    %dma_start3A_747 = arith.constant 3072 : i32
    %dma_start3A_748 = tpu.memref_slice %arg3[%add3A_740, %dma_start3A_747] : memref<8192x4096xf32, #tpu.memory_space<hbm>> -> memref<32x1024xf32, #tpu.memory_space<hbm>>
    %dma_start3A_749 = tpu.memref_slice %arg6[%dma_start3A_742] : memref<2x!tpu.dma_semaphore, #tpu.memory_space<semaphore_mem>> -> memref<1x!tpu.dma_semaphore, #tpu.memory_space<semaphore_mem>>
    %dma_start3A_750 = tpu.memref_squeeze %dma_start3A_749 : memref<1x!tpu.dma_semaphore, #tpu.memory_space<semaphore_mem>> -> memref<!tpu.dma_semaphore, #tpu.memory_space<semaphore_mem>>
    %dma_start3A_751 = arith.constant 3072 : i32
    %dma_start3A_752 = tpu.memref_slice %arg3[%add3A_740, %dma_start3A_751] : memref<8192x4096xf32, #tpu.memory_space<hbm>> -> memref<32x1024xf32, #tpu.memory_space<hbm>>
    %dma_start3A_753 = arith.constant 0 : i32
    %dma_start3A_754 = arith.constant 0 : i32
    %dma_start3A_755 = tpu.memref_slice %arg4[%dma_start3A_741, %dma_start3A_753, %dma_start3A_754] : memref<2x32x1024xf32, #tpu.memory_space<vmem>> -> memref<1x32x1024xf32, #tpu.memory_space<vmem>>
    %dma_start3A_756 = tpu.memref_squeeze %dma_start3A_755 : memref<1x32x1024xf32, #tpu.memory_space<vmem>> -> memref<32x1024xf32, #tpu.memory_space<vmem>>
    tpu.enqueue_dma source(%dma_start3A_756 : memref<32x1024xf32, #tpu.memory_space<vmem>>) target(%dma_start3A_752 : memref<32x1024xf32, #tpu.memory_space<hbm>>) target_semaphore(%dma_start3A_750 : memref<!tpu.dma_semaphore, #tpu.memory_space<semaphore_mem>>)
    %add3A_757 = arith.constant 96 : i32
    %add3A_758 = arith.addi %mul3A_2, %add3A_757 : i32
    %dma_wait3A_759 = arith.constant 1 : i32
    %dma_wait3A_760 = arith.constant 1 : i32
    %dma_wait3A_761 = arith.constant 0 : i32
    %dma_wait3A_762 = arith.constant 0 : i32
    %dma_wait3A_763 = tpu.memref_slice %arg4[%dma_wait3A_759, %dma_wait3A_761, %dma_wait3A_762] : memref<2x32x1024xf32, #tpu.memory_space<vmem>> -> memref<1x32x1024xf32, #tpu.memory_space<vmem>>
    %dma_wait3A_764 = tpu.memref_squeeze %dma_wait3A_763 : memref<1x32x1024xf32, #tpu.memory_space<vmem>> -> memref<32x1024xf32, #tpu.memory_space<vmem>>
    %dma_wait3A_765 = arith.constant 0 : i32
    %dma_wait3A_766 = tpu.memref_slice %arg3[%add3A_758, %dma_wait3A_765] : memref<8192x4096xf32, #tpu.memory_space<hbm>> -> memref<32x1024xf32, #tpu.memory_space<hbm>>
    %dma_wait3A_767 = tpu.memref_slice %arg6[%dma_wait3A_760] : memref<2x!tpu.dma_semaphore, #tpu.memory_space<semaphore_mem>> -> memref<1x!tpu.dma_semaphore, #tpu.memory_space<semaphore_mem>>
    %dma_wait3A_768 = tpu.memref_squeeze %dma_wait3A_767 : memref<1x!tpu.dma_semaphore, #tpu.memory_space<semaphore_mem>> -> memref<!tpu.dma_semaphore, #tpu.memory_space<semaphore_mem>>
    %dma_wait3A_769 = arith.constant 0 : i32
    %dma_wait3A_770 = tpu.memref_slice %arg3[%add3A_758, %dma_wait3A_769] : memref<8192x4096xf32, #tpu.memory_space<hbm>> -> memref<32x1024xf32, #tpu.memory_space<hbm>>
    %dma_wait3A_771 = arith.constant 0 : i32
    %dma_wait3A_772 = arith.constant 0 : i32
    %dma_wait3A_773 = tpu.memref_slice %arg4[%dma_wait3A_759, %dma_wait3A_771, %dma_wait3A_772] : memref<2x32x1024xf32, #tpu.memory_space<vmem>> -> memref<1x32x1024xf32, #tpu.memory_space<vmem>>
    %dma_wait3A_774 = tpu.memref_squeeze %dma_wait3A_773 : memref<1x32x1024xf32, #tpu.memory_space<vmem>> -> memref<32x1024xf32, #tpu.memory_space<vmem>>
    tpu.wait_dma2 semaphore(%dma_wait3A_768 : memref<!tpu.dma_semaphore, #tpu.memory_space<semaphore_mem>>) src(%dma_wait3A_774 : memref<32x1024xf32, #tpu.memory_space<vmem>>) dst(%dma_wait3A_770 : memref<32x1024xf32, #tpu.memory_space<hbm>>)
    %add3A_775 = arith.constant 96 : i32
    %add3A_776 = arith.addi %mul3A_2, %add3A_775 : i32
    %dma_wait3A_777 = arith.constant 1 : i32
    %dma_wait3A_778 = arith.constant 1 : i32
    %dma_wait3A_779 = arith.constant 0 : i32
    %dma_wait3A_780 = arith.constant 0 : i32
    %dma_wait3A_781 = tpu.memref_slice %arg4[%dma_wait3A_777, %dma_wait3A_779, %dma_wait3A_780] : memref<2x32x1024xf32, #tpu.memory_space<vmem>> -> memref<1x32x1024xf32, #tpu.memory_space<vmem>>
    %dma_wait3A_782 = tpu.memref_squeeze %dma_wait3A_781 : memref<1x32x1024xf32, #tpu.memory_space<vmem>> -> memref<32x1024xf32, #tpu.memory_space<vmem>>
    %dma_wait3A_783 = arith.constant 1024 : i32
    %dma_wait3A_784 = tpu.memref_slice %arg3[%add3A_776, %dma_wait3A_783] : memref<8192x4096xf32, #tpu.memory_space<hbm>> -> memref<32x1024xf32, #tpu.memory_space<hbm>>
    %dma_wait3A_785 = tpu.memref_slice %arg6[%dma_wait3A_778] : memref<2x!tpu.dma_semaphore, #tpu.memory_space<semaphore_mem>> -> memref<1x!tpu.dma_semaphore, #tpu.memory_space<semaphore_mem>>
    %dma_wait3A_786 = tpu.memref_squeeze %dma_wait3A_785 : memref<1x!tpu.dma_semaphore, #tpu.memory_space<semaphore_mem>> -> memref<!tpu.dma_semaphore, #tpu.memory_space<semaphore_mem>>
    %dma_wait3A_787 = arith.constant 1024 : i32
    %dma_wait3A_788 = tpu.memref_slice %arg3[%add3A_776, %dma_wait3A_787] : memref<8192x4096xf32, #tpu.memory_space<hbm>> -> memref<32x1024xf32, #tpu.memory_space<hbm>>
    %dma_wait3A_789 = arith.constant 0 : i32
    %dma_wait3A_790 = arith.constant 0 : i32
    %dma_wait3A_791 = tpu.memref_slice %arg4[%dma_wait3A_777, %dma_wait3A_789, %dma_wait3A_790] : memref<2x32x1024xf32, #tpu.memory_space<vmem>> -> memref<1x32x1024xf32, #tpu.memory_space<vmem>>
    %dma_wait3A_792 = tpu.memref_squeeze %dma_wait3A_791 : memref<1x32x1024xf32, #tpu.memory_space<vmem>> -> memref<32x1024xf32, #tpu.memory_space<vmem>>
    tpu.wait_dma2 semaphore(%dma_wait3A_786 : memref<!tpu.dma_semaphore, #tpu.memory_space<semaphore_mem>>) src(%dma_wait3A_792 : memref<32x1024xf32, #tpu.memory_space<vmem>>) dst(%dma_wait3A_788 : memref<32x1024xf32, #tpu.memory_space<hbm>>)
    %add3A_793 = arith.constant 96 : i32
    %add3A_794 = arith.addi %mul3A_2, %add3A_793 : i32
    %dma_wait3A_795 = arith.constant 1 : i32
    %dma_wait3A_796 = arith.constant 1 : i32
    %dma_wait3A_797 = arith.constant 0 : i32
    %dma_wait3A_798 = arith.constant 0 : i32
    %dma_wait3A_799 = tpu.memref_slice %arg4[%dma_wait3A_795, %dma_wait3A_797, %dma_wait3A_798] : memref<2x32x1024xf32, #tpu.memory_space<vmem>> -> memref<1x32x1024xf32, #tpu.memory_space<vmem>>
    %dma_wait3A_800 = tpu.memref_squeeze %dma_wait3A_799 : memref<1x32x1024xf32, #tpu.memory_space<vmem>> -> memref<32x1024xf32, #tpu.memory_space<vmem>>
    %dma_wait3A_801 = arith.constant 2048 : i32
    %dma_wait3A_802 = tpu.memref_slice %arg3[%add3A_794, %dma_wait3A_801] : memref<8192x4096xf32, #tpu.memory_space<hbm>> -> memref<32x1024xf32, #tpu.memory_space<hbm>>
    %dma_wait3A_803 = tpu.memref_slice %arg6[%dma_wait3A_796] : memref<2x!tpu.dma_semaphore, #tpu.memory_space<semaphore_mem>> -> memref<1x!tpu.dma_semaphore, #tpu.memory_space<semaphore_mem>>
    %dma_wait3A_804 = tpu.memref_squeeze %dma_wait3A_803 : memref<1x!tpu.dma_semaphore, #tpu.memory_space<semaphore_mem>> -> memref<!tpu.dma_semaphore, #tpu.memory_space<semaphore_mem>>
    %dma_wait3A_805 = arith.constant 2048 : i32
    %dma_wait3A_806 = tpu.memref_slice %arg3[%add3A_794, %dma_wait3A_805] : memref<8192x4096xf32, #tpu.memory_space<hbm>> -> memref<32x1024xf32, #tpu.memory_space<hbm>>
    %dma_wait3A_807 = arith.constant 0 : i32
    %dma_wait3A_808 = arith.constant 0 : i32
    %dma_wait3A_809 = tpu.memref_slice %arg4[%dma_wait3A_795, %dma_wait3A_807, %dma_wait3A_808] : memref<2x32x1024xf32, #tpu.memory_space<vmem>> -> memref<1x32x1024xf32, #tpu.memory_space<vmem>>
    %dma_wait3A_810 = tpu.memref_squeeze %dma_wait3A_809 : memref<1x32x1024xf32, #tpu.memory_space<vmem>> -> memref<32x1024xf32, #tpu.memory_space<vmem>>
    tpu.wait_dma2 semaphore(%dma_wait3A_804 : memref<!tpu.dma_semaphore, #tpu.memory_space<semaphore_mem>>) src(%dma_wait3A_810 : memref<32x1024xf32, #tpu.memory_space<vmem>>) dst(%dma_wait3A_806 : memref<32x1024xf32, #tpu.memory_space<hbm>>)
    %add3A_811 = arith.constant 96 : i32
    %add3A_812 = arith.addi %mul3A_2, %add3A_811 : i32
    %dma_wait3A_813 = arith.constant 1 : i32
    %dma_wait3A_814 = arith.constant 1 : i32
    %dma_wait3A_815 = arith.constant 0 : i32
    %dma_wait3A_816 = arith.constant 0 : i32
    %dma_wait3A_817 = tpu.memref_slice %arg4[%dma_wait3A_813, %dma_wait3A_815, %dma_wait3A_816] : memref<2x32x1024xf32, #tpu.memory_space<vmem>> -> memref<1x32x1024xf32, #tpu.memory_space<vmem>>
    %dma_wait3A_818 = tpu.memref_squeeze %dma_wait3A_817 : memref<1x32x1024xf32, #tpu.memory_space<vmem>> -> memref<32x1024xf32, #tpu.memory_space<vmem>>
    %dma_wait3A_819 = arith.constant 3072 : i32
    %dma_wait3A_820 = tpu.memref_slice %arg3[%add3A_812, %dma_wait3A_819] : memref<8192x4096xf32, #tpu.memory_space<hbm>> -> memref<32x1024xf32, #tpu.memory_space<hbm>>
    %dma_wait3A_821 = tpu.memref_slice %arg6[%dma_wait3A_814] : memref<2x!tpu.dma_semaphore, #tpu.memory_space<semaphore_mem>> -> memref<1x!tpu.dma_semaphore, #tpu.memory_space<semaphore_mem>>
    %dma_wait3A_822 = tpu.memref_squeeze %dma_wait3A_821 : memref<1x!tpu.dma_semaphore, #tpu.memory_space<semaphore_mem>> -> memref<!tpu.dma_semaphore, #tpu.memory_space<semaphore_mem>>
    %dma_wait3A_823 = arith.constant 3072 : i32
    %dma_wait3A_824 = tpu.memref_slice %arg3[%add3A_812, %dma_wait3A_823] : memref<8192x4096xf32, #tpu.memory_space<hbm>> -> memref<32x1024xf32, #tpu.memory_space<hbm>>
    %dma_wait3A_825 = arith.constant 0 : i32
    %dma_wait3A_826 = arith.constant 0 : i32
    %dma_wait3A_827 = tpu.memref_slice %arg4[%dma_wait3A_813, %dma_wait3A_825, %dma_wait3A_826] : memref<2x32x1024xf32, #tpu.memory_space<vmem>> -> memref<1x32x1024xf32, #tpu.memory_space<vmem>>
    %dma_wait3A_828 = tpu.memref_squeeze %dma_wait3A_827 : memref<1x32x1024xf32, #tpu.memory_space<vmem>> -> memref<32x1024xf32, #tpu.memory_space<vmem>>
    tpu.wait_dma2 semaphore(%dma_wait3A_822 : memref<!tpu.dma_semaphore, #tpu.memory_space<semaphore_mem>>) src(%dma_wait3A_828 : memref<32x1024xf32, #tpu.memory_space<vmem>>) dst(%dma_wait3A_824 : memref<32x1024xf32, #tpu.memory_space<hbm>>)
    %add3A_829 = arith.constant 160 : i32
    %add3A_830 = arith.addi %mul3A_2, %add3A_829 : i32
    %dma_start3A_831 = arith.constant 1 : i32
    %dma_start3A_832 = arith.constant 1 : i32
    %dma_start3A_833 = arith.constant 0 : i32
    %dma_start3A_834 = arith.constant 0 : i32
    %dma_start3A_835 = tpu.memref_slice %arg4[%dma_start3A_831, %dma_start3A_833, %dma_start3A_834] : memref<2x32x1024xf32, #tpu.memory_space<vmem>> -> memref<1x32x1024xf32, #tpu.memory_space<vmem>>
    %dma_start3A_836 = tpu.memref_squeeze %dma_start3A_835 : memref<1x32x1024xf32, #tpu.memory_space<vmem>> -> memref<32x1024xf32, #tpu.memory_space<vmem>>
    %dma_start3A_837 = arith.constant 0 : i32
    %dma_start3A_838 = tpu.memref_slice %arg2[%add3A_830, %dma_start3A_837] : memref<8192x1024xf32, #tpu.memory_space<hbm>> -> memref<32x1024xf32, #tpu.memory_space<hbm>>
    %dma_start3A_839 = tpu.memref_slice %arg5[%dma_start3A_832] : memref<2x!tpu.dma_semaphore, #tpu.memory_space<semaphore_mem>> -> memref<1x!tpu.dma_semaphore, #tpu.memory_space<semaphore_mem>>
    %dma_start3A_840 = tpu.memref_squeeze %dma_start3A_839 : memref<1x!tpu.dma_semaphore, #tpu.memory_space<semaphore_mem>> -> memref<!tpu.dma_semaphore, #tpu.memory_space<semaphore_mem>>
    %dma_start3A_841 = arith.constant 0 : i32
    %dma_start3A_842 = arith.constant 0 : i32
    %dma_start3A_843 = tpu.memref_slice %arg4[%dma_start3A_831, %dma_start3A_841, %dma_start3A_842] : memref<2x32x1024xf32, #tpu.memory_space<vmem>> -> memref<1x32x1024xf32, #tpu.memory_space<vmem>>
    %dma_start3A_844 = tpu.memref_squeeze %dma_start3A_843 : memref<1x32x1024xf32, #tpu.memory_space<vmem>> -> memref<32x1024xf32, #tpu.memory_space<vmem>>
    %dma_start3A_845 = arith.constant 0 : i32
    %dma_start3A_846 = tpu.memref_slice %arg2[%add3A_830, %dma_start3A_845] : memref<8192x1024xf32, #tpu.memory_space<hbm>> -> memref<32x1024xf32, #tpu.memory_space<hbm>>
    tpu.enqueue_dma source(%dma_start3A_846 : memref<32x1024xf32, #tpu.memory_space<hbm>>) target(%dma_start3A_844 : memref<32x1024xf32, #tpu.memory_space<vmem>>) target_semaphore(%dma_start3A_840 : memref<!tpu.dma_semaphore, #tpu.memory_space<semaphore_mem>>)
    %add3A_847 = arith.constant 160 : i32
    %add3A_848 = arith.addi %mul3A_2, %add3A_847 : i32
    %dma_wait3A_849 = arith.constant 1 : i32
    %dma_wait3A_850 = arith.constant 1 : i32
    %dma_wait3A_851 = arith.constant 0 : i32
    %dma_wait3A_852 = arith.constant 0 : i32
    %dma_wait3A_853 = tpu.memref_slice %arg4[%dma_wait3A_849, %dma_wait3A_851, %dma_wait3A_852] : memref<2x32x1024xf32, #tpu.memory_space<vmem>> -> memref<1x32x1024xf32, #tpu.memory_space<vmem>>
    %dma_wait3A_854 = tpu.memref_squeeze %dma_wait3A_853 : memref<1x32x1024xf32, #tpu.memory_space<vmem>> -> memref<32x1024xf32, #tpu.memory_space<vmem>>
    %dma_wait3A_855 = arith.constant 0 : i32
    %dma_wait3A_856 = tpu.memref_slice %arg2[%add3A_848, %dma_wait3A_855] : memref<8192x1024xf32, #tpu.memory_space<hbm>> -> memref<32x1024xf32, #tpu.memory_space<hbm>>
    %dma_wait3A_857 = tpu.memref_slice %arg5[%dma_wait3A_850] : memref<2x!tpu.dma_semaphore, #tpu.memory_space<semaphore_mem>> -> memref<1x!tpu.dma_semaphore, #tpu.memory_space<semaphore_mem>>
    %dma_wait3A_858 = tpu.memref_squeeze %dma_wait3A_857 : memref<1x!tpu.dma_semaphore, #tpu.memory_space<semaphore_mem>> -> memref<!tpu.dma_semaphore, #tpu.memory_space<semaphore_mem>>
    %dma_wait3A_859 = arith.constant 0 : i32
    %dma_wait3A_860 = arith.constant 0 : i32
    %dma_wait3A_861 = tpu.memref_slice %arg4[%dma_wait3A_849, %dma_wait3A_859, %dma_wait3A_860] : memref<2x32x1024xf32, #tpu.memory_space<vmem>> -> memref<1x32x1024xf32, #tpu.memory_space<vmem>>
    %dma_wait3A_862 = tpu.memref_squeeze %dma_wait3A_861 : memref<1x32x1024xf32, #tpu.memory_space<vmem>> -> memref<32x1024xf32, #tpu.memory_space<vmem>>
    %dma_wait3A_863 = arith.constant 0 : i32
    %dma_wait3A_864 = tpu.memref_slice %arg2[%add3A_848, %dma_wait3A_863] : memref<8192x1024xf32, #tpu.memory_space<hbm>> -> memref<32x1024xf32, #tpu.memory_space<hbm>>
    tpu.wait_dma2 semaphore(%dma_wait3A_858 : memref<!tpu.dma_semaphore, #tpu.memory_space<semaphore_mem>>) src(%dma_wait3A_864 : memref<32x1024xf32, #tpu.memory_space<hbm>>) dst(%dma_wait3A_862 : memref<32x1024xf32, #tpu.memory_space<vmem>>)
    %add3A_865 = arith.constant 160 : i32
    %add3A_866 = arith.addi %mul3A_2, %add3A_865 : i32
    %dma_start3A_867 = arith.constant 1 : i32
    %dma_start3A_868 = arith.constant 1 : i32
    %dma_start3A_869 = arith.constant 0 : i32
    %dma_start3A_870 = arith.constant 0 : i32
    %dma_start3A_871 = tpu.memref_slice %arg4[%dma_start3A_867, %dma_start3A_869, %dma_start3A_870] : memref<2x32x1024xf32, #tpu.memory_space<vmem>> -> memref<1x32x1024xf32, #tpu.memory_space<vmem>>
    %dma_start3A_872 = tpu.memref_squeeze %dma_start3A_871 : memref<1x32x1024xf32, #tpu.memory_space<vmem>> -> memref<32x1024xf32, #tpu.memory_space<vmem>>
    %dma_start3A_873 = arith.constant 0 : i32
    %dma_start3A_874 = tpu.memref_slice %arg3[%add3A_866, %dma_start3A_873] : memref<8192x4096xf32, #tpu.memory_space<hbm>> -> memref<32x1024xf32, #tpu.memory_space<hbm>>
    %dma_start3A_875 = tpu.memref_slice %arg6[%dma_start3A_868] : memref<2x!tpu.dma_semaphore, #tpu.memory_space<semaphore_mem>> -> memref<1x!tpu.dma_semaphore, #tpu.memory_space<semaphore_mem>>
    %dma_start3A_876 = tpu.memref_squeeze %dma_start3A_875 : memref<1x!tpu.dma_semaphore, #tpu.memory_space<semaphore_mem>> -> memref<!tpu.dma_semaphore, #tpu.memory_space<semaphore_mem>>
    %dma_start3A_877 = arith.constant 0 : i32
    %dma_start3A_878 = tpu.memref_slice %arg3[%add3A_866, %dma_start3A_877] : memref<8192x4096xf32, #tpu.memory_space<hbm>> -> memref<32x1024xf32, #tpu.memory_space<hbm>>
    %dma_start3A_879 = arith.constant 0 : i32
    %dma_start3A_880 = arith.constant 0 : i32
    %dma_start3A_881 = tpu.memref_slice %arg4[%dma_start3A_867, %dma_start3A_879, %dma_start3A_880] : memref<2x32x1024xf32, #tpu.memory_space<vmem>> -> memref<1x32x1024xf32, #tpu.memory_space<vmem>>
    %dma_start3A_882 = tpu.memref_squeeze %dma_start3A_881 : memref<1x32x1024xf32, #tpu.memory_space<vmem>> -> memref<32x1024xf32, #tpu.memory_space<vmem>>
    tpu.enqueue_dma source(%dma_start3A_882 : memref<32x1024xf32, #tpu.memory_space<vmem>>) target(%dma_start3A_878 : memref<32x1024xf32, #tpu.memory_space<hbm>>) target_semaphore(%dma_start3A_876 : memref<!tpu.dma_semaphore, #tpu.memory_space<semaphore_mem>>)
    %add3A_883 = arith.constant 160 : i32
    %add3A_884 = arith.addi %mul3A_2, %add3A_883 : i32
    %dma_start3A_885 = arith.constant 1 : i32
    %dma_start3A_886 = arith.constant 1 : i32
    %dma_start3A_887 = arith.constant 0 : i32
    %dma_start3A_888 = arith.constant 0 : i32
    %dma_start3A_889 = tpu.memref_slice %arg4[%dma_start3A_885, %dma_start3A_887, %dma_start3A_888] : memref<2x32x1024xf32, #tpu.memory_space<vmem>> -> memref<1x32x1024xf32, #tpu.memory_space<vmem>>
    %dma_start3A_890 = tpu.memref_squeeze %dma_start3A_889 : memref<1x32x1024xf32, #tpu.memory_space<vmem>> -> memref<32x1024xf32, #tpu.memory_space<vmem>>
    %dma_start3A_891 = arith.constant 1024 : i32
    %dma_start3A_892 = tpu.memref_slice %arg3[%add3A_884, %dma_start3A_891] : memref<8192x4096xf32, #tpu.memory_space<hbm>> -> memref<32x1024xf32, #tpu.memory_space<hbm>>
    %dma_start3A_893 = tpu.memref_slice %arg6[%dma_start3A_886] : memref<2x!tpu.dma_semaphore, #tpu.memory_space<semaphore_mem>> -> memref<1x!tpu.dma_semaphore, #tpu.memory_space<semaphore_mem>>
    %dma_start3A_894 = tpu.memref_squeeze %dma_start3A_893 : memref<1x!tpu.dma_semaphore, #tpu.memory_space<semaphore_mem>> -> memref<!tpu.dma_semaphore, #tpu.memory_space<semaphore_mem>>
    %dma_start3A_895 = arith.constant 1024 : i32
    %dma_start3A_896 = tpu.memref_slice %arg3[%add3A_884, %dma_start3A_895] : memref<8192x4096xf32, #tpu.memory_space<hbm>> -> memref<32x1024xf32, #tpu.memory_space<hbm>>
    %dma_start3A_897 = arith.constant 0 : i32
    %dma_start3A_898 = arith.constant 0 : i32
    %dma_start3A_899 = tpu.memref_slice %arg4[%dma_start3A_885, %dma_start3A_897, %dma_start3A_898] : memref<2x32x1024xf32, #tpu.memory_space<vmem>> -> memref<1x32x1024xf32, #tpu.memory_space<vmem>>
    %dma_start3A_900 = tpu.memref_squeeze %dma_start3A_899 : memref<1x32x1024xf32, #tpu.memory_space<vmem>> -> memref<32x1024xf32, #tpu.memory_space<vmem>>
    tpu.enqueue_dma source(%dma_start3A_900 : memref<32x1024xf32, #tpu.memory_space<vmem>>) target(%dma_start3A_896 : memref<32x1024xf32, #tpu.memory_space<hbm>>) target_semaphore(%dma_start3A_894 : memref<!tpu.dma_semaphore, #tpu.memory_space<semaphore_mem>>)
    %add3A_901 = arith.constant 160 : i32
    %add3A_902 = arith.addi %mul3A_2, %add3A_901 : i32
    %dma_start3A_903 = arith.constant 1 : i32
    %dma_start3A_904 = arith.constant 1 : i32
    %dma_start3A_905 = arith.constant 0 : i32
    %dma_start3A_906 = arith.constant 0 : i32
    %dma_start3A_907 = tpu.memref_slice %arg4[%dma_start3A_903, %dma_start3A_905, %dma_start3A_906] : memref<2x32x1024xf32, #tpu.memory_space<vmem>> -> memref<1x32x1024xf32, #tpu.memory_space<vmem>>
    %dma_start3A_908 = tpu.memref_squeeze %dma_start3A_907 : memref<1x32x1024xf32, #tpu.memory_space<vmem>> -> memref<32x1024xf32, #tpu.memory_space<vmem>>
    %dma_start3A_909 = arith.constant 2048 : i32
    %dma_start3A_910 = tpu.memref_slice %arg3[%add3A_902, %dma_start3A_909] : memref<8192x4096xf32, #tpu.memory_space<hbm>> -> memref<32x1024xf32, #tpu.memory_space<hbm>>
    %dma_start3A_911 = tpu.memref_slice %arg6[%dma_start3A_904] : memref<2x!tpu.dma_semaphore, #tpu.memory_space<semaphore_mem>> -> memref<1x!tpu.dma_semaphore, #tpu.memory_space<semaphore_mem>>
    %dma_start3A_912 = tpu.memref_squeeze %dma_start3A_911 : memref<1x!tpu.dma_semaphore, #tpu.memory_space<semaphore_mem>> -> memref<!tpu.dma_semaphore, #tpu.memory_space<semaphore_mem>>
    %dma_start3A_913 = arith.constant 2048 : i32
    %dma_start3A_914 = tpu.memref_slice %arg3[%add3A_902, %dma_start3A_913] : memref<8192x4096xf32, #tpu.memory_space<hbm>> -> memref<32x1024xf32, #tpu.memory_space<hbm>>
    %dma_start3A_915 = arith.constant 0 : i32
    %dma_start3A_916 = arith.constant 0 : i32
    %dma_start3A_917 = tpu.memref_slice %arg4[%dma_start3A_903, %dma_start3A_915, %dma_start3A_916] : memref<2x32x1024xf32, #tpu.memory_space<vmem>> -> memref<1x32x1024xf32, #tpu.memory_space<vmem>>
    %dma_start3A_918 = tpu.memref_squeeze %dma_start3A_917 : memref<1x32x1024xf32, #tpu.memory_space<vmem>> -> memref<32x1024xf32, #tpu.memory_space<vmem>>
    tpu.enqueue_dma source(%dma_start3A_918 : memref<32x1024xf32, #tpu.memory_space<vmem>>) target(%dma_start3A_914 : memref<32x1024xf32, #tpu.memory_space<hbm>>) target_semaphore(%dma_start3A_912 : memref<!tpu.dma_semaphore, #tpu.memory_space<semaphore_mem>>)
    %add3A_919 = arith.constant 160 : i32
    %add3A_920 = arith.addi %mul3A_2, %add3A_919 : i32
    %dma_start3A_921 = arith.constant 1 : i32
    %dma_start3A_922 = arith.constant 1 : i32
    %dma_start3A_923 = arith.constant 0 : i32
    %dma_start3A_924 = arith.constant 0 : i32
    %dma_start3A_925 = tpu.memref_slice %arg4[%dma_start3A_921, %dma_start3A_923, %dma_start3A_924] : memref<2x32x1024xf32, #tpu.memory_space<vmem>> -> memref<1x32x1024xf32, #tpu.memory_space<vmem>>
    %dma_start3A_926 = tpu.memref_squeeze %dma_start3A_925 : memref<1x32x1024xf32, #tpu.memory_space<vmem>> -> memref<32x1024xf32, #tpu.memory_space<vmem>>
    %dma_start3A_927 = arith.constant 3072 : i32
    %dma_start3A_928 = tpu.memref_slice %arg3[%add3A_920, %dma_start3A_927] : memref<8192x4096xf32, #tpu.memory_space<hbm>> -> memref<32x1024xf32, #tpu.memory_space<hbm>>
    %dma_start3A_929 = tpu.memref_slice %arg6[%dma_start3A_922] : memref<2x!tpu.dma_semaphore, #tpu.memory_space<semaphore_mem>> -> memref<1x!tpu.dma_semaphore, #tpu.memory_space<semaphore_mem>>
    %dma_start3A_930 = tpu.memref_squeeze %dma_start3A_929 : memref<1x!tpu.dma_semaphore, #tpu.memory_space<semaphore_mem>> -> memref<!tpu.dma_semaphore, #tpu.memory_space<semaphore_mem>>
    %dma_start3A_931 = arith.constant 3072 : i32
    %dma_start3A_932 = tpu.memref_slice %arg3[%add3A_920, %dma_start3A_931] : memref<8192x4096xf32, #tpu.memory_space<hbm>> -> memref<32x1024xf32, #tpu.memory_space<hbm>>
    %dma_start3A_933 = arith.constant 0 : i32
    %dma_start3A_934 = arith.constant 0 : i32
    %dma_start3A_935 = tpu.memref_slice %arg4[%dma_start3A_921, %dma_start3A_933, %dma_start3A_934] : memref<2x32x1024xf32, #tpu.memory_space<vmem>> -> memref<1x32x1024xf32, #tpu.memory_space<vmem>>
    %dma_start3A_936 = tpu.memref_squeeze %dma_start3A_935 : memref<1x32x1024xf32, #tpu.memory_space<vmem>> -> memref<32x1024xf32, #tpu.memory_space<vmem>>
    tpu.enqueue_dma source(%dma_start3A_936 : memref<32x1024xf32, #tpu.memory_space<vmem>>) target(%dma_start3A_932 : memref<32x1024xf32, #tpu.memory_space<hbm>>) target_semaphore(%dma_start3A_930 : memref<!tpu.dma_semaphore, #tpu.memory_space<semaphore_mem>>)
    %add3A_937 = arith.constant 128 : i32
    %add3A_938 = arith.addi %mul3A_2, %add3A_937 : i32
    %dma_wait3A_939 = arith.constant 0 : i32
    %dma_wait3A_940 = arith.constant 0 : i32
    %dma_wait3A_941 = arith.constant 0 : i32
    %dma_wait3A_942 = arith.constant 0 : i32
    %dma_wait3A_943 = tpu.memref_slice %arg4[%dma_wait3A_939, %dma_wait3A_941, %dma_wait3A_942] : memref<2x32x1024xf32, #tpu.memory_space<vmem>> -> memref<1x32x1024xf32, #tpu.memory_space<vmem>>
    %dma_wait3A_944 = tpu.memref_squeeze %dma_wait3A_943 : memref<1x32x1024xf32, #tpu.memory_space<vmem>> -> memref<32x1024xf32, #tpu.memory_space<vmem>>
    %dma_wait3A_945 = arith.constant 0 : i32
    %dma_wait3A_946 = tpu.memref_slice %arg3[%add3A_938, %dma_wait3A_945] : memref<8192x4096xf32, #tpu.memory_space<hbm>> -> memref<32x1024xf32, #tpu.memory_space<hbm>>
    %dma_wait3A_947 = tpu.memref_slice %arg6[%dma_wait3A_940] : memref<2x!tpu.dma_semaphore, #tpu.memory_space<semaphore_mem>> -> memref<1x!tpu.dma_semaphore, #tpu.memory_space<semaphore_mem>>
    %dma_wait3A_948 = tpu.memref_squeeze %dma_wait3A_947 : memref<1x!tpu.dma_semaphore, #tpu.memory_space<semaphore_mem>> -> memref<!tpu.dma_semaphore, #tpu.memory_space<semaphore_mem>>
    %dma_wait3A_949 = arith.constant 0 : i32
    %dma_wait3A_950 = tpu.memref_slice %arg3[%add3A_938, %dma_wait3A_949] : memref<8192x4096xf32, #tpu.memory_space<hbm>> -> memref<32x1024xf32, #tpu.memory_space<hbm>>
    %dma_wait3A_951 = arith.constant 0 : i32
    %dma_wait3A_952 = arith.constant 0 : i32
    %dma_wait3A_953 = tpu.memref_slice %arg4[%dma_wait3A_939, %dma_wait3A_951, %dma_wait3A_952] : memref<2x32x1024xf32, #tpu.memory_space<vmem>> -> memref<1x32x1024xf32, #tpu.memory_space<vmem>>
    %dma_wait3A_954 = tpu.memref_squeeze %dma_wait3A_953 : memref<1x32x1024xf32, #tpu.memory_space<vmem>> -> memref<32x1024xf32, #tpu.memory_space<vmem>>
    tpu.wait_dma2 semaphore(%dma_wait3A_948 : memref<!tpu.dma_semaphore, #tpu.memory_space<semaphore_mem>>) src(%dma_wait3A_954 : memref<32x1024xf32, #tpu.memory_space<vmem>>) dst(%dma_wait3A_950 : memref<32x1024xf32, #tpu.memory_space<hbm>>)
    %add3A_955 = arith.constant 128 : i32
    %add3A_956 = arith.addi %mul3A_2, %add3A_955 : i32
    %dma_wait3A_957 = arith.constant 0 : i32
    %dma_wait3A_958 = arith.constant 0 : i32
    %dma_wait3A_959 = arith.constant 0 : i32
    %dma_wait3A_960 = arith.constant 0 : i32
    %dma_wait3A_961 = tpu.memref_slice %arg4[%dma_wait3A_957, %dma_wait3A_959, %dma_wait3A_960] : memref<2x32x1024xf32, #tpu.memory_space<vmem>> -> memref<1x32x1024xf32, #tpu.memory_space<vmem>>
    %dma_wait3A_962 = tpu.memref_squeeze %dma_wait3A_961 : memref<1x32x1024xf32, #tpu.memory_space<vmem>> -> memref<32x1024xf32, #tpu.memory_space<vmem>>
    %dma_wait3A_963 = arith.constant 1024 : i32
    %dma_wait3A_964 = tpu.memref_slice %arg3[%add3A_956, %dma_wait3A_963] : memref<8192x4096xf32, #tpu.memory_space<hbm>> -> memref<32x1024xf32, #tpu.memory_space<hbm>>
    %dma_wait3A_965 = tpu.memref_slice %arg6[%dma_wait3A_958] : memref<2x!tpu.dma_semaphore, #tpu.memory_space<semaphore_mem>> -> memref<1x!tpu.dma_semaphore, #tpu.memory_space<semaphore_mem>>
    %dma_wait3A_966 = tpu.memref_squeeze %dma_wait3A_965 : memref<1x!tpu.dma_semaphore, #tpu.memory_space<semaphore_mem>> -> memref<!tpu.dma_semaphore, #tpu.memory_space<semaphore_mem>>
    %dma_wait3A_967 = arith.constant 1024 : i32
    %dma_wait3A_968 = tpu.memref_slice %arg3[%add3A_956, %dma_wait3A_967] : memref<8192x4096xf32, #tpu.memory_space<hbm>> -> memref<32x1024xf32, #tpu.memory_space<hbm>>
    %dma_wait3A_969 = arith.constant 0 : i32
    %dma_wait3A_970 = arith.constant 0 : i32
    %dma_wait3A_971 = tpu.memref_slice %arg4[%dma_wait3A_957, %dma_wait3A_969, %dma_wait3A_970] : memref<2x32x1024xf32, #tpu.memory_space<vmem>> -> memref<1x32x1024xf32, #tpu.memory_space<vmem>>
    %dma_wait3A_972 = tpu.memref_squeeze %dma_wait3A_971 : memref<1x32x1024xf32, #tpu.memory_space<vmem>> -> memref<32x1024xf32, #tpu.memory_space<vmem>>
    tpu.wait_dma2 semaphore(%dma_wait3A_966 : memref<!tpu.dma_semaphore, #tpu.memory_space<semaphore_mem>>) src(%dma_wait3A_972 : memref<32x1024xf32, #tpu.memory_space<vmem>>) dst(%dma_wait3A_968 : memref<32x1024xf32, #tpu.memory_space<hbm>>)
    %add3A_973 = arith.constant 128 : i32
    %add3A_974 = arith.addi %mul3A_2, %add3A_973 : i32
    %dma_wait3A_975 = arith.constant 0 : i32
    %dma_wait3A_976 = arith.constant 0 : i32
    %dma_wait3A_977 = arith.constant 0 : i32
    %dma_wait3A_978 = arith.constant 0 : i32
    %dma_wait3A_979 = tpu.memref_slice %arg4[%dma_wait3A_975, %dma_wait3A_977, %dma_wait3A_978] : memref<2x32x1024xf32, #tpu.memory_space<vmem>> -> memref<1x32x1024xf32, #tpu.memory_space<vmem>>
    %dma_wait3A_980 = tpu.memref_squeeze %dma_wait3A_979 : memref<1x32x1024xf32, #tpu.memory_space<vmem>> -> memref<32x1024xf32, #tpu.memory_space<vmem>>
    %dma_wait3A_981 = arith.constant 2048 : i32
    %dma_wait3A_982 = tpu.memref_slice %arg3[%add3A_974, %dma_wait3A_981] : memref<8192x4096xf32, #tpu.memory_space<hbm>> -> memref<32x1024xf32, #tpu.memory_space<hbm>>
    %dma_wait3A_983 = tpu.memref_slice %arg6[%dma_wait3A_976] : memref<2x!tpu.dma_semaphore, #tpu.memory_space<semaphore_mem>> -> memref<1x!tpu.dma_semaphore, #tpu.memory_space<semaphore_mem>>
    %dma_wait3A_984 = tpu.memref_squeeze %dma_wait3A_983 : memref<1x!tpu.dma_semaphore, #tpu.memory_space<semaphore_mem>> -> memref<!tpu.dma_semaphore, #tpu.memory_space<semaphore_mem>>
    %dma_wait3A_985 = arith.constant 2048 : i32
    %dma_wait3A_986 = tpu.memref_slice %arg3[%add3A_974, %dma_wait3A_985] : memref<8192x4096xf32, #tpu.memory_space<hbm>> -> memref<32x1024xf32, #tpu.memory_space<hbm>>
    %dma_wait3A_987 = arith.constant 0 : i32
    %dma_wait3A_988 = arith.constant 0 : i32
    %dma_wait3A_989 = tpu.memref_slice %arg4[%dma_wait3A_975, %dma_wait3A_987, %dma_wait3A_988] : memref<2x32x1024xf32, #tpu.memory_space<vmem>> -> memref<1x32x1024xf32, #tpu.memory_space<vmem>>
    %dma_wait3A_990 = tpu.memref_squeeze %dma_wait3A_989 : memref<1x32x1024xf32, #tpu.memory_space<vmem>> -> memref<32x1024xf32, #tpu.memory_space<vmem>>
    tpu.wait_dma2 semaphore(%dma_wait3A_984 : memref<!tpu.dma_semaphore, #tpu.memory_space<semaphore_mem>>) src(%dma_wait3A_990 : memref<32x1024xf32, #tpu.memory_space<vmem>>) dst(%dma_wait3A_986 : memref<32x1024xf32, #tpu.memory_space<hbm>>)
    %add3A_991 = arith.constant 128 : i32
    %add3A_992 = arith.addi %mul3A_2, %add3A_991 : i32
    %dma_wait3A_993 = arith.constant 0 : i32
    %dma_wait3A_994 = arith.constant 0 : i32
    %dma_wait3A_995 = arith.constant 0 : i32
    %dma_wait3A_996 = arith.constant 0 : i32
    %dma_wait3A_997 = tpu.memref_slice %arg4[%dma_wait3A_993, %dma_wait3A_995, %dma_wait3A_996] : memref<2x32x1024xf32, #tpu.memory_space<vmem>> -> memref<1x32x1024xf32, #tpu.memory_space<vmem>>
    %dma_wait3A_998 = tpu.memref_squeeze %dma_wait3A_997 : memref<1x32x1024xf32, #tpu.memory_space<vmem>> -> memref<32x1024xf32, #tpu.memory_space<vmem>>
    %dma_wait3A_999 = arith.constant 3072 : i32
    %dma_wait3A_1000 = tpu.memref_slice %arg3[%add3A_992, %dma_wait3A_999] : memref<8192x4096xf32, #tpu.memory_space<hbm>> -> memref<32x1024xf32, #tpu.memory_space<hbm>>
    %dma_wait3A_1001 = tpu.memref_slice %arg6[%dma_wait3A_994] : memref<2x!tpu.dma_semaphore, #tpu.memory_space<semaphore_mem>> -> memref<1x!tpu.dma_semaphore, #tpu.memory_space<semaphore_mem>>
    %dma_wait3A_1002 = tpu.memref_squeeze %dma_wait3A_1001 : memref<1x!tpu.dma_semaphore, #tpu.memory_space<semaphore_mem>> -> memref<!tpu.dma_semaphore, #tpu.memory_space<semaphore_mem>>
    %dma_wait3A_1003 = arith.constant 3072 : i32
    %dma_wait3A_1004 = tpu.memref_slice %arg3[%add3A_992, %dma_wait3A_1003] : memref<8192x4096xf32, #tpu.memory_space<hbm>> -> memref<32x1024xf32, #tpu.memory_space<hbm>>
    %dma_wait3A_1005 = arith.constant 0 : i32
    %dma_wait3A_1006 = arith.constant 0 : i32
    %dma_wait3A_1007 = tpu.memref_slice %arg4[%dma_wait3A_993, %dma_wait3A_1005, %dma_wait3A_1006] : memref<2x32x1024xf32, #tpu.memory_space<vmem>> -> memref<1x32x1024xf32, #tpu.memory_space<vmem>>
    %dma_wait3A_1008 = tpu.memref_squeeze %dma_wait3A_1007 : memref<1x32x1024xf32, #tpu.memory_space<vmem>> -> memref<32x1024xf32, #tpu.memory_space<vmem>>
    tpu.wait_dma2 semaphore(%dma_wait3A_1002 : memref<!tpu.dma_semaphore, #tpu.memory_space<semaphore_mem>>) src(%dma_wait3A_1008 : memref<32x1024xf32, #tpu.memory_space<vmem>>) dst(%dma_wait3A_1004 : memref<32x1024xf32, #tpu.memory_space<hbm>>)
    %add3A_1009 = arith.constant 192 : i32
    %add3A_1010 = arith.addi %mul3A_2, %add3A_1009 : i32
    %dma_start3A_1011 = arith.constant 0 : i32
    %dma_start3A_1012 = arith.constant 0 : i32
    %dma_start3A_1013 = arith.constant 0 : i32
    %dma_start3A_1014 = arith.constant 0 : i32
    %dma_start3A_1015 = tpu.memref_slice %arg4[%dma_start3A_1011, %dma_start3A_1013, %dma_start3A_1014] : memref<2x32x1024xf32, #tpu.memory_space<vmem>> -> memref<1x32x1024xf32, #tpu.memory_space<vmem>>
    %dma_start3A_1016 = tpu.memref_squeeze %dma_start3A_1015 : memref<1x32x1024xf32, #tpu.memory_space<vmem>> -> memref<32x1024xf32, #tpu.memory_space<vmem>>
    %dma_start3A_1017 = arith.constant 0 : i32
    %dma_start3A_1018 = tpu.memref_slice %arg2[%add3A_1010, %dma_start3A_1017] : memref<8192x1024xf32, #tpu.memory_space<hbm>> -> memref<32x1024xf32, #tpu.memory_space<hbm>>
    %dma_start3A_1019 = tpu.memref_slice %arg5[%dma_start3A_1012] : memref<2x!tpu.dma_semaphore, #tpu.memory_space<semaphore_mem>> -> memref<1x!tpu.dma_semaphore, #tpu.memory_space<semaphore_mem>>
    %dma_start3A_1020 = tpu.memref_squeeze %dma_start3A_1019 : memref<1x!tpu.dma_semaphore, #tpu.memory_space<semaphore_mem>> -> memref<!tpu.dma_semaphore, #tpu.memory_space<semaphore_mem>>
    %dma_start3A_1021 = arith.constant 0 : i32
    %dma_start3A_1022 = arith.constant 0 : i32
    %dma_start3A_1023 = tpu.memref_slice %arg4[%dma_start3A_1011, %dma_start3A_1021, %dma_start3A_1022] : memref<2x32x1024xf32, #tpu.memory_space<vmem>> -> memref<1x32x1024xf32, #tpu.memory_space<vmem>>
    %dma_start3A_1024 = tpu.memref_squeeze %dma_start3A_1023 : memref<1x32x1024xf32, #tpu.memory_space<vmem>> -> memref<32x1024xf32, #tpu.memory_space<vmem>>
    %dma_start3A_1025 = arith.constant 0 : i32
    %dma_start3A_1026 = tpu.memref_slice %arg2[%add3A_1010, %dma_start3A_1025] : memref<8192x1024xf32, #tpu.memory_space<hbm>> -> memref<32x1024xf32, #tpu.memory_space<hbm>>
    tpu.enqueue_dma source(%dma_start3A_1026 : memref<32x1024xf32, #tpu.memory_space<hbm>>) target(%dma_start3A_1024 : memref<32x1024xf32, #tpu.memory_space<vmem>>) target_semaphore(%dma_start3A_1020 : memref<!tpu.dma_semaphore, #tpu.memory_space<semaphore_mem>>)
    %add3A_1027 = arith.constant 192 : i32
    %add3A_1028 = arith.addi %mul3A_2, %add3A_1027 : i32
    %dma_wait3A_1029 = arith.constant 0 : i32
    %dma_wait3A_1030 = arith.constant 0 : i32
    %dma_wait3A_1031 = arith.constant 0 : i32
    %dma_wait3A_1032 = arith.constant 0 : i32
    %dma_wait3A_1033 = tpu.memref_slice %arg4[%dma_wait3A_1029, %dma_wait3A_1031, %dma_wait3A_1032] : memref<2x32x1024xf32, #tpu.memory_space<vmem>> -> memref<1x32x1024xf32, #tpu.memory_space<vmem>>
    %dma_wait3A_1034 = tpu.memref_squeeze %dma_wait3A_1033 : memref<1x32x1024xf32, #tpu.memory_space<vmem>> -> memref<32x1024xf32, #tpu.memory_space<vmem>>
    %dma_wait3A_1035 = arith.constant 0 : i32
    %dma_wait3A_1036 = tpu.memref_slice %arg2[%add3A_1028, %dma_wait3A_1035] : memref<8192x1024xf32, #tpu.memory_space<hbm>> -> memref<32x1024xf32, #tpu.memory_space<hbm>>
    %dma_wait3A_1037 = tpu.memref_slice %arg5[%dma_wait3A_1030] : memref<2x!tpu.dma_semaphore, #tpu.memory_space<semaphore_mem>> -> memref<1x!tpu.dma_semaphore, #tpu.memory_space<semaphore_mem>>
    %dma_wait3A_1038 = tpu.memref_squeeze %dma_wait3A_1037 : memref<1x!tpu.dma_semaphore, #tpu.memory_space<semaphore_mem>> -> memref<!tpu.dma_semaphore, #tpu.memory_space<semaphore_mem>>
    %dma_wait3A_1039 = arith.constant 0 : i32
    %dma_wait3A_1040 = arith.constant 0 : i32
    %dma_wait3A_1041 = tpu.memref_slice %arg4[%dma_wait3A_1029, %dma_wait3A_1039, %dma_wait3A_1040] : memref<2x32x1024xf32, #tpu.memory_space<vmem>> -> memref<1x32x1024xf32, #tpu.memory_space<vmem>>
    %dma_wait3A_1042 = tpu.memref_squeeze %dma_wait3A_1041 : memref<1x32x1024xf32, #tpu.memory_space<vmem>> -> memref<32x1024xf32, #tpu.memory_space<vmem>>
    %dma_wait3A_1043 = arith.constant 0 : i32
    %dma_wait3A_1044 = tpu.memref_slice %arg2[%add3A_1028, %dma_wait3A_1043] : memref<8192x1024xf32, #tpu.memory_space<hbm>> -> memref<32x1024xf32, #tpu.memory_space<hbm>>
    tpu.wait_dma2 semaphore(%dma_wait3A_1038 : memref<!tpu.dma_semaphore, #tpu.memory_space<semaphore_mem>>) src(%dma_wait3A_1044 : memref<32x1024xf32, #tpu.memory_space<hbm>>) dst(%dma_wait3A_1042 : memref<32x1024xf32, #tpu.memory_space<vmem>>)
    %add3A_1045 = arith.constant 192 : i32
    %add3A_1046 = arith.addi %mul3A_2, %add3A_1045 : i32
    %dma_start3A_1047 = arith.constant 0 : i32
    %dma_start3A_1048 = arith.constant 0 : i32
    %dma_start3A_1049 = arith.constant 0 : i32
    %dma_start3A_1050 = arith.constant 0 : i32
    %dma_start3A_1051 = tpu.memref_slice %arg4[%dma_start3A_1047, %dma_start3A_1049, %dma_start3A_1050] : memref<2x32x1024xf32, #tpu.memory_space<vmem>> -> memref<1x32x1024xf32, #tpu.memory_space<vmem>>
    %dma_start3A_1052 = tpu.memref_squeeze %dma_start3A_1051 : memref<1x32x1024xf32, #tpu.memory_space<vmem>> -> memref<32x1024xf32, #tpu.memory_space<vmem>>
    %dma_start3A_1053 = arith.constant 0 : i32
    %dma_start3A_1054 = tpu.memref_slice %arg3[%add3A_1046, %dma_start3A_1053] : memref<8192x4096xf32, #tpu.memory_space<hbm>> -> memref<32x1024xf32, #tpu.memory_space<hbm>>
    %dma_start3A_1055 = tpu.memref_slice %arg6[%dma_start3A_1048] : memref<2x!tpu.dma_semaphore, #tpu.memory_space<semaphore_mem>> -> memref<1x!tpu.dma_semaphore, #tpu.memory_space<semaphore_mem>>
    %dma_start3A_1056 = tpu.memref_squeeze %dma_start3A_1055 : memref<1x!tpu.dma_semaphore, #tpu.memory_space<semaphore_mem>> -> memref<!tpu.dma_semaphore, #tpu.memory_space<semaphore_mem>>
    %dma_start3A_1057 = arith.constant 0 : i32
    %dma_start3A_1058 = tpu.memref_slice %arg3[%add3A_1046, %dma_start3A_1057] : memref<8192x4096xf32, #tpu.memory_space<hbm>> -> memref<32x1024xf32, #tpu.memory_space<hbm>>
    %dma_start3A_1059 = arith.constant 0 : i32
    %dma_start3A_1060 = arith.constant 0 : i32
    %dma_start3A_1061 = tpu.memref_slice %arg4[%dma_start3A_1047, %dma_start3A_1059, %dma_start3A_1060] : memref<2x32x1024xf32, #tpu.memory_space<vmem>> -> memref<1x32x1024xf32, #tpu.memory_space<vmem>>
    %dma_start3A_1062 = tpu.memref_squeeze %dma_start3A_1061 : memref<1x32x1024xf32, #tpu.memory_space<vmem>> -> memref<32x1024xf32, #tpu.memory_space<vmem>>
    tpu.enqueue_dma source(%dma_start3A_1062 : memref<32x1024xf32, #tpu.memory_space<vmem>>) target(%dma_start3A_1058 : memref<32x1024xf32, #tpu.memory_space<hbm>>) target_semaphore(%dma_start3A_1056 : memref<!tpu.dma_semaphore, #tpu.memory_space<semaphore_mem>>)
    %add3A_1063 = arith.constant 192 : i32
    %add3A_1064 = arith.addi %mul3A_2, %add3A_1063 : i32
    %dma_start3A_1065 = arith.constant 0 : i32
    %dma_start3A_1066 = arith.constant 0 : i32
    %dma_start3A_1067 = arith.constant 0 : i32
    %dma_start3A_1068 = arith.constant 0 : i32
    %dma_start3A_1069 = tpu.memref_slice %arg4[%dma_start3A_1065, %dma_start3A_1067, %dma_start3A_1068] : memref<2x32x1024xf32, #tpu.memory_space<vmem>> -> memref<1x32x1024xf32, #tpu.memory_space<vmem>>
    %dma_start3A_1070 = tpu.memref_squeeze %dma_start3A_1069 : memref<1x32x1024xf32, #tpu.memory_space<vmem>> -> memref<32x1024xf32, #tpu.memory_space<vmem>>
    %dma_start3A_1071 = arith.constant 1024 : i32
    %dma_start3A_1072 = tpu.memref_slice %arg3[%add3A_1064, %dma_start3A_1071] : memref<8192x4096xf32, #tpu.memory_space<hbm>> -> memref<32x1024xf32, #tpu.memory_space<hbm>>
    %dma_start3A_1073 = tpu.memref_slice %arg6[%dma_start3A_1066] : memref<2x!tpu.dma_semaphore, #tpu.memory_space<semaphore_mem>> -> memref<1x!tpu.dma_semaphore, #tpu.memory_space<semaphore_mem>>
    %dma_start3A_1074 = tpu.memref_squeeze %dma_start3A_1073 : memref<1x!tpu.dma_semaphore, #tpu.memory_space<semaphore_mem>> -> memref<!tpu.dma_semaphore, #tpu.memory_space<semaphore_mem>>
    %dma_start3A_1075 = arith.constant 1024 : i32
    %dma_start3A_1076 = tpu.memref_slice %arg3[%add3A_1064, %dma_start3A_1075] : memref<8192x4096xf32, #tpu.memory_space<hbm>> -> memref<32x1024xf32, #tpu.memory_space<hbm>>
    %dma_start3A_1077 = arith.constant 0 : i32
    %dma_start3A_1078 = arith.constant 0 : i32
    %dma_start3A_1079 = tpu.memref_slice %arg4[%dma_start3A_1065, %dma_start3A_1077, %dma_start3A_1078] : memref<2x32x1024xf32, #tpu.memory_space<vmem>> -> memref<1x32x1024xf32, #tpu.memory_space<vmem>>
    %dma_start3A_1080 = tpu.memref_squeeze %dma_start3A_1079 : memref<1x32x1024xf32, #tpu.memory_space<vmem>> -> memref<32x1024xf32, #tpu.memory_space<vmem>>
    tpu.enqueue_dma source(%dma_start3A_1080 : memref<32x1024xf32, #tpu.memory_space<vmem>>) target(%dma_start3A_1076 : memref<32x1024xf32, #tpu.memory_space<hbm>>) target_semaphore(%dma_start3A_1074 : memref<!tpu.dma_semaphore, #tpu.memory_space<semaphore_mem>>)
    %add3A_1081 = arith.constant 192 : i32
    %add3A_1082 = arith.addi %mul3A_2, %add3A_1081 : i32
    %dma_start3A_1083 = arith.constant 0 : i32
    %dma_start3A_1084 = arith.constant 0 : i32
    %dma_start3A_1085 = arith.constant 0 : i32
    %dma_start3A_1086 = arith.constant 0 : i32
    %dma_start3A_1087 = tpu.memref_slice %arg4[%dma_start3A_1083, %dma_start3A_1085, %dma_start3A_1086] : memref<2x32x1024xf32, #tpu.memory_space<vmem>> -> memref<1x32x1024xf32, #tpu.memory_space<vmem>>
    %dma_start3A_1088 = tpu.memref_squeeze %dma_start3A_1087 : memref<1x32x1024xf32, #tpu.memory_space<vmem>> -> memref<32x1024xf32, #tpu.memory_space<vmem>>
    %dma_start3A_1089 = arith.constant 2048 : i32
    %dma_start3A_1090 = tpu.memref_slice %arg3[%add3A_1082, %dma_start3A_1089] : memref<8192x4096xf32, #tpu.memory_space<hbm>> -> memref<32x1024xf32, #tpu.memory_space<hbm>>
    %dma_start3A_1091 = tpu.memref_slice %arg6[%dma_start3A_1084] : memref<2x!tpu.dma_semaphore, #tpu.memory_space<semaphore_mem>> -> memref<1x!tpu.dma_semaphore, #tpu.memory_space<semaphore_mem>>
    %dma_start3A_1092 = tpu.memref_squeeze %dma_start3A_1091 : memref<1x!tpu.dma_semaphore, #tpu.memory_space<semaphore_mem>> -> memref<!tpu.dma_semaphore, #tpu.memory_space<semaphore_mem>>
    %dma_start3A_1093 = arith.constant 2048 : i32
    %dma_start3A_1094 = tpu.memref_slice %arg3[%add3A_1082, %dma_start3A_1093] : memref<8192x4096xf32, #tpu.memory_space<hbm>> -> memref<32x1024xf32, #tpu.memory_space<hbm>>
    %dma_start3A_1095 = arith.constant 0 : i32
    %dma_start3A_1096 = arith.constant 0 : i32
    %dma_start3A_1097 = tpu.memref_slice %arg4[%dma_start3A_1083, %dma_start3A_1095, %dma_start3A_1096] : memref<2x32x1024xf32, #tpu.memory_space<vmem>> -> memref<1x32x1024xf32, #tpu.memory_space<vmem>>
    %dma_start3A_1098 = tpu.memref_squeeze %dma_start3A_1097 : memref<1x32x1024xf32, #tpu.memory_space<vmem>> -> memref<32x1024xf32, #tpu.memory_space<vmem>>
    tpu.enqueue_dma source(%dma_start3A_1098 : memref<32x1024xf32, #tpu.memory_space<vmem>>) target(%dma_start3A_1094 : memref<32x1024xf32, #tpu.memory_space<hbm>>) target_semaphore(%dma_start3A_1092 : memref<!tpu.dma_semaphore, #tpu.memory_space<semaphore_mem>>)
    %add3A_1099 = arith.constant 192 : i32
    %add3A_1100 = arith.addi %mul3A_2, %add3A_1099 : i32
    %dma_start3A_1101 = arith.constant 0 : i32
    %dma_start3A_1102 = arith.constant 0 : i32
    %dma_start3A_1103 = arith.constant 0 : i32
    %dma_start3A_1104 = arith.constant 0 : i32
    %dma_start3A_1105 = tpu.memref_slice %arg4[%dma_start3A_1101, %dma_start3A_1103, %dma_start3A_1104] : memref<2x32x1024xf32, #tpu.memory_space<vmem>> -> memref<1x32x1024xf32, #tpu.memory_space<vmem>>
    %dma_start3A_1106 = tpu.memref_squeeze %dma_start3A_1105 : memref<1x32x1024xf32, #tpu.memory_space<vmem>> -> memref<32x1024xf32, #tpu.memory_space<vmem>>
    %dma_start3A_1107 = arith.constant 3072 : i32
    %dma_start3A_1108 = tpu.memref_slice %arg3[%add3A_1100, %dma_start3A_1107] : memref<8192x4096xf32, #tpu.memory_space<hbm>> -> memref<32x1024xf32, #tpu.memory_space<hbm>>
    %dma_start3A_1109 = tpu.memref_slice %arg6[%dma_start3A_1102] : memref<2x!tpu.dma_semaphore, #tpu.memory_space<semaphore_mem>> -> memref<1x!tpu.dma_semaphore, #tpu.memory_space<semaphore_mem>>
    %dma_start3A_1110 = tpu.memref_squeeze %dma_start3A_1109 : memref<1x!tpu.dma_semaphore, #tpu.memory_space<semaphore_mem>> -> memref<!tpu.dma_semaphore, #tpu.memory_space<semaphore_mem>>
    %dma_start3A_1111 = arith.constant 3072 : i32
    %dma_start3A_1112 = tpu.memref_slice %arg3[%add3A_1100, %dma_start3A_1111] : memref<8192x4096xf32, #tpu.memory_space<hbm>> -> memref<32x1024xf32, #tpu.memory_space<hbm>>
    %dma_start3A_1113 = arith.constant 0 : i32
    %dma_start3A_1114 = arith.constant 0 : i32
    %dma_start3A_1115 = tpu.memref_slice %arg4[%dma_start3A_1101, %dma_start3A_1113, %dma_start3A_1114] : memref<2x32x1024xf32, #tpu.memory_space<vmem>> -> memref<1x32x1024xf32, #tpu.memory_space<vmem>>
    %dma_start3A_1116 = tpu.memref_squeeze %dma_start3A_1115 : memref<1x32x1024xf32, #tpu.memory_space<vmem>> -> memref<32x1024xf32, #tpu.memory_space<vmem>>
    tpu.enqueue_dma source(%dma_start3A_1116 : memref<32x1024xf32, #tpu.memory_space<vmem>>) target(%dma_start3A_1112 : memref<32x1024xf32, #tpu.memory_space<hbm>>) target_semaphore(%dma_start3A_1110 : memref<!tpu.dma_semaphore, #tpu.memory_space<semaphore_mem>>)
    %add3A_1117 = arith.constant 160 : i32
    %add3A_1118 = arith.addi %mul3A_2, %add3A_1117 : i32
    %dma_wait3A_1119 = arith.constant 1 : i32
    %dma_wait3A_1120 = arith.constant 1 : i32
    %dma_wait3A_1121 = arith.constant 0 : i32
    %dma_wait3A_1122 = arith.constant 0 : i32
    %dma_wait3A_1123 = tpu.memref_slice %arg4[%dma_wait3A_1119, %dma_wait3A_1121, %dma_wait3A_1122] : memref<2x32x1024xf32, #tpu.memory_space<vmem>> -> memref<1x32x1024xf32, #tpu.memory_space<vmem>>
    %dma_wait3A_1124 = tpu.memref_squeeze %dma_wait3A_1123 : memref<1x32x1024xf32, #tpu.memory_space<vmem>> -> memref<32x1024xf32, #tpu.memory_space<vmem>>
    %dma_wait3A_1125 = arith.constant 0 : i32
    %dma_wait3A_1126 = tpu.memref_slice %arg3[%add3A_1118, %dma_wait3A_1125] : memref<8192x4096xf32, #tpu.memory_space<hbm>> -> memref<32x1024xf32, #tpu.memory_space<hbm>>
    %dma_wait3A_1127 = tpu.memref_slice %arg6[%dma_wait3A_1120] : memref<2x!tpu.dma_semaphore, #tpu.memory_space<semaphore_mem>> -> memref<1x!tpu.dma_semaphore, #tpu.memory_space<semaphore_mem>>
    %dma_wait3A_1128 = tpu.memref_squeeze %dma_wait3A_1127 : memref<1x!tpu.dma_semaphore, #tpu.memory_space<semaphore_mem>> -> memref<!tpu.dma_semaphore, #tpu.memory_space<semaphore_mem>>
    %dma_wait3A_1129 = arith.constant 0 : i32
    %dma_wait3A_1130 = tpu.memref_slice %arg3[%add3A_1118, %dma_wait3A_1129] : memref<8192x4096xf32, #tpu.memory_space<hbm>> -> memref<32x1024xf32, #tpu.memory_space<hbm>>
    %dma_wait3A_1131 = arith.constant 0 : i32
    %dma_wait3A_1132 = arith.constant 0 : i32
    %dma_wait3A_1133 = tpu.memref_slice %arg4[%dma_wait3A_1119, %dma_wait3A_1131, %dma_wait3A_1132] : memref<2x32x1024xf32, #tpu.memory_space<vmem>> -> memref<1x32x1024xf32, #tpu.memory_space<vmem>>
    %dma_wait3A_1134 = tpu.memref_squeeze %dma_wait3A_1133 : memref<1x32x1024xf32, #tpu.memory_space<vmem>> -> memref<32x1024xf32, #tpu.memory_space<vmem>>
    tpu.wait_dma2 semaphore(%dma_wait3A_1128 : memref<!tpu.dma_semaphore, #tpu.memory_space<semaphore_mem>>) src(%dma_wait3A_1134 : memref<32x1024xf32, #tpu.memory_space<vmem>>) dst(%dma_wait3A_1130 : memref<32x1024xf32, #tpu.memory_space<hbm>>)
    %add3A_1135 = arith.constant 160 : i32
    %add3A_1136 = arith.addi %mul3A_2, %add3A_1135 : i32
    %dma_wait3A_1137 = arith.constant 1 : i32
    %dma_wait3A_1138 = arith.constant 1 : i32
    %dma_wait3A_1139 = arith.constant 0 : i32
    %dma_wait3A_1140 = arith.constant 0 : i32
    %dma_wait3A_1141 = tpu.memref_slice %arg4[%dma_wait3A_1137, %dma_wait3A_1139, %dma_wait3A_1140] : memref<2x32x1024xf32, #tpu.memory_space<vmem>> -> memref<1x32x1024xf32, #tpu.memory_space<vmem>>
    %dma_wait3A_1142 = tpu.memref_squeeze %dma_wait3A_1141 : memref<1x32x1024xf32, #tpu.memory_space<vmem>> -> memref<32x1024xf32, #tpu.memory_space<vmem>>
    %dma_wait3A_1143 = arith.constant 1024 : i32
    %dma_wait3A_1144 = tpu.memref_slice %arg3[%add3A_1136, %dma_wait3A_1143] : memref<8192x4096xf32, #tpu.memory_space<hbm>> -> memref<32x1024xf32, #tpu.memory_space<hbm>>
    %dma_wait3A_1145 = tpu.memref_slice %arg6[%dma_wait3A_1138] : memref<2x!tpu.dma_semaphore, #tpu.memory_space<semaphore_mem>> -> memref<1x!tpu.dma_semaphore, #tpu.memory_space<semaphore_mem>>
    %dma_wait3A_1146 = tpu.memref_squeeze %dma_wait3A_1145 : memref<1x!tpu.dma_semaphore, #tpu.memory_space<semaphore_mem>> -> memref<!tpu.dma_semaphore, #tpu.memory_space<semaphore_mem>>
    %dma_wait3A_1147 = arith.constant 1024 : i32
    %dma_wait3A_1148 = tpu.memref_slice %arg3[%add3A_1136, %dma_wait3A_1147] : memref<8192x4096xf32, #tpu.memory_space<hbm>> -> memref<32x1024xf32, #tpu.memory_space<hbm>>
    %dma_wait3A_1149 = arith.constant 0 : i32
    %dma_wait3A_1150 = arith.constant 0 : i32
    %dma_wait3A_1151 = tpu.memref_slice %arg4[%dma_wait3A_1137, %dma_wait3A_1149, %dma_wait3A_1150] : memref<2x32x1024xf32, #tpu.memory_space<vmem>> -> memref<1x32x1024xf32, #tpu.memory_space<vmem>>
    %dma_wait3A_1152 = tpu.memref_squeeze %dma_wait3A_1151 : memref<1x32x1024xf32, #tpu.memory_space<vmem>> -> memref<32x1024xf32, #tpu.memory_space<vmem>>
    tpu.wait_dma2 semaphore(%dma_wait3A_1146 : memref<!tpu.dma_semaphore, #tpu.memory_space<semaphore_mem>>) src(%dma_wait3A_1152 : memref<32x1024xf32, #tpu.memory_space<vmem>>) dst(%dma_wait3A_1148 : memref<32x1024xf32, #tpu.memory_space<hbm>>)
    %add3A_1153 = arith.constant 160 : i32
    %add3A_1154 = arith.addi %mul3A_2, %add3A_1153 : i32
    %dma_wait3A_1155 = arith.constant 1 : i32
    %dma_wait3A_1156 = arith.constant 1 : i32
    %dma_wait3A_1157 = arith.constant 0 : i32
    %dma_wait3A_1158 = arith.constant 0 : i32
    %dma_wait3A_1159 = tpu.memref_slice %arg4[%dma_wait3A_1155, %dma_wait3A_1157, %dma_wait3A_1158] : memref<2x32x1024xf32, #tpu.memory_space<vmem>> -> memref<1x32x1024xf32, #tpu.memory_space<vmem>>
    %dma_wait3A_1160 = tpu.memref_squeeze %dma_wait3A_1159 : memref<1x32x1024xf32, #tpu.memory_space<vmem>> -> memref<32x1024xf32, #tpu.memory_space<vmem>>
    %dma_wait3A_1161 = arith.constant 2048 : i32
    %dma_wait3A_1162 = tpu.memref_slice %arg3[%add3A_1154, %dma_wait3A_1161] : memref<8192x4096xf32, #tpu.memory_space<hbm>> -> memref<32x1024xf32, #tpu.memory_space<hbm>>
    %dma_wait3A_1163 = tpu.memref_slice %arg6[%dma_wait3A_1156] : memref<2x!tpu.dma_semaphore, #tpu.memory_space<semaphore_mem>> -> memref<1x!tpu.dma_semaphore, #tpu.memory_space<semaphore_mem>>
    %dma_wait3A_1164 = tpu.memref_squeeze %dma_wait3A_1163 : memref<1x!tpu.dma_semaphore, #tpu.memory_space<semaphore_mem>> -> memref<!tpu.dma_semaphore, #tpu.memory_space<semaphore_mem>>
    %dma_wait3A_1165 = arith.constant 2048 : i32
    %dma_wait3A_1166 = tpu.memref_slice %arg3[%add3A_1154, %dma_wait3A_1165] : memref<8192x4096xf32, #tpu.memory_space<hbm>> -> memref<32x1024xf32, #tpu.memory_space<hbm>>
    %dma_wait3A_1167 = arith.constant 0 : i32
    %dma_wait3A_1168 = arith.constant 0 : i32
    %dma_wait3A_1169 = tpu.memref_slice %arg4[%dma_wait3A_1155, %dma_wait3A_1167, %dma_wait3A_1168] : memref<2x32x1024xf32, #tpu.memory_space<vmem>> -> memref<1x32x1024xf32, #tpu.memory_space<vmem>>
    %dma_wait3A_1170 = tpu.memref_squeeze %dma_wait3A_1169 : memref<1x32x1024xf32, #tpu.memory_space<vmem>> -> memref<32x1024xf32, #tpu.memory_space<vmem>>
    tpu.wait_dma2 semaphore(%dma_wait3A_1164 : memref<!tpu.dma_semaphore, #tpu.memory_space<semaphore_mem>>) src(%dma_wait3A_1170 : memref<32x1024xf32, #tpu.memory_space<vmem>>) dst(%dma_wait3A_1166 : memref<32x1024xf32, #tpu.memory_space<hbm>>)
    %add3A_1171 = arith.constant 160 : i32
    %add3A_1172 = arith.addi %mul3A_2, %add3A_1171 : i32
    %dma_wait3A_1173 = arith.constant 1 : i32
    %dma_wait3A_1174 = arith.constant 1 : i32
    %dma_wait3A_1175 = arith.constant 0 : i32
    %dma_wait3A_1176 = arith.constant 0 : i32
    %dma_wait3A_1177 = tpu.memref_slice %arg4[%dma_wait3A_1173, %dma_wait3A_1175, %dma_wait3A_1176] : memref<2x32x1024xf32, #tpu.memory_space<vmem>> -> memref<1x32x1024xf32, #tpu.memory_space<vmem>>
    %dma_wait3A_1178 = tpu.memref_squeeze %dma_wait3A_1177 : memref<1x32x1024xf32, #tpu.memory_space<vmem>> -> memref<32x1024xf32, #tpu.memory_space<vmem>>
    %dma_wait3A_1179 = arith.constant 3072 : i32
    %dma_wait3A_1180 = tpu.memref_slice %arg3[%add3A_1172, %dma_wait3A_1179] : memref<8192x4096xf32, #tpu.memory_space<hbm>> -> memref<32x1024xf32, #tpu.memory_space<hbm>>
    %dma_wait3A_1181 = tpu.memref_slice %arg6[%dma_wait3A_1174] : memref<2x!tpu.dma_semaphore, #tpu.memory_space<semaphore_mem>> -> memref<1x!tpu.dma_semaphore, #tpu.memory_space<semaphore_mem>>
    %dma_wait3A_1182 = tpu.memref_squeeze %dma_wait3A_1181 : memref<1x!tpu.dma_semaphore, #tpu.memory_space<semaphore_mem>> -> memref<!tpu.dma_semaphore, #tpu.memory_space<semaphore_mem>>
    %dma_wait3A_1183 = arith.constant 3072 : i32
    %dma_wait3A_1184 = tpu.memref_slice %arg3[%add3A_1172, %dma_wait3A_1183] : memref<8192x4096xf32, #tpu.memory_space<hbm>> -> memref<32x1024xf32, #tpu.memory_space<hbm>>
    %dma_wait3A_1185 = arith.constant 0 : i32
    %dma_wait3A_1186 = arith.constant 0 : i32
    %dma_wait3A_1187 = tpu.memref_slice %arg4[%dma_wait3A_1173, %dma_wait3A_1185, %dma_wait3A_1186] : memref<2x32x1024xf32, #tpu.memory_space<vmem>> -> memref<1x32x1024xf32, #tpu.memory_space<vmem>>
    %dma_wait3A_1188 = tpu.memref_squeeze %dma_wait3A_1187 : memref<1x32x1024xf32, #tpu.memory_space<vmem>> -> memref<32x1024xf32, #tpu.memory_space<vmem>>
    tpu.wait_dma2 semaphore(%dma_wait3A_1182 : memref<!tpu.dma_semaphore, #tpu.memory_space<semaphore_mem>>) src(%dma_wait3A_1188 : memref<32x1024xf32, #tpu.memory_space<vmem>>) dst(%dma_wait3A_1184 : memref<32x1024xf32, #tpu.memory_space<hbm>>)
    %add3A_1189 = arith.constant 224 : i32
    %add3A_1190 = arith.addi %mul3A_2, %add3A_1189 : i32
    %dma_start3A_1191 = arith.constant 1 : i32
    %dma_start3A_1192 = arith.constant 1 : i32
    %dma_start3A_1193 = arith.constant 0 : i32
    %dma_start3A_1194 = arith.constant 0 : i32
    %dma_start3A_1195 = tpu.memref_slice %arg4[%dma_start3A_1191, %dma_start3A_1193, %dma_start3A_1194] : memref<2x32x1024xf32, #tpu.memory_space<vmem>> -> memref<1x32x1024xf32, #tpu.memory_space<vmem>>
    %dma_start3A_1196 = tpu.memref_squeeze %dma_start3A_1195 : memref<1x32x1024xf32, #tpu.memory_space<vmem>> -> memref<32x1024xf32, #tpu.memory_space<vmem>>
    %dma_start3A_1197 = arith.constant 0 : i32
    %dma_start3A_1198 = tpu.memref_slice %arg2[%add3A_1190, %dma_start3A_1197] : memref<8192x1024xf32, #tpu.memory_space<hbm>> -> memref<32x1024xf32, #tpu.memory_space<hbm>>
    %dma_start3A_1199 = tpu.memref_slice %arg5[%dma_start3A_1192] : memref<2x!tpu.dma_semaphore, #tpu.memory_space<semaphore_mem>> -> memref<1x!tpu.dma_semaphore, #tpu.memory_space<semaphore_mem>>
    %dma_start3A_1200 = tpu.memref_squeeze %dma_start3A_1199 : memref<1x!tpu.dma_semaphore, #tpu.memory_space<semaphore_mem>> -> memref<!tpu.dma_semaphore, #tpu.memory_space<semaphore_mem>>
    %dma_start3A_1201 = arith.constant 0 : i32
    %dma_start3A_1202 = arith.constant 0 : i32
    %dma_start3A_1203 = tpu.memref_slice %arg4[%dma_start3A_1191, %dma_start3A_1201, %dma_start3A_1202] : memref<2x32x1024xf32, #tpu.memory_space<vmem>> -> memref<1x32x1024xf32, #tpu.memory_space<vmem>>
    %dma_start3A_1204 = tpu.memref_squeeze %dma_start3A_1203 : memref<1x32x1024xf32, #tpu.memory_space<vmem>> -> memref<32x1024xf32, #tpu.memory_space<vmem>>
    %dma_start3A_1205 = arith.constant 0 : i32
    %dma_start3A_1206 = tpu.memref_slice %arg2[%add3A_1190, %dma_start3A_1205] : memref<8192x1024xf32, #tpu.memory_space<hbm>> -> memref<32x1024xf32, #tpu.memory_space<hbm>>
    tpu.enqueue_dma source(%dma_start3A_1206 : memref<32x1024xf32, #tpu.memory_space<hbm>>) target(%dma_start3A_1204 : memref<32x1024xf32, #tpu.memory_space<vmem>>) target_semaphore(%dma_start3A_1200 : memref<!tpu.dma_semaphore, #tpu.memory_space<semaphore_mem>>)
    %add3A_1207 = arith.constant 224 : i32
    %add3A_1208 = arith.addi %mul3A_2, %add3A_1207 : i32
    %dma_wait3A_1209 = arith.constant 1 : i32
    %dma_wait3A_1210 = arith.constant 1 : i32
    %dma_wait3A_1211 = arith.constant 0 : i32
    %dma_wait3A_1212 = arith.constant 0 : i32
    %dma_wait3A_1213 = tpu.memref_slice %arg4[%dma_wait3A_1209, %dma_wait3A_1211, %dma_wait3A_1212] : memref<2x32x1024xf32, #tpu.memory_space<vmem>> -> memref<1x32x1024xf32, #tpu.memory_space<vmem>>
    %dma_wait3A_1214 = tpu.memref_squeeze %dma_wait3A_1213 : memref<1x32x1024xf32, #tpu.memory_space<vmem>> -> memref<32x1024xf32, #tpu.memory_space<vmem>>
    %dma_wait3A_1215 = arith.constant 0 : i32
    %dma_wait3A_1216 = tpu.memref_slice %arg2[%add3A_1208, %dma_wait3A_1215] : memref<8192x1024xf32, #tpu.memory_space<hbm>> -> memref<32x1024xf32, #tpu.memory_space<hbm>>
    %dma_wait3A_1217 = tpu.memref_slice %arg5[%dma_wait3A_1210] : memref<2x!tpu.dma_semaphore, #tpu.memory_space<semaphore_mem>> -> memref<1x!tpu.dma_semaphore, #tpu.memory_space<semaphore_mem>>
    %dma_wait3A_1218 = tpu.memref_squeeze %dma_wait3A_1217 : memref<1x!tpu.dma_semaphore, #tpu.memory_space<semaphore_mem>> -> memref<!tpu.dma_semaphore, #tpu.memory_space<semaphore_mem>>
    %dma_wait3A_1219 = arith.constant 0 : i32
    %dma_wait3A_1220 = arith.constant 0 : i32
    %dma_wait3A_1221 = tpu.memref_slice %arg4[%dma_wait3A_1209, %dma_wait3A_1219, %dma_wait3A_1220] : memref<2x32x1024xf32, #tpu.memory_space<vmem>> -> memref<1x32x1024xf32, #tpu.memory_space<vmem>>
    %dma_wait3A_1222 = tpu.memref_squeeze %dma_wait3A_1221 : memref<1x32x1024xf32, #tpu.memory_space<vmem>> -> memref<32x1024xf32, #tpu.memory_space<vmem>>
    %dma_wait3A_1223 = arith.constant 0 : i32
    %dma_wait3A_1224 = tpu.memref_slice %arg2[%add3A_1208, %dma_wait3A_1223] : memref<8192x1024xf32, #tpu.memory_space<hbm>> -> memref<32x1024xf32, #tpu.memory_space<hbm>>
    tpu.wait_dma2 semaphore(%dma_wait3A_1218 : memref<!tpu.dma_semaphore, #tpu.memory_space<semaphore_mem>>) src(%dma_wait3A_1224 : memref<32x1024xf32, #tpu.memory_space<hbm>>) dst(%dma_wait3A_1222 : memref<32x1024xf32, #tpu.memory_space<vmem>>)
    %add3A_1225 = arith.constant 224 : i32
    %add3A_1226 = arith.addi %mul3A_2, %add3A_1225 : i32
    %dma_start3A_1227 = arith.constant 1 : i32
    %dma_start3A_1228 = arith.constant 1 : i32
    %dma_start3A_1229 = arith.constant 0 : i32
    %dma_start3A_1230 = arith.constant 0 : i32
    %dma_start3A_1231 = tpu.memref_slice %arg4[%dma_start3A_1227, %dma_start3A_1229, %dma_start3A_1230] : memref<2x32x1024xf32, #tpu.memory_space<vmem>> -> memref<1x32x1024xf32, #tpu.memory_space<vmem>>
    %dma_start3A_1232 = tpu.memref_squeeze %dma_start3A_1231 : memref<1x32x1024xf32, #tpu.memory_space<vmem>> -> memref<32x1024xf32, #tpu.memory_space<vmem>>
    %dma_start3A_1233 = arith.constant 0 : i32
    %dma_start3A_1234 = tpu.memref_slice %arg3[%add3A_1226, %dma_start3A_1233] : memref<8192x4096xf32, #tpu.memory_space<hbm>> -> memref<32x1024xf32, #tpu.memory_space<hbm>>
    %dma_start3A_1235 = tpu.memref_slice %arg6[%dma_start3A_1228] : memref<2x!tpu.dma_semaphore, #tpu.memory_space<semaphore_mem>> -> memref<1x!tpu.dma_semaphore, #tpu.memory_space<semaphore_mem>>
    %dma_start3A_1236 = tpu.memref_squeeze %dma_start3A_1235 : memref<1x!tpu.dma_semaphore, #tpu.memory_space<semaphore_mem>> -> memref<!tpu.dma_semaphore, #tpu.memory_space<semaphore_mem>>
    %dma_start3A_1237 = arith.constant 0 : i32
    %dma_start3A_1238 = tpu.memref_slice %arg3[%add3A_1226, %dma_start3A_1237] : memref<8192x4096xf32, #tpu.memory_space<hbm>> -> memref<32x1024xf32, #tpu.memory_space<hbm>>
    %dma_start3A_1239 = arith.constant 0 : i32
    %dma_start3A_1240 = arith.constant 0 : i32
    %dma_start3A_1241 = tpu.memref_slice %arg4[%dma_start3A_1227, %dma_start3A_1239, %dma_start3A_1240] : memref<2x32x1024xf32, #tpu.memory_space<vmem>> -> memref<1x32x1024xf32, #tpu.memory_space<vmem>>
    %dma_start3A_1242 = tpu.memref_squeeze %dma_start3A_1241 : memref<1x32x1024xf32, #tpu.memory_space<vmem>> -> memref<32x1024xf32, #tpu.memory_space<vmem>>
    tpu.enqueue_dma source(%dma_start3A_1242 : memref<32x1024xf32, #tpu.memory_space<vmem>>) target(%dma_start3A_1238 : memref<32x1024xf32, #tpu.memory_space<hbm>>) target_semaphore(%dma_start3A_1236 : memref<!tpu.dma_semaphore, #tpu.memory_space<semaphore_mem>>)
    %add3A_1243 = arith.constant 224 : i32
    %add3A_1244 = arith.addi %mul3A_2, %add3A_1243 : i32
    %dma_start3A_1245 = arith.constant 1 : i32
    %dma_start3A_1246 = arith.constant 1 : i32
    %dma_start3A_1247 = arith.constant 0 : i32
    %dma_start3A_1248 = arith.constant 0 : i32
    %dma_start3A_1249 = tpu.memref_slice %arg4[%dma_start3A_1245, %dma_start3A_1247, %dma_start3A_1248] : memref<2x32x1024xf32, #tpu.memory_space<vmem>> -> memref<1x32x1024xf32, #tpu.memory_space<vmem>>
    %dma_start3A_1250 = tpu.memref_squeeze %dma_start3A_1249 : memref<1x32x1024xf32, #tpu.memory_space<vmem>> -> memref<32x1024xf32, #tpu.memory_space<vmem>>
    %dma_start3A_1251 = arith.constant 1024 : i32
    %dma_start3A_1252 = tpu.memref_slice %arg3[%add3A_1244, %dma_start3A_1251] : memref<8192x4096xf32, #tpu.memory_space<hbm>> -> memref<32x1024xf32, #tpu.memory_space<hbm>>
    %dma_start3A_1253 = tpu.memref_slice %arg6[%dma_start3A_1246] : memref<2x!tpu.dma_semaphore, #tpu.memory_space<semaphore_mem>> -> memref<1x!tpu.dma_semaphore, #tpu.memory_space<semaphore_mem>>
    %dma_start3A_1254 = tpu.memref_squeeze %dma_start3A_1253 : memref<1x!tpu.dma_semaphore, #tpu.memory_space<semaphore_mem>> -> memref<!tpu.dma_semaphore, #tpu.memory_space<semaphore_mem>>
    %dma_start3A_1255 = arith.constant 1024 : i32
    %dma_start3A_1256 = tpu.memref_slice %arg3[%add3A_1244, %dma_start3A_1255] : memref<8192x4096xf32, #tpu.memory_space<hbm>> -> memref<32x1024xf32, #tpu.memory_space<hbm>>
    %dma_start3A_1257 = arith.constant 0 : i32
    %dma_start3A_1258 = arith.constant 0 : i32
    %dma_start3A_1259 = tpu.memref_slice %arg4[%dma_start3A_1245, %dma_start3A_1257, %dma_start3A_1258] : memref<2x32x1024xf32, #tpu.memory_space<vmem>> -> memref<1x32x1024xf32, #tpu.memory_space<vmem>>
    %dma_start3A_1260 = tpu.memref_squeeze %dma_start3A_1259 : memref<1x32x1024xf32, #tpu.memory_space<vmem>> -> memref<32x1024xf32, #tpu.memory_space<vmem>>
    tpu.enqueue_dma source(%dma_start3A_1260 : memref<32x1024xf32, #tpu.memory_space<vmem>>) target(%dma_start3A_1256 : memref<32x1024xf32, #tpu.memory_space<hbm>>) target_semaphore(%dma_start3A_1254 : memref<!tpu.dma_semaphore, #tpu.memory_space<semaphore_mem>>)
    %add3A_1261 = arith.constant 224 : i32
    %add3A_1262 = arith.addi %mul3A_2, %add3A_1261 : i32
    %dma_start3A_1263 = arith.constant 1 : i32
    %dma_start3A_1264 = arith.constant 1 : i32
    %dma_start3A_1265 = arith.constant 0 : i32
    %dma_start3A_1266 = arith.constant 0 : i32
    %dma_start3A_1267 = tpu.memref_slice %arg4[%dma_start3A_1263, %dma_start3A_1265, %dma_start3A_1266] : memref<2x32x1024xf32, #tpu.memory_space<vmem>> -> memref<1x32x1024xf32, #tpu.memory_space<vmem>>
    %dma_start3A_1268 = tpu.memref_squeeze %dma_start3A_1267 : memref<1x32x1024xf32, #tpu.memory_space<vmem>> -> memref<32x1024xf32, #tpu.memory_space<vmem>>
    %dma_start3A_1269 = arith.constant 2048 : i32
    %dma_start3A_1270 = tpu.memref_slice %arg3[%add3A_1262, %dma_start3A_1269] : memref<8192x4096xf32, #tpu.memory_space<hbm>> -> memref<32x1024xf32, #tpu.memory_space<hbm>>
    %dma_start3A_1271 = tpu.memref_slice %arg6[%dma_start3A_1264] : memref<2x!tpu.dma_semaphore, #tpu.memory_space<semaphore_mem>> -> memref<1x!tpu.dma_semaphore, #tpu.memory_space<semaphore_mem>>
    %dma_start3A_1272 = tpu.memref_squeeze %dma_start3A_1271 : memref<1x!tpu.dma_semaphore, #tpu.memory_space<semaphore_mem>> -> memref<!tpu.dma_semaphore, #tpu.memory_space<semaphore_mem>>
    %dma_start3A_1273 = arith.constant 2048 : i32
    %dma_start3A_1274 = tpu.memref_slice %arg3[%add3A_1262, %dma_start3A_1273] : memref<8192x4096xf32, #tpu.memory_space<hbm>> -> memref<32x1024xf32, #tpu.memory_space<hbm>>
    %dma_start3A_1275 = arith.constant 0 : i32
    %dma_start3A_1276 = arith.constant 0 : i32
    %dma_start3A_1277 = tpu.memref_slice %arg4[%dma_start3A_1263, %dma_start3A_1275, %dma_start3A_1276] : memref<2x32x1024xf32, #tpu.memory_space<vmem>> -> memref<1x32x1024xf32, #tpu.memory_space<vmem>>
    %dma_start3A_1278 = tpu.memref_squeeze %dma_start3A_1277 : memref<1x32x1024xf32, #tpu.memory_space<vmem>> -> memref<32x1024xf32, #tpu.memory_space<vmem>>
    tpu.enqueue_dma source(%dma_start3A_1278 : memref<32x1024xf32, #tpu.memory_space<vmem>>) target(%dma_start3A_1274 : memref<32x1024xf32, #tpu.memory_space<hbm>>) target_semaphore(%dma_start3A_1272 : memref<!tpu.dma_semaphore, #tpu.memory_space<semaphore_mem>>)
    %add3A_1279 = arith.constant 224 : i32
    %add3A_1280 = arith.addi %mul3A_2, %add3A_1279 : i32
    %dma_start3A_1281 = arith.constant 1 : i32
    %dma_start3A_1282 = arith.constant 1 : i32
    %dma_start3A_1283 = arith.constant 0 : i32
    %dma_start3A_1284 = arith.constant 0 : i32
    %dma_start3A_1285 = tpu.memref_slice %arg4[%dma_start3A_1281, %dma_start3A_1283, %dma_start3A_1284] : memref<2x32x1024xf32, #tpu.memory_space<vmem>> -> memref<1x32x1024xf32, #tpu.memory_space<vmem>>
    %dma_start3A_1286 = tpu.memref_squeeze %dma_start3A_1285 : memref<1x32x1024xf32, #tpu.memory_space<vmem>> -> memref<32x1024xf32, #tpu.memory_space<vmem>>
    %dma_start3A_1287 = arith.constant 3072 : i32
    %dma_start3A_1288 = tpu.memref_slice %arg3[%add3A_1280, %dma_start3A_1287] : memref<8192x4096xf32, #tpu.memory_space<hbm>> -> memref<32x1024xf32, #tpu.memory_space<hbm>>
    %dma_start3A_1289 = tpu.memref_slice %arg6[%dma_start3A_1282] : memref<2x!tpu.dma_semaphore, #tpu.memory_space<semaphore_mem>> -> memref<1x!tpu.dma_semaphore, #tpu.memory_space<semaphore_mem>>
    %dma_start3A_1290 = tpu.memref_squeeze %dma_start3A_1289 : memref<1x!tpu.dma_semaphore, #tpu.memory_space<semaphore_mem>> -> memref<!tpu.dma_semaphore, #tpu.memory_space<semaphore_mem>>
    %dma_start3A_1291 = arith.constant 3072 : i32
    %dma_start3A_1292 = tpu.memref_slice %arg3[%add3A_1280, %dma_start3A_1291] : memref<8192x4096xf32, #tpu.memory_space<hbm>> -> memref<32x1024xf32, #tpu.memory_space<hbm>>
    %dma_start3A_1293 = arith.constant 0 : i32
    %dma_start3A_1294 = arith.constant 0 : i32
    %dma_start3A_1295 = tpu.memref_slice %arg4[%dma_start3A_1281, %dma_start3A_1293, %dma_start3A_1294] : memref<2x32x1024xf32, #tpu.memory_space<vmem>> -> memref<1x32x1024xf32, #tpu.memory_space<vmem>>
    %dma_start3A_1296 = tpu.memref_squeeze %dma_start3A_1295 : memref<1x32x1024xf32, #tpu.memory_space<vmem>> -> memref<32x1024xf32, #tpu.memory_space<vmem>>
    tpu.enqueue_dma source(%dma_start3A_1296 : memref<32x1024xf32, #tpu.memory_space<vmem>>) target(%dma_start3A_1292 : memref<32x1024xf32, #tpu.memory_space<hbm>>) target_semaphore(%dma_start3A_1290 : memref<!tpu.dma_semaphore, #tpu.memory_space<semaphore_mem>>)
    %add3A_1297 = arith.constant 192 : i32
    %add3A_1298 = arith.addi %mul3A_2, %add3A_1297 : i32
    %dma_wait3A_1299 = arith.constant 0 : i32
    %dma_wait3A_1300 = arith.constant 0 : i32
    %dma_wait3A_1301 = arith.constant 0 : i32
    %dma_wait3A_1302 = arith.constant 0 : i32
    %dma_wait3A_1303 = tpu.memref_slice %arg4[%dma_wait3A_1299, %dma_wait3A_1301, %dma_wait3A_1302] : memref<2x32x1024xf32, #tpu.memory_space<vmem>> -> memref<1x32x1024xf32, #tpu.memory_space<vmem>>
    %dma_wait3A_1304 = tpu.memref_squeeze %dma_wait3A_1303 : memref<1x32x1024xf32, #tpu.memory_space<vmem>> -> memref<32x1024xf32, #tpu.memory_space<vmem>>
    %dma_wait3A_1305 = arith.constant 0 : i32
    %dma_wait3A_1306 = tpu.memref_slice %arg3[%add3A_1298, %dma_wait3A_1305] : memref<8192x4096xf32, #tpu.memory_space<hbm>> -> memref<32x1024xf32, #tpu.memory_space<hbm>>
    %dma_wait3A_1307 = tpu.memref_slice %arg6[%dma_wait3A_1300] : memref<2x!tpu.dma_semaphore, #tpu.memory_space<semaphore_mem>> -> memref<1x!tpu.dma_semaphore, #tpu.memory_space<semaphore_mem>>
    %dma_wait3A_1308 = tpu.memref_squeeze %dma_wait3A_1307 : memref<1x!tpu.dma_semaphore, #tpu.memory_space<semaphore_mem>> -> memref<!tpu.dma_semaphore, #tpu.memory_space<semaphore_mem>>
    %dma_wait3A_1309 = arith.constant 0 : i32
    %dma_wait3A_1310 = tpu.memref_slice %arg3[%add3A_1298, %dma_wait3A_1309] : memref<8192x4096xf32, #tpu.memory_space<hbm>> -> memref<32x1024xf32, #tpu.memory_space<hbm>>
    %dma_wait3A_1311 = arith.constant 0 : i32
    %dma_wait3A_1312 = arith.constant 0 : i32
    %dma_wait3A_1313 = tpu.memref_slice %arg4[%dma_wait3A_1299, %dma_wait3A_1311, %dma_wait3A_1312] : memref<2x32x1024xf32, #tpu.memory_space<vmem>> -> memref<1x32x1024xf32, #tpu.memory_space<vmem>>
    %dma_wait3A_1314 = tpu.memref_squeeze %dma_wait3A_1313 : memref<1x32x1024xf32, #tpu.memory_space<vmem>> -> memref<32x1024xf32, #tpu.memory_space<vmem>>
    tpu.wait_dma2 semaphore(%dma_wait3A_1308 : memref<!tpu.dma_semaphore, #tpu.memory_space<semaphore_mem>>) src(%dma_wait3A_1314 : memref<32x1024xf32, #tpu.memory_space<vmem>>) dst(%dma_wait3A_1310 : memref<32x1024xf32, #tpu.memory_space<hbm>>)
    %add3A_1315 = arith.constant 192 : i32
    %add3A_1316 = arith.addi %mul3A_2, %add3A_1315 : i32
    %dma_wait3A_1317 = arith.constant 0 : i32
    %dma_wait3A_1318 = arith.constant 0 : i32
    %dma_wait3A_1319 = arith.constant 0 : i32
    %dma_wait3A_1320 = arith.constant 0 : i32
    %dma_wait3A_1321 = tpu.memref_slice %arg4[%dma_wait3A_1317, %dma_wait3A_1319, %dma_wait3A_1320] : memref<2x32x1024xf32, #tpu.memory_space<vmem>> -> memref<1x32x1024xf32, #tpu.memory_space<vmem>>
    %dma_wait3A_1322 = tpu.memref_squeeze %dma_wait3A_1321 : memref<1x32x1024xf32, #tpu.memory_space<vmem>> -> memref<32x1024xf32, #tpu.memory_space<vmem>>
    %dma_wait3A_1323 = arith.constant 1024 : i32
    %dma_wait3A_1324 = tpu.memref_slice %arg3[%add3A_1316, %dma_wait3A_1323] : memref<8192x4096xf32, #tpu.memory_space<hbm>> -> memref<32x1024xf32, #tpu.memory_space<hbm>>
    %dma_wait3A_1325 = tpu.memref_slice %arg6[%dma_wait3A_1318] : memref<2x!tpu.dma_semaphore, #tpu.memory_space<semaphore_mem>> -> memref<1x!tpu.dma_semaphore, #tpu.memory_space<semaphore_mem>>
    %dma_wait3A_1326 = tpu.memref_squeeze %dma_wait3A_1325 : memref<1x!tpu.dma_semaphore, #tpu.memory_space<semaphore_mem>> -> memref<!tpu.dma_semaphore, #tpu.memory_space<semaphore_mem>>
    %dma_wait3A_1327 = arith.constant 1024 : i32
    %dma_wait3A_1328 = tpu.memref_slice %arg3[%add3A_1316, %dma_wait3A_1327] : memref<8192x4096xf32, #tpu.memory_space<hbm>> -> memref<32x1024xf32, #tpu.memory_space<hbm>>
    %dma_wait3A_1329 = arith.constant 0 : i32
    %dma_wait3A_1330 = arith.constant 0 : i32
    %dma_wait3A_1331 = tpu.memref_slice %arg4[%dma_wait3A_1317, %dma_wait3A_1329, %dma_wait3A_1330] : memref<2x32x1024xf32, #tpu.memory_space<vmem>> -> memref<1x32x1024xf32, #tpu.memory_space<vmem>>
    %dma_wait3A_1332 = tpu.memref_squeeze %dma_wait3A_1331 : memref<1x32x1024xf32, #tpu.memory_space<vmem>> -> memref<32x1024xf32, #tpu.memory_space<vmem>>
    tpu.wait_dma2 semaphore(%dma_wait3A_1326 : memref<!tpu.dma_semaphore, #tpu.memory_space<semaphore_mem>>) src(%dma_wait3A_1332 : memref<32x1024xf32, #tpu.memory_space<vmem>>) dst(%dma_wait3A_1328 : memref<32x1024xf32, #tpu.memory_space<hbm>>)
    %add3A_1333 = arith.constant 192 : i32
    %add3A_1334 = arith.addi %mul3A_2, %add3A_1333 : i32
    %dma_wait3A_1335 = arith.constant 0 : i32
    %dma_wait3A_1336 = arith.constant 0 : i32
    %dma_wait3A_1337 = arith.constant 0 : i32
    %dma_wait3A_1338 = arith.constant 0 : i32
    %dma_wait3A_1339 = tpu.memref_slice %arg4[%dma_wait3A_1335, %dma_wait3A_1337, %dma_wait3A_1338] : memref<2x32x1024xf32, #tpu.memory_space<vmem>> -> memref<1x32x1024xf32, #tpu.memory_space<vmem>>
    %dma_wait3A_1340 = tpu.memref_squeeze %dma_wait3A_1339 : memref<1x32x1024xf32, #tpu.memory_space<vmem>> -> memref<32x1024xf32, #tpu.memory_space<vmem>>
    %dma_wait3A_1341 = arith.constant 2048 : i32
    %dma_wait3A_1342 = tpu.memref_slice %arg3[%add3A_1334, %dma_wait3A_1341] : memref<8192x4096xf32, #tpu.memory_space<hbm>> -> memref<32x1024xf32, #tpu.memory_space<hbm>>
    %dma_wait3A_1343 = tpu.memref_slice %arg6[%dma_wait3A_1336] : memref<2x!tpu.dma_semaphore, #tpu.memory_space<semaphore_mem>> -> memref<1x!tpu.dma_semaphore, #tpu.memory_space<semaphore_mem>>
    %dma_wait3A_1344 = tpu.memref_squeeze %dma_wait3A_1343 : memref<1x!tpu.dma_semaphore, #tpu.memory_space<semaphore_mem>> -> memref<!tpu.dma_semaphore, #tpu.memory_space<semaphore_mem>>
    %dma_wait3A_1345 = arith.constant 2048 : i32
    %dma_wait3A_1346 = tpu.memref_slice %arg3[%add3A_1334, %dma_wait3A_1345] : memref<8192x4096xf32, #tpu.memory_space<hbm>> -> memref<32x1024xf32, #tpu.memory_space<hbm>>
    %dma_wait3A_1347 = arith.constant 0 : i32
    %dma_wait3A_1348 = arith.constant 0 : i32
    %dma_wait3A_1349 = tpu.memref_slice %arg4[%dma_wait3A_1335, %dma_wait3A_1347, %dma_wait3A_1348] : memref<2x32x1024xf32, #tpu.memory_space<vmem>> -> memref<1x32x1024xf32, #tpu.memory_space<vmem>>
    %dma_wait3A_1350 = tpu.memref_squeeze %dma_wait3A_1349 : memref<1x32x1024xf32, #tpu.memory_space<vmem>> -> memref<32x1024xf32, #tpu.memory_space<vmem>>
    tpu.wait_dma2 semaphore(%dma_wait3A_1344 : memref<!tpu.dma_semaphore, #tpu.memory_space<semaphore_mem>>) src(%dma_wait3A_1350 : memref<32x1024xf32, #tpu.memory_space<vmem>>) dst(%dma_wait3A_1346 : memref<32x1024xf32, #tpu.memory_space<hbm>>)
    %add3A_1351 = arith.constant 192 : i32
    %add3A_1352 = arith.addi %mul3A_2, %add3A_1351 : i32
    %dma_wait3A_1353 = arith.constant 0 : i32
    %dma_wait3A_1354 = arith.constant 0 : i32
    %dma_wait3A_1355 = arith.constant 0 : i32
    %dma_wait3A_1356 = arith.constant 0 : i32
    %dma_wait3A_1357 = tpu.memref_slice %arg4[%dma_wait3A_1353, %dma_wait3A_1355, %dma_wait3A_1356] : memref<2x32x1024xf32, #tpu.memory_space<vmem>> -> memref<1x32x1024xf32, #tpu.memory_space<vmem>>
    %dma_wait3A_1358 = tpu.memref_squeeze %dma_wait3A_1357 : memref<1x32x1024xf32, #tpu.memory_space<vmem>> -> memref<32x1024xf32, #tpu.memory_space<vmem>>
    %dma_wait3A_1359 = arith.constant 3072 : i32
    %dma_wait3A_1360 = tpu.memref_slice %arg3[%add3A_1352, %dma_wait3A_1359] : memref<8192x4096xf32, #tpu.memory_space<hbm>> -> memref<32x1024xf32, #tpu.memory_space<hbm>>
    %dma_wait3A_1361 = tpu.memref_slice %arg6[%dma_wait3A_1354] : memref<2x!tpu.dma_semaphore, #tpu.memory_space<semaphore_mem>> -> memref<1x!tpu.dma_semaphore, #tpu.memory_space<semaphore_mem>>
    %dma_wait3A_1362 = tpu.memref_squeeze %dma_wait3A_1361 : memref<1x!tpu.dma_semaphore, #tpu.memory_space<semaphore_mem>> -> memref<!tpu.dma_semaphore, #tpu.memory_space<semaphore_mem>>
    %dma_wait3A_1363 = arith.constant 3072 : i32
    %dma_wait3A_1364 = tpu.memref_slice %arg3[%add3A_1352, %dma_wait3A_1363] : memref<8192x4096xf32, #tpu.memory_space<hbm>> -> memref<32x1024xf32, #tpu.memory_space<hbm>>
    %dma_wait3A_1365 = arith.constant 0 : i32
    %dma_wait3A_1366 = arith.constant 0 : i32
    %dma_wait3A_1367 = tpu.memref_slice %arg4[%dma_wait3A_1353, %dma_wait3A_1365, %dma_wait3A_1366] : memref<2x32x1024xf32, #tpu.memory_space<vmem>> -> memref<1x32x1024xf32, #tpu.memory_space<vmem>>
    %dma_wait3A_1368 = tpu.memref_squeeze %dma_wait3A_1367 : memref<1x32x1024xf32, #tpu.memory_space<vmem>> -> memref<32x1024xf32, #tpu.memory_space<vmem>>
    tpu.wait_dma2 semaphore(%dma_wait3A_1362 : memref<!tpu.dma_semaphore, #tpu.memory_space<semaphore_mem>>) src(%dma_wait3A_1368 : memref<32x1024xf32, #tpu.memory_space<vmem>>) dst(%dma_wait3A_1364 : memref<32x1024xf32, #tpu.memory_space<hbm>>)
    %add3A_1369 = arith.constant 224 : i32
    %add3A_1370 = arith.addi %mul3A_2, %add3A_1369 : i32
    %dma_wait3A_1371 = arith.constant 1 : i32
    %dma_wait3A_1372 = arith.constant 1 : i32
    %dma_wait3A_1373 = arith.constant 0 : i32
    %dma_wait3A_1374 = arith.constant 0 : i32
    %dma_wait3A_1375 = tpu.memref_slice %arg4[%dma_wait3A_1371, %dma_wait3A_1373, %dma_wait3A_1374] : memref<2x32x1024xf32, #tpu.memory_space<vmem>> -> memref<1x32x1024xf32, #tpu.memory_space<vmem>>
    %dma_wait3A_1376 = tpu.memref_squeeze %dma_wait3A_1375 : memref<1x32x1024xf32, #tpu.memory_space<vmem>> -> memref<32x1024xf32, #tpu.memory_space<vmem>>
    %dma_wait3A_1377 = arith.constant 0 : i32
    %dma_wait3A_1378 = tpu.memref_slice %arg3[%add3A_1370, %dma_wait3A_1377] : memref<8192x4096xf32, #tpu.memory_space<hbm>> -> memref<32x1024xf32, #tpu.memory_space<hbm>>
    %dma_wait3A_1379 = tpu.memref_slice %arg6[%dma_wait3A_1372] : memref<2x!tpu.dma_semaphore, #tpu.memory_space<semaphore_mem>> -> memref<1x!tpu.dma_semaphore, #tpu.memory_space<semaphore_mem>>
    %dma_wait3A_1380 = tpu.memref_squeeze %dma_wait3A_1379 : memref<1x!tpu.dma_semaphore, #tpu.memory_space<semaphore_mem>> -> memref<!tpu.dma_semaphore, #tpu.memory_space<semaphore_mem>>
    %dma_wait3A_1381 = arith.constant 0 : i32
    %dma_wait3A_1382 = tpu.memref_slice %arg3[%add3A_1370, %dma_wait3A_1381] : memref<8192x4096xf32, #tpu.memory_space<hbm>> -> memref<32x1024xf32, #tpu.memory_space<hbm>>
    %dma_wait3A_1383 = arith.constant 0 : i32
    %dma_wait3A_1384 = arith.constant 0 : i32
    %dma_wait3A_1385 = tpu.memref_slice %arg4[%dma_wait3A_1371, %dma_wait3A_1383, %dma_wait3A_1384] : memref<2x32x1024xf32, #tpu.memory_space<vmem>> -> memref<1x32x1024xf32, #tpu.memory_space<vmem>>
    %dma_wait3A_1386 = tpu.memref_squeeze %dma_wait3A_1385 : memref<1x32x1024xf32, #tpu.memory_space<vmem>> -> memref<32x1024xf32, #tpu.memory_space<vmem>>
    tpu.wait_dma2 semaphore(%dma_wait3A_1380 : memref<!tpu.dma_semaphore, #tpu.memory_space<semaphore_mem>>) src(%dma_wait3A_1386 : memref<32x1024xf32, #tpu.memory_space<vmem>>) dst(%dma_wait3A_1382 : memref<32x1024xf32, #tpu.memory_space<hbm>>)
    %add3A_1387 = arith.constant 224 : i32
    %add3A_1388 = arith.addi %mul3A_2, %add3A_1387 : i32
    %dma_wait3A_1389 = arith.constant 1 : i32
    %dma_wait3A_1390 = arith.constant 1 : i32
    %dma_wait3A_1391 = arith.constant 0 : i32
    %dma_wait3A_1392 = arith.constant 0 : i32
    %dma_wait3A_1393 = tpu.memref_slice %arg4[%dma_wait3A_1389, %dma_wait3A_1391, %dma_wait3A_1392] : memref<2x32x1024xf32, #tpu.memory_space<vmem>> -> memref<1x32x1024xf32, #tpu.memory_space<vmem>>
    %dma_wait3A_1394 = tpu.memref_squeeze %dma_wait3A_1393 : memref<1x32x1024xf32, #tpu.memory_space<vmem>> -> memref<32x1024xf32, #tpu.memory_space<vmem>>
    %dma_wait3A_1395 = arith.constant 1024 : i32
    %dma_wait3A_1396 = tpu.memref_slice %arg3[%add3A_1388, %dma_wait3A_1395] : memref<8192x4096xf32, #tpu.memory_space<hbm>> -> memref<32x1024xf32, #tpu.memory_space<hbm>>
    %dma_wait3A_1397 = tpu.memref_slice %arg6[%dma_wait3A_1390] : memref<2x!tpu.dma_semaphore, #tpu.memory_space<semaphore_mem>> -> memref<1x!tpu.dma_semaphore, #tpu.memory_space<semaphore_mem>>
    %dma_wait3A_1398 = tpu.memref_squeeze %dma_wait3A_1397 : memref<1x!tpu.dma_semaphore, #tpu.memory_space<semaphore_mem>> -> memref<!tpu.dma_semaphore, #tpu.memory_space<semaphore_mem>>
    %dma_wait3A_1399 = arith.constant 1024 : i32
    %dma_wait3A_1400 = tpu.memref_slice %arg3[%add3A_1388, %dma_wait3A_1399] : memref<8192x4096xf32, #tpu.memory_space<hbm>> -> memref<32x1024xf32, #tpu.memory_space<hbm>>
    %dma_wait3A_1401 = arith.constant 0 : i32
    %dma_wait3A_1402 = arith.constant 0 : i32
    %dma_wait3A_1403 = tpu.memref_slice %arg4[%dma_wait3A_1389, %dma_wait3A_1401, %dma_wait3A_1402] : memref<2x32x1024xf32, #tpu.memory_space<vmem>> -> memref<1x32x1024xf32, #tpu.memory_space<vmem>>
    %dma_wait3A_1404 = tpu.memref_squeeze %dma_wait3A_1403 : memref<1x32x1024xf32, #tpu.memory_space<vmem>> -> memref<32x1024xf32, #tpu.memory_space<vmem>>
    tpu.wait_dma2 semaphore(%dma_wait3A_1398 : memref<!tpu.dma_semaphore, #tpu.memory_space<semaphore_mem>>) src(%dma_wait3A_1404 : memref<32x1024xf32, #tpu.memory_space<vmem>>) dst(%dma_wait3A_1400 : memref<32x1024xf32, #tpu.memory_space<hbm>>)
    %add3A_1405 = arith.constant 224 : i32
    %add3A_1406 = arith.addi %mul3A_2, %add3A_1405 : i32
    %dma_wait3A_1407 = arith.constant 1 : i32
    %dma_wait3A_1408 = arith.constant 1 : i32
    %dma_wait3A_1409 = arith.constant 0 : i32
    %dma_wait3A_1410 = arith.constant 0 : i32
    %dma_wait3A_1411 = tpu.memref_slice %arg4[%dma_wait3A_1407, %dma_wait3A_1409, %dma_wait3A_1410] : memref<2x32x1024xf32, #tpu.memory_space<vmem>> -> memref<1x32x1024xf32, #tpu.memory_space<vmem>>
    %dma_wait3A_1412 = tpu.memref_squeeze %dma_wait3A_1411 : memref<1x32x1024xf32, #tpu.memory_space<vmem>> -> memref<32x1024xf32, #tpu.memory_space<vmem>>
    %dma_wait3A_1413 = arith.constant 2048 : i32
    %dma_wait3A_1414 = tpu.memref_slice %arg3[%add3A_1406, %dma_wait3A_1413] : memref<8192x4096xf32, #tpu.memory_space<hbm>> -> memref<32x1024xf32, #tpu.memory_space<hbm>>
    %dma_wait3A_1415 = tpu.memref_slice %arg6[%dma_wait3A_1408] : memref<2x!tpu.dma_semaphore, #tpu.memory_space<semaphore_mem>> -> memref<1x!tpu.dma_semaphore, #tpu.memory_space<semaphore_mem>>
    %dma_wait3A_1416 = tpu.memref_squeeze %dma_wait3A_1415 : memref<1x!tpu.dma_semaphore, #tpu.memory_space<semaphore_mem>> -> memref<!tpu.dma_semaphore, #tpu.memory_space<semaphore_mem>>
    %dma_wait3A_1417 = arith.constant 2048 : i32
    %dma_wait3A_1418 = tpu.memref_slice %arg3[%add3A_1406, %dma_wait3A_1417] : memref<8192x4096xf32, #tpu.memory_space<hbm>> -> memref<32x1024xf32, #tpu.memory_space<hbm>>
    %dma_wait3A_1419 = arith.constant 0 : i32
    %dma_wait3A_1420 = arith.constant 0 : i32
    %dma_wait3A_1421 = tpu.memref_slice %arg4[%dma_wait3A_1407, %dma_wait3A_1419, %dma_wait3A_1420] : memref<2x32x1024xf32, #tpu.memory_space<vmem>> -> memref<1x32x1024xf32, #tpu.memory_space<vmem>>
    %dma_wait3A_1422 = tpu.memref_squeeze %dma_wait3A_1421 : memref<1x32x1024xf32, #tpu.memory_space<vmem>> -> memref<32x1024xf32, #tpu.memory_space<vmem>>
    tpu.wait_dma2 semaphore(%dma_wait3A_1416 : memref<!tpu.dma_semaphore, #tpu.memory_space<semaphore_mem>>) src(%dma_wait3A_1422 : memref<32x1024xf32, #tpu.memory_space<vmem>>) dst(%dma_wait3A_1418 : memref<32x1024xf32, #tpu.memory_space<hbm>>)
    %add3A_1423 = arith.constant 224 : i32
    %add3A_1424 = arith.addi %mul3A_2, %add3A_1423 : i32
    %dma_wait3A_1425 = arith.constant 1 : i32
    %dma_wait3A_1426 = arith.constant 1 : i32
    %dma_wait3A_1427 = arith.constant 0 : i32
    %dma_wait3A_1428 = arith.constant 0 : i32
    %dma_wait3A_1429 = tpu.memref_slice %arg4[%dma_wait3A_1425, %dma_wait3A_1427, %dma_wait3A_1428] : memref<2x32x1024xf32, #tpu.memory_space<vmem>> -> memref<1x32x1024xf32, #tpu.memory_space<vmem>>
    %dma_wait3A_1430 = tpu.memref_squeeze %dma_wait3A_1429 : memref<1x32x1024xf32, #tpu.memory_space<vmem>> -> memref<32x1024xf32, #tpu.memory_space<vmem>>
    %dma_wait3A_1431 = arith.constant 3072 : i32
    %dma_wait3A_1432 = tpu.memref_slice %arg3[%add3A_1424, %dma_wait3A_1431] : memref<8192x4096xf32, #tpu.memory_space<hbm>> -> memref<32x1024xf32, #tpu.memory_space<hbm>>
    %dma_wait3A_1433 = tpu.memref_slice %arg6[%dma_wait3A_1426] : memref<2x!tpu.dma_semaphore, #tpu.memory_space<semaphore_mem>> -> memref<1x!tpu.dma_semaphore, #tpu.memory_space<semaphore_mem>>
    %dma_wait3A_1434 = tpu.memref_squeeze %dma_wait3A_1433 : memref<1x!tpu.dma_semaphore, #tpu.memory_space<semaphore_mem>> -> memref<!tpu.dma_semaphore, #tpu.memory_space<semaphore_mem>>
    %dma_wait3A_1435 = arith.constant 3072 : i32
    %dma_wait3A_1436 = tpu.memref_slice %arg3[%add3A_1424, %dma_wait3A_1435] : memref<8192x4096xf32, #tpu.memory_space<hbm>> -> memref<32x1024xf32, #tpu.memory_space<hbm>>
    %dma_wait3A_1437 = arith.constant 0 : i32
    %dma_wait3A_1438 = arith.constant 0 : i32
    %dma_wait3A_1439 = tpu.memref_slice %arg4[%dma_wait3A_1425, %dma_wait3A_1437, %dma_wait3A_1438] : memref<2x32x1024xf32, #tpu.memory_space<vmem>> -> memref<1x32x1024xf32, #tpu.memory_space<vmem>>
    %dma_wait3A_1440 = tpu.memref_squeeze %dma_wait3A_1439 : memref<1x32x1024xf32, #tpu.memory_space<vmem>> -> memref<32x1024xf32, #tpu.memory_space<vmem>>
    tpu.wait_dma2 semaphore(%dma_wait3A_1434 : memref<!tpu.dma_semaphore, #tpu.memory_space<semaphore_mem>>) src(%dma_wait3A_1440 : memref<32x1024xf32, #tpu.memory_space<vmem>>) dst(%dma_wait3A_1436 : memref<32x1024xf32, #tpu.memory_space<hbm>>)
    return
  }
}

</mosaic_0001>

<sc_bundles>
// kernel: kernel.3.cloned.1.call-start
scs
__scs_entry_jumppad:
0x0: {  	(pc) =	sbr.rel $0x88, $3  }
0x1: {  	(tag) =	ssettag $0x0;
	lr =	simm.s32 $0x1  }
0x2: {  	[smem:$0x3FA0] =	sst lr;
	_ =	strace $0xD0000000  }
0x3: {  	_ = 	snop  }
0x4: {  	_ = 	snop  }
0x5: {  	_ = 	snop  }
0x6: {  	_ = 	snop  }
0x7: {  	_ = 	snop  }
__scs_overlays_trampoline_lowered:
0x8: {  	[smem:$0x3FAF] =	sst s0  }
0x9: {  	[smem:$0x3FB0] =	sst s1  }
0xa: {  	[smem:$0x3FB1] =	sst s2  }
0xb: {  	[smem:$0x3FB2] =	sst s3  }
0xc: {  	[smem:$0x3FB3] =	sst s4  }
0xd: {  	[smem:$0x3FB4] =	sst s5  }
0xe: {  	[smem:$0x3FB5] =	sst s6  }
0xf: {  	[smem:$0x3FB6] =	sst s7  }
0x10: {  	[smem:$0x3FB7] =	sst s8  }
0x11: {  	[smem:$0x3FB8] =	sst s9;
	s0 =	simm.s32 @!p0 $0x0  }
0x12: {  	s1 =	sld [smem:$0x3F9E];
	s0 =	simm.s32 @p0 $0x1  }
0x13: {  	[smem:$0x3FB9] =	sst s0;
	s0 =	simm.s32 @!p1 $0x0  }
0x14: {  	s2 =	sld [smem:$0x3F9D];
	s0 =	simm.s32 @p1 $0x1  }
0x15: {  	[smem:$0x3FBA] =	sst s0;
	s0 =	simm.s32 @!p2 $0x0  }
0x16: {  	s3 =	sld [smem:$0x3FDB];
	s0 =	simm.s32 @p2 $0x1  }
0x17: {  	s4 =	simm.s32 $0x1BF5;
	[smem:$0x3FBC] =	sst s0  }
0x18: {  	s0 =	sld [smem:$0x3F9F];
	_ =	swait.ge [sflag:s4], $0x0  }
0x19: {  	s7 =	sld [smem:$0x3FA0]  }
0x1a: {  	s8 =	sadd.s32 $0xFFFFE003, lr  }
0x1b: {  	s9 =	sadd.s32 $0xFFFFFEF7, lr;
	s5 =	simm.s32 $0xFFFFFFFF;
	p2 =	slt.u32 s8, $0xFFFFF086  }
0x1c: {  	p1 =	slt.u32 s9, $0xF7A;
	s5 =	simm.s32 @!p2 $0x0  }
0x1d: {  	s5 =	simm.s32 @p1 $0x1;
	p0 =	seq.s32 s7, s2  }
0x1e: {  	s7 =	smul.u32 @!p0 $0xF7A, s2;
	p2 =	seq.s32 @!p0 s5, $0x0  }
0x1f: {  	s9 =	smul.u32 $0xF7A, s1;
	s8 =	simm.s32 @!p0 $0x1BF5;
	p2 =	por !p2, p0  }
0x20: {  	[sflag:s8] =	ssyncset.s32 @!p0 $0xFFFFF086;
	s6 =	sadd.s32 @!p0 s3, s7;
	s7 =	simm.s32 @!p0 $0x108  }
0x21: {  	s3 =	sadd.s32 s3, s9;
	s6 =	sadd.s32 @!p0 $0x88, s6;
	s7 =	simm.s32 @p2 $0x1082  }
0x22: {  	[simem:s7], [sflag:s8] =	dma.local @!p0 [hbm:s6], $0xF7A  }
0x23: {  	s9 =	sor.u32 $0xD0000000, s2;
	s6 =	simm.s32 $0x108;
	_ =	swait.ge @!p0 [sflag:s8], $0x0  }
0x24: {  	s3 =	sadd.s32 $0x88, s3;
	s6 =	simm.s32 @!p1 $0x1082;
	[sflag:s4] =	ssyncset.s32 $0xFFFFF086  }
0x25: {  	[simem:s6], [sflag:s4] =	dma.local [hbm:s3], $0xF7A  }
0x26: {  	[smem:$0x3FA0] =	sst s1;
	(tag) =	ssettag s2;
	_ =	strace s9  }
0x27: {  	s1 =	sld [smem:$0x3FB0]  }
0x28: {  	s2 =	sld [smem:$0x3FB1]  }
0x29: {  	s4 =	sld [smem:$0x3FB3]  }
0x2a: {  	p0 =	seq.s32 s5, $0x0;
	s5 =	sld [smem:$0x3FB4]  }
0x2b: {  	s6 =	sld [smem:$0x3FB5]  }
0x2c: {  	s7 =	sld [smem:$0x3FB6]  }
0x2d: {  	s3 =	simm.s32 $0x108;
	s8 =	sld [smem:$0x3FB7]  }
0x2e: {  	s3 =	simm.s32 @!p0 $0x1082;
	s9 =	sld [smem:$0x3FB8]  }
0x2f: {  	lr =	sadd.s32 s0, s3;
	s0 =	sld [smem:$0x3FAF]  }
0x30: {  	s3 =	sld [smem:$0x3FB2]  }
0x31: {  	[smem:$0x3FBB] =	sst s10  }
0x32: {  	s10 =	sld [smem:$0x3FB9];
	_ =	sdelay $0x3  }
0x33: {  	p0 =	seq.s32 s10, $0x1;
	s10 =	sld [smem:$0x3FBB];
	_ =	sdelay $0x3  }
0x34: {  	[smem:$0x3FBB] =	sst s10  }
0x35: {  	s10 =	sld [smem:$0x3FBA];
	_ =	sdelay $0x3  }
0x36: {  	p1 =	seq.s32 s10, $0x1;
	s10 =	sld [smem:$0x3FBB];
	_ =	sdelay $0x3  }
0x37: {  	[smem:$0x3FBB] =	sst s10  }
0x38: {  	s10 =	sld [smem:$0x3FBC]  }
0x39: {  	_ = 	snop;
	(pc) =	sbr.ind lr, $3  }
0x3a: {  	_ = 	snop  }
0x3b: {  	_ = 	snop  }
0x3c: {  	p2 =	seq.s32 s10, $0x1;
	s10 =	sld [smem:$0x3FBB]  }
0x3d: {  	_ =	shalt  }
0x3e: {  	_ =	shalt  }
0x3f: {  	_ =	shalt  }
0x40: {  	_ =	shalt  }
0x41: {  	_ =	shalt  }
0x42: {  	_ =	shalt  }
0x43: {  	_ =	shalt  }
0x44: {  	_ =	shalt  }
0x45: {  	_ =	shalt  }
0x46: {  	_ =	shalt  }
0x47: {  	_ =	shalt  }
0x48: {  	_ =	shalt  }
0x49: {  	_ =	shalt  }
0x4a: {  	_ =	shalt  }
0x4b: {  	_ =	shalt  }
0x4c: {  	_ =	shalt  }
0x4d: {  	_ =	shalt  }
0x4e: {  	_ =	shalt  }
0x4f: {  	_ =	shalt  }
0x50: {  	_ =	shalt  }
0x51: {  	_ =	shalt  }
0x52: {  	_ =	shalt  }
0x53: {  	_ =	shalt  }
0x54: {  	_ =	shalt  }
0x55: {  	_ =	shalt  }
0x56: {  	_ =	shalt  }
0x57: {  	_ =	shalt  }
0x58: {  	_ =	shalt  }
0x59: {  	_ =	shalt  }
0x5a: {  	_ =	shalt  }
0x5b: {  	_ =	shalt  }
0x5c: {  	_ =	shalt  }
0x5d: {  	_ =	shalt  }
0x5e: {  	_ =	shalt  }
0x5f: {  	_ =	shalt  }
0x60: {  	_ =	shalt  }
0x61: {  	_ =	shalt  }
0x62: {  	_ =	shalt  }
0x63: {  	_ =	shalt  }
0x64: {  	_ =	shalt  }
0x65: {  	_ =	shalt  }
0x66: {  	_ =	shalt  }
0x67: {  	_ =	shalt  }
0x68: {  	_ =	shalt  }
0x69: {  	_ =	shalt  }
0x6a: {  	_ =	shalt  }
0x6b: {  	_ =	shalt  }
0x6c: {  	_ =	shalt  }
0x6d: {  	_ =	shalt  }
0x6e: {  	_ =	shalt  }
0x6f: {  	_ =	shalt  }
0x70: {  	_ =	shalt  }
0x71: {  	_ =	shalt  }
0x72: {  	_ =	shalt  }
0x73: {  	_ =	shalt  }
0x74: {  	_ =	shalt  }
0x75: {  	_ =	shalt  }
0x76: {  	_ =	shalt  }
0x77: {  	_ =	shalt  }
0x78: {  	_ =	shalt  }
0x79: {  	_ =	shalt  }
0x7a: {  	_ =	shalt  }
0x7b: {  	_ =	shalt  }
0x7c: {  	_ =	shalt  }
0x7d: {  	_ =	shalt  }
0x7e: {  	_ =	shalt  }
0x7f: {  	_ =	shalt  }
0x80: {  	_ =	shalt  }
0x81: {  	_ =	shalt  }
0x82: {  	_ =	shalt  }
0x83: {  	_ =	shalt  }
0x84: {  	_ =	shalt  }
0x85: {  	_ =	shalt  }
0x86: {  	_ =	shalt  }
0x87: {  	_ =	shalt  }
.Lfunc_end0:
.L_simem_size_0:
called_computation_lowered:
.L_overlay_start_0:
0x88: {  	s2 =	sld [smem:$0x3FD9]  }
0x89: {  	s3 =	sld [smem:$0x3FFE];
	_ =	sdelay $0x1  }
0x8a: {  	s1 =	srdreg.scid  }
0x8b: {  	s0 =	sand.u32 $0x1, s1  }
0x8c: {  	s17 =	sshll.u32 s0, $0xA;
	s2 =	sadd.s32 s3, s2  }
0x8d: {  	s2 =	sadd.s32 s2, s17  }
0x8e: {  	[smem:$0x3FC7] =	sst s2  }
0x8f: {  	_ = 	snop  }
0x90: {  	s2 =	sld [smem:$0x3FC9];
	(tm) =	ssettm $0x1  }
0x91: {  	s18 =	sld [smem:$0x3FFB];
	_ =	sdelay $0x3  }
0x92: {  	_ =	strace s18  }
0x93: {  	s3 =	sld [smem:$0x3FFC];
	_ =	sdelay $0x3  }
0x94: {  	_ =	strace s3  }
0x95: {  	s3 =	sld [smem:$0x3FFD];
	_ =	sdelay $0x3  }
0x96: {  	_ =	strace s3  }
0x97: {  	_ =	strace $0x8FFFFFFF  }
0x98: {  	s19 =	sld [smem:$0x3FDB];
	_ =	sdelay $0x1  }
0x99: {  	s4 =	simm.s32 $_scs_section_size  }
0x9a: {  	s5 =	simm.s32 $_size__tile_overlayer_lowered;
	s6 =	simm.s32 $_tile_overlayer_lowered  }
0x9b: {  	s22 =	simm.s32 $0x1BFF;
	s21 =	sshll.u32 s6, $0x1;
	s3 =	sadd.s32 s4, s19  }
0x9c: {  	s7 =	simm.s32 $0x0;
	s20 =	sshll.u32 s5, $0x1;
	s5 =	sadd.s32 s21, s3  }
0x9d: {  	[timem:s7], [sflag:s22] =	dma.local [hbm:s5], s20  }
0x9e: {  	_ =	swait.ge [sflag:s22], s20  }
0x9f: {  	s4 =	ssub.s32 $0x0, s20;
	[sflag:s22] =	ssyncset.done $0x0  }
0xa0: {  	[sflag:s22] =	ssyncadd.s32 s4;
	_ =	sdelay $0x1  }
0xa1: {  	s23 =	simm.s32 $0x1B8B  }
0xa2: {  	_ =	swait.ge [sflag:s23], $0x1  }
0xa3: {  	[sflag:s23] =	ssyncset.done $0x0  }
0xa4: {  	s25 =	simm.s32 $0x1B8E;
	s24 =	sld [smem:$0x3FFE];
	[sflag:s23] =	ssyncadd.s32 $0xFFFFFFFF  }
0xa5: {  	s26 =	simm.s32 $execute0_lowered;
	[smem:$0x3FD2] =	sst s25  }
0xa6: {  	s5 =	sshll.u32 s26, $0x1;
	_ =	strace $0x80000046;
	[dreg:$0x1] =	wrdreg $0xFFFFFFFF  }
0xa7: {  	s28 =	simm.s32 $_size_execute0_lowered;
	s3 =	sadd.s32 s3, s5;
	[dreg:$0x0] =	wrdreg $0x0  }
0xa8: {  	s5 =	sshll.u32 s28, $0x1;
	[dreg:$0x2] =	wrdreg s3  }
0xa9: {  	[dreg:$0x3] =	wrdreg s5  }
0xaa: {  	[dreg:$0x4] =	wrdreg $0xC0  }
0xab: {  	_ =	task [dreg:s7], $0x5FFFF  }
0xac: {  	[dreg:$0x1] =	wrdreg $0xFFFFFFFF  }
0xad: {  	[dreg:$0x0] =	wrdreg $0x60  }
0xae: {  	[dreg:$0x2] =	wrdreg s2  }
0xaf: {  	[dreg:$0x3] =	wrdreg s24  }
0xb0: {  	[dreg:$0x4] =	wrdreg $0x9  }
0xb1: {  	_ =	task.clear_ibuf [dreg:s7], $0x5FFFF;
	_ =	strace $0x90000046  }
0xb2: {  	s29 =	simm.s32 $0x9;
	_ =	strace $0x80000048  }
0xb3: {  	_ =	swait.ge [sflag:s29], $0x1  }
0xb4: {  	[sflag:s29] =	ssyncadd.s32 $0xFFFFFFFF  }
0xb5: {  	_ =	strace $0x90000048  }
0xb6: {  	_ =	sfence  }
0xb7: {  	s30 =	sld [smem:$0x0];
	_ =	sdelay $0x2  }
0xb8: {  	s31 =	sshll.u32 s1, $0xD;
	s1 =	sshrl.u32 s1, $0x2  }
0xb9: {  	s3 =	sand.u32 $0x4000, s31;
	s1 =	sadd.s32 s1, s30  }
0xba: {  	s0 =	sor.u32 s3, s0;
	s1 =	sshll.u32 s1, $0x11  }
0xbb: {  	s0 =	sor.u32 s1, s0  }
0xbc: {  	s0 =	sadd.s32 $0x8F2B, s0  }
0xbd: {  	[sflag:s0] =	ssyncadd.remote.s32 $0x1  }
0xbe: {  	_ =	sfence.sel $0xFFFF  }
0xbf: {  	[dreg:$0x0] =	wrdreg $0xFFFFFFFF;
	(pc) =	sbr.abs _section_cstart, $3  }
0xc0: {  	[dreg:$0x1] =	wrdreg $0xFFFFFFFF  }
0xc1: {  	_ =	task.clear_ibuf [dreg:s7], $0x2FFFF;
	_ =	strace $0x9FFFFFFF  }
0xc2: {  	(tm) =	ssettm $0x7FFFFFFF  }
0xc3: {  	_ =	shalt  }
tec
execute0_lowered:
.L_overlay_start_1:
0x0: {  	(tag) =	ssettag $0x1  }
0x1: {  	s0 =	srdreg.scid;
	s1 =	rddreg [dreg:$0x0]  }
0x2: {  	s2 =	stileid.u32;
	s5 =	rddreg [dreg:$0x1]  }
0x3: {  	s31 =	simm.s32 $0x0;
	p0 =	por $0x0, $0x0;
	s0 =	sand.u32 $0x1, s0  }
0x4: {  	s3 =	sshll.u32 s2, $0x9;
	[smem:$0x7FF] =	sst s31;
	s4 =	sshll.u32 s0, $0x8  }
0x5: {  	_ =	strace $0x80000047;
	s0 =	ssub.s32 $0x2, s0;
	s6 =	sor.u32 s4, s3  }
0x6: {  	s3 =	sadd.s32 $0x400, s5;
	s26 =	sshrl.u32 s0, $0x1;
	s4 =	sshrl.u32 s6, $0x3  }
0x7: {  	s7 =	sshll.u32 s6, $0x7;
	s6 =	sshll.u32 s6, $0x9;
	s0 =	ssub.s32 s0, s26  }
0x8: {  	s10 =	sor.u32 $0x4, s4;
	s7 =	sadd.s32 s1, s7;
	s15 =	sadd.s32 s3, s6  }
0x9: {  	s20 =	sor.u32 $0x8, s4;
	s12 =	sor.u32 $0xC, s4;
	s0 =	smax.u32 s0, $0x1  }
0xa: {  	s8 =	sshll.u32 s10, $0xA;
	[dreg:$0x3] =	wrdreg s7;
	s7 =	sadd.s32 $0x800, s5  }
0xb: {  	[dreg:$0x5] =	wrdreg s15;
	s16 =	sshll.u32 s10, $0xC;
	s14 =	sadd.s32 s1, s8  }
0xc: {  	s22 =	sshll.u32 s20, $0xA;
	s9 =	sadd.s32 s6, s7;
	[dreg:$0x4] =	wrdreg s14  }
0xd: {  	s24 =	sshll.u32 s20, $0xC;
	s17 =	sadd.s32 s3, s16;
	[dreg:$0x6] =	wrdreg s9  }
0xe: {  	s10 =	sor.u32 $0x18, s4;
	s18 =	sadd.s32 s16, s7;
	[dreg:$0x9] =	wrdreg s17  }
0xf: {  	p1 =	sne.s32 s0, $0x1;
	s23 =	sadd.s32 s1, s22;
	[dreg:$0xa] =	wrdreg s18  }
0x10: {  	s8 =	sadd.s32 $0xC00, s5;
	s25 =	sadd.s32 s3, s24;
	[dreg:$0xd] =	wrdreg s23  }
0x11: {  	s2 =	sadd.s32 s24, s7;
	s22 =	sor.u32 $0x14, s4;
	[dreg:$0xe] =	wrdreg s25  }
0x12: {  	s11 =	sadd.s32 s6, s8;
	s9 =	sadd.s32 $0x1000, s5;
	[dreg:$0xf] =	wrdreg s2  }
0x13: {  	s19 =	sadd.s32 s16, s8;
	s14 =	sshll.u32 s12, $0xA;
	[dreg:$0x7] =	wrdreg s11  }
0x14: {  	s23 =	sshll.u32 s22, $0xA;
	s5 =	sadd.s32 s6, s9;
	[dreg:$0xb] =	wrdreg s19  }
0x15: {  	s21 =	sadd.s32 s16, s9;
	s11 =	sadd.s32 s24, s8;
	[dreg:$0x8] =	wrdreg s5  }
0x16: {  	s13 =	sadd.s32 s24, s9;
	s15 =	sadd.s32 s1, s14;
	[dreg:$0xc] =	wrdreg s21  }
0x17: {  	s16 =	sshll.u32 s12, $0xC;
	s19 =	sor.u32 $0x10, s4;
	[dreg:$0x10] =	wrdreg s11  }
0x18: {  	s6 =	sshll.u32 s22, $0xC;
	s22 =	sadd.s32 s1, s23;
	[dreg:$0x11] =	wrdreg s13  }
0x19: {  	s4 =	sor.u32 $0x1C, s4;
	s12 =	sshll.u32 s10, $0xC;
	[dreg:$0x12] =	wrdreg s15  }
0x1a: {  	s17 =	sadd.s32 s3, s16;
	s18 =	sadd.s32 s16, s7;
	s30 =	sadd.s32 s16, s8  }
0x1b: {  	s20 =	sshll.u32 s19, $0xA;
	s2 =	sadd.s32 s16, s9;
	s21 =	sshll.u32 s19, $0xC  }
0x1c: {  	s19 =	sadd.s32 s6, s7;
	s11 =	sshll.u32 s10, $0xA;
	s13 =	sadd.s32 s3, s12  }
0x1d: {  	s15 =	sadd.s32 s12, s7;
	s16 =	sadd.s32 s12, s8;
	[dreg:$0x13] =	wrdreg s17  }
0x1e: {  	s23 =	sshll.u32 s4, $0xC;
	s10 =	simm.s32 $0x8000;
	[dreg:$0x14] =	wrdreg s18  }
0x1f: {  	s28 =	sadd.s32 s1, s20;
	s24 =	sadd.s32 s3, s21;
	s25 =	sadd.s32 s21, s7  }
0x20: {  	s26 =	sadd.s32 s21, s8;
	s29 =	sadd.s32 s21, s9;
	s18 =	sadd.s32 s3, s6  }
0x21: {  	s20 =	sadd.s32 s6, s8;
	s21 =	sadd.s32 s6, s9;
	s14 =	sadd.s32 s1, s11  }
.Ltmp0:
0x22: {  	s17 =	sshll.u32 s4, $0xA;
	s6 =	sadd.s32 s3, s23;
	(pc) =	sbr.rel @!p1 .LBB2_3-.Ltmp0, $4  }
0x23: {  	s7 =	sadd.s32 s23, s7;
	s8 =	sadd.s32 s23, s8;
	s11 =	simm.s32 $0x2000  }
0x24: {  	s4 =	simm.s32 $0x3;
	s3 =	simm.s32 $0x4;
	s5 =	sadd.s32 s1, s17  }
0x25: {  	s17 =	sadd.s32 s12, s9;
	s9 =	sadd.s32 s23, s9;
	s1 =	sadd.s32 $0xFFFFFFFF, s0  }
0x26: {  	s23 =	simm.s32 $0x1;
	s12 =	simm.s32 $0x2;
	s0 =	rddreg [dreg:$0x3]  }
0x27: {  	[dreg:$0x16] =	wrdreg s1  }
0x28: {  	[tilespmem:s31], [sflag:$0x1] =	stream.linear.gather [hbm4b:s0+s31], $0x8000, $0x38;
	[tilespmem:$0x10000] =	vst v63  }
0x29: {  	s1 =	rddreg [dreg:$0x4]  }
0x2a: {  	[tilespmem:s10], [sflag:$0x2] =	stream.linear.gather [hbm4b:s1+s31], $0x8000, $0x38;
	[tilespmem:$0x10000] =	vst v63  }
0x2b: {  	_ =	swait.ge [sflag:s23], $0x8000  }
0x2c: {  	[sflag:s23] =	ssyncset.done $0x0  }
0x2d: {  	s0 =	rddreg [dreg:$0x5];
	[sflag:s23] =	ssyncadd.s32 $0xFFFF8000  }
0x2e: {  	[hbm4b:s0+s11] =	stream.strided.scatter [tilespmem:s31], [sflag:$0x3], $0x8000, s10, s11, $0x38;
	[tilespmem:$0x10000] =	vst v63  }
0x2f: {  	s1 =	rddreg [dreg:$0x6]  }
0x30: {  	[hbm4b:s1+s11] =	stream.strided.scatter [tilespmem:s31], [sflag:$0x3], $0x8000, s10, s11, $0x38;
	[tilespmem:$0x10000] =	vst v63  }
0x31: {  	s0 =	rddreg [dreg:$0x7]  }
0x32: {  	[hbm4b:s0+s11] =	stream.strided.scatter [tilespmem:s31], [sflag:$0x3], $0x8000, s10, s11, $0x38;
	[tilespmem:$0x10000] =	vst v63  }
0x33: {  	s1 =	rddreg [dreg:$0x8]  }
0x34: {  	[hbm4b:s1+s11] =	stream.strided.scatter [tilespmem:s31], [sflag:$0x3], $0x8000, s10, s11, $0x38;
	[tilespmem:$0x10000] =	vst v63  }
0x35: {  	_ =	swait.ge [sflag:s12], $0x8000  }
0x36: {  	[sflag:s12] =	ssyncset.done $0x0  }
0x37: {  	s0 =	rddreg [dreg:$0x9];
	[sflag:s12] =	ssyncadd.s32 $0xFFFF8000  }
0x38: {  	[hbm4b:s0+s11] =	stream.strided.scatter [tilespmem:s10], [sflag:$0x4], $0x8000, s10, s11, $0x38;
	[tilespmem:$0x10000] =	vst v63  }
0x39: {  	s1 =	rddreg [dreg:$0xa]  }
0x3a: {  	[hbm4b:s1+s11] =	stream.strided.scatter [tilespmem:s10], [sflag:$0x4], $0x8000, s10, s11, $0x38;
	[tilespmem:$0x10000] =	vst v63  }
0x3b: {  	s0 =	rddreg [dreg:$0xb]  }
0x3c: {  	[hbm4b:s0+s11] =	stream.strided.scatter [tilespmem:s10], [sflag:$0x4], $0x8000, s10, s11, $0x38;
	[tilespmem:$0x10000] =	vst v63  }
0x3d: {  	s1 =	rddreg [dreg:$0xc]  }
0x3e: {  	[hbm4b:s1+s11] =	stream.strided.scatter [tilespmem:s10], [sflag:$0x4], $0x8000, s10, s11, $0x38;
	[tilespmem:$0x10000] =	vst v63  }
0x3f: {  	_ =	swait.ge [sflag:s4], $0x8000  }
0x40: {  	[sflag:s4] =	ssyncset.done $0x0  }
0x41: {  	[sflag:s4] =	ssyncadd.s32 $0xFFFF8000  }
0x42: {  	_ =	swait.ge [sflag:s4], $0x8000  }
0x43: {  	[sflag:s4] =	ssyncset.done $0x0  }
0x44: {  	[sflag:s4] =	ssyncadd.s32 $0xFFFF8000  }
0x45: {  	_ =	swait.ge [sflag:s4], $0x8000  }
0x46: {  	[sflag:s4] =	ssyncset.done $0x0  }
0x47: {  	[sflag:s4] =	ssyncadd.s32 $0xFFFF8000  }
0x48: {  	_ =	swait.ge [sflag:s4], $0x8000  }
0x49: {  	[sflag:s4] =	ssyncset.done $0x0  }
0x4a: {  	s1 =	rddreg [dreg:$0xd];
	[sflag:s4] =	ssyncadd.s32 $0xFFFF8000  }
0x4b: {  	[tilespmem:s31], [sflag:$0x1] =	stream.linear.gather [hbm4b:s1+s31], $0x8000, $0x38;
	[tilespmem:$0x10000] =	vst v63  }
0x4c: {  	_ =	swait.ge [sflag:s23], $0x8000  }
0x4d: {  	[sflag:s23] =	ssyncset.done $0x0  }
0x4e: {  	s0 =	rddreg [dreg:$0xe];
	[sflag:s23] =	ssyncadd.s32 $0xFFFF8000  }
0x4f: {  	[hbm4b:s0+s11] =	stream.strided.scatter [tilespmem:s31], [sflag:$0x3], $0x8000, s10, s11, $0x38;
	[tilespmem:$0x10000] =	vst v63  }
0x50: {  	s1 =	rddreg [dreg:$0xf]  }
0x51: {  	[hbm4b:s1+s11] =	stream.strided.scatter [tilespmem:s31], [sflag:$0x3], $0x8000, s10, s11, $0x38;
	[tilespmem:$0x10000] =	vst v63  }
0x52: {  	s0 =	rddreg [dreg:$0x10]  }
0x53: {  	[hbm4b:s0+s11] =	stream.strided.scatter [tilespmem:s31], [sflag:$0x3], $0x8000, s10, s11, $0x38;
	[tilespmem:$0x10000] =	vst v63  }
0x54: {  	s1 =	rddreg [dreg:$0x11]  }
0x55: {  	[hbm4b:s1+s11] =	stream.strided.scatter [tilespmem:s31], [sflag:$0x3], $0x8000, s10, s11, $0x38;
	[tilespmem:$0x10000] =	vst v63  }
0x56: {  	_ =	swait.ge [sflag:s3], $0x8000  }
0x57: {  	[sflag:s3] =	ssyncset.done $0x0  }
0x58: {  	[sflag:s3] =	ssyncadd.s32 $0xFFFF8000  }
0x59: {  	_ =	swait.ge [sflag:s3], $0x8000  }
0x5a: {  	[sflag:s3] =	ssyncset.done $0x0  }
0x5b: {  	[sflag:s3] =	ssyncadd.s32 $0xFFFF8000  }
0x5c: {  	_ =	swait.ge [sflag:s3], $0x8000  }
0x5d: {  	[sflag:s3] =	ssyncset.done $0x0  }
0x5e: {  	[sflag:s3] =	ssyncadd.s32 $0xFFFF8000  }
0x5f: {  	_ =	swait.ge [sflag:s3], $0x8000  }
0x60: {  	[sflag:s3] =	ssyncset.done $0x0  }
0x61: {  	s1 =	rddreg [dreg:$0x12];
	[sflag:s3] =	ssyncadd.s32 $0xFFFF8000  }
0x62: {  	[tilespmem:s10], [sflag:$0x2] =	stream.linear.gather [hbm4b:s1+s31], $0x8000, $0x38;
	[tilespmem:$0x10000] =	vst v63  }
0x63: {  	_ =	swait.ge [sflag:s12], $0x8000  }
0x64: {  	[sflag:s12] =	ssyncset.done $0x0  }
0x65: {  	s0 =	rddreg [dreg:$0x13];
	[sflag:s12] =	ssyncadd.s32 $0xFFFF8000  }
0x66: {  	[hbm4b:s0+s11] =	stream.strided.scatter [tilespmem:s10], [sflag:$0x4], $0x8000, s10, s11, $0x38;
	[tilespmem:$0x10000] =	vst v63  }
0x67: {  	s1 =	rddreg [dreg:$0x14]  }
0x68: {  	[hbm4b:s1+s11] =	stream.strided.scatter [tilespmem:s10], [sflag:$0x4], $0x8000, s10, s11, $0x38;
	[tilespmem:$0x10000] =	vst v63  }
0x69: {  	_ = 	snop  }
0x6a: {  	[hbm4b:s30+s11] =	stream.strided.scatter [tilespmem:s10], [sflag:$0x4], $0x8000, s10, s11, $0x38;
	[tilespmem:$0x10000] =	vst v63  }
0x6b: {  	_ = 	snop  }
0x6c: {  	[hbm4b:s2+s11] =	stream.strided.scatter [tilespmem:s10], [sflag:$0x4], $0x8000, s10, s11, $0x38;
	[tilespmem:$0x10000] =	vst v63  }
0x6d: {  	_ =	swait.ge [sflag:s4], $0x8000  }
0x6e: {  	[sflag:s4] =	ssyncset.done $0x0  }
0x6f: {  	[sflag:s4] =	ssyncadd.s32 $0xFFFF8000  }
0x70: {  	_ =	swait.ge [sflag:s4], $0x8000  }
0x71: {  	[sflag:s4] =	ssyncset.done $0x0  }
0x72: {  	[sflag:s4] =	ssyncadd.s32 $0xFFFF8000  }
0x73: {  	_ =	swait.ge [sflag:s4], $0x8000  }
0x74: {  	[sflag:s4] =	ssyncset.done $0x0  }
0x75: {  	[sflag:s4] =	ssyncadd.s32 $0xFFFF8000  }
0x76: {  	_ =	swait.ge [sflag:s4], $0x8000  }
0x77: {  	[sflag:s4] =	ssyncset.done $0x0  }
0x78: {  	[sflag:s4] =	ssyncadd.s32 $0xFFFF8000  }
0x79: {  	[tilespmem:s31], [sflag:$0x1] =	stream.linear.gather [hbm4b:s28+s31], $0x8000, $0x38;
	[tilespmem:$0x10000] =	vst v63  }
0x7a: {  	_ =	swait.ge [sflag:s23], $0x8000  }
0x7b: {  	[sflag:s23] =	ssyncset.done $0x0  }
0x7c: {  	[sflag:s23] =	ssyncadd.s32 $0xFFFF8000  }
0x7d: {  	[hbm4b:s24+s11] =	stream.strided.scatter [tilespmem:s31], [sflag:$0x3], $0x8000, s10, s11, $0x38;
	[tilespmem:$0x10000] =	vst v63  }
0x7e: {  	_ = 	snop  }
0x7f: {  	[hbm4b:s25+s11] =	stream.strided.scatter [tilespmem:s31], [sflag:$0x3], $0x8000, s10, s11, $0x38;
	[tilespmem:$0x10000] =	vst v63  }
0x80: {  	_ = 	snop  }
0x81: {  	[hbm4b:s26+s11] =	stream.strided.scatter [tilespmem:s31], [sflag:$0x3], $0x8000, s10, s11, $0x38;
	[tilespmem:$0x10000] =	vst v63  }
0x82: {  	_ = 	snop  }
0x83: {  	[hbm4b:s29+s11] =	stream.strided.scatter [tilespmem:s31], [sflag:$0x3], $0x8000, s10, s11, $0x38;
	[tilespmem:$0x10000] =	vst v63  }
0x84: {  	_ =	swait.ge [sflag:s3], $0x8000  }
0x85: {  	[sflag:s3] =	ssyncset.done $0x0  }
0x86: {  	[sflag:s3] =	ssyncadd.s32 $0xFFFF8000  }
0x87: {  	_ =	swait.ge [sflag:s3], $0x8000  }
0x88: {  	[sflag:s3] =	ssyncset.done $0x0  }
0x89: {  	[sflag:s3] =	ssyncadd.s32 $0xFFFF8000  }
0x8a: {  	_ =	swait.ge [sflag:s3], $0x8000  }
0x8b: {  	[sflag:s3] =	ssyncset.done $0x0  }
0x8c: {  	[sflag:s3] =	ssyncadd.s32 $0xFFFF8000  }
0x8d: {  	_ =	swait.ge [sflag:s3], $0x8000  }
0x8e: {  	[sflag:s3] =	ssyncset.done $0x0  }
0x8f: {  	[sflag:s3] =	ssyncadd.s32 $0xFFFF8000  }
0x90: {  	[tilespmem:s10], [sflag:$0x2] =	stream.linear.gather [hbm4b:s22+s31], $0x8000, $0x38;
	[tilespmem:$0x10000] =	vst v63  }
0x91: {  	_ =	swait.ge [sflag:s12], $0x8000  }
0x92: {  	[sflag:s12] =	ssyncset.done $0x0  }
0x93: {  	[sflag:s12] =	ssyncadd.s32 $0xFFFF8000  }
0x94: {  	[hbm4b:s18+s11] =	stream.strided.scatter [tilespmem:s10], [sflag:$0x4], $0x8000, s10, s11, $0x38;
	[tilespmem:$0x10000] =	vst v63  }
0x95: {  	_ = 	snop  }
0x96: {  	[hbm4b:s19+s11] =	stream.strided.scatter [tilespmem:s10], [sflag:$0x4], $0x8000, s10, s11, $0x38;
	[tilespmem:$0x10000] =	vst v63  }
0x97: {  	_ = 	snop  }
0x98: {  	[hbm4b:s20+s11] =	stream.strided.scatter [tilespmem:s10], [sflag:$0x4], $0x8000, s10, s11, $0x38;
	[tilespmem:$0x10000] =	vst v63  }
0x99: {  	_ = 	snop  }
0x9a: {  	[hbm4b:s21+s11] =	stream.strided.scatter [tilespmem:s10], [sflag:$0x4], $0x8000, s10, s11, $0x38;
	[tilespmem:$0x10000] =	vst v63  }
0x9b: {  	_ =	swait.ge [sflag:s4], $0x8000  }
0x9c: {  	[sflag:s4] =	ssyncset.done $0x0  }
0x9d: {  	[sflag:s4] =	ssyncadd.s32 $0xFFFF8000  }
0x9e: {  	_ =	swait.ge [sflag:s4], $0x8000  }
0x9f: {  	[sflag:s4] =	ssyncset.done $0x0  }
0xa0: {  	[sflag:s4] =	ssyncadd.s32 $0xFFFF8000  }
0xa1: {  	_ =	swait.ge [sflag:s4], $0x8000  }
0xa2: {  	[sflag:s4] =	ssyncset.done $0x0  }
0xa3: {  	[sflag:s4] =	ssyncadd.s32 $0xFFFF8000  }
0xa4: {  	_ =	swait.ge [sflag:s4], $0x8000  }
0xa5: {  	[sflag:s4] =	ssyncset.done $0x0  }
0xa6: {  	[sflag:s4] =	ssyncadd.s32 $0xFFFF8000  }
0xa7: {  	[tilespmem:s31], [sflag:$0x1] =	stream.linear.gather [hbm4b:s14+s31], $0x8000, $0x38;
	[tilespmem:$0x10000] =	vst v63  }
0xa8: {  	_ =	swait.ge [sflag:s23], $0x8000  }
0xa9: {  	[sflag:s23] =	ssyncset.done $0x0  }
0xaa: {  	[sflag:s23] =	ssyncadd.s32 $0xFFFF8000  }
0xab: {  	[hbm4b:s13+s11] =	stream.strided.scatter [tilespmem:s31], [sflag:$0x3], $0x8000, s10, s11, $0x38;
	[tilespmem:$0x10000] =	vst v63  }
0xac: {  	_ = 	snop  }
0xad: {  	[hbm4b:s15+s11] =	stream.strided.scatter [tilespmem:s31], [sflag:$0x3], $0x8000, s10, s11, $0x38;
	[tilespmem:$0x10000] =	vst v63  }
0xae: {  	_ = 	snop  }
0xaf: {  	[hbm4b:s16+s11] =	stream.strided.scatter [tilespmem:s31], [sflag:$0x3], $0x8000, s10, s11, $0x38;
	[tilespmem:$0x10000] =	vst v63  }
0xb0: {  	_ = 	snop  }
0xb1: {  	[hbm4b:s17+s11] =	stream.strided.scatter [tilespmem:s31], [sflag:$0x3], $0x8000, s10, s11, $0x38;
	[tilespmem:$0x10000] =	vst v63  }
0xb2: {  	_ =	swait.ge [sflag:s3], $0x8000  }
0xb3: {  	[sflag:s3] =	ssyncset.done $0x0  }
0xb4: {  	[sflag:s3] =	ssyncadd.s32 $0xFFFF8000  }
0xb5: {  	_ =	swait.ge [sflag:s3], $0x8000  }
0xb6: {  	[sflag:s3] =	ssyncset.done $0x0  }
0xb7: {  	[sflag:s3] =	ssyncadd.s32 $0xFFFF8000  }
0xb8: {  	_ =	swait.ge [sflag:s3], $0x8000  }
0xb9: {  	[sflag:s3] =	ssyncset.done $0x0  }
0xba: {  	[sflag:s3] =	ssyncadd.s32 $0xFFFF8000  }
0xbb: {  	_ =	swait.ge [sflag:s3], $0x8000  }
0xbc: {  	[sflag:s3] =	ssyncset.done $0x0  }
0xbd: {  	[sflag:s3] =	ssyncadd.s32 $0xFFFF8000  }
0xbe: {  	[tilespmem:s10], [sflag:$0x2] =	stream.linear.gather [hbm4b:s5+s31], $0x8000, $0x38;
	[tilespmem:$0x10000] =	vst v63  }
0xbf: {  	_ =	swait.ge [sflag:s12], $0x8000  }
0xc0: {  	[sflag:s12] =	ssyncset.done $0x0  }
0xc1: {  	[sflag:s12] =	ssyncadd.s32 $0xFFFF8000  }
0xc2: {  	[hbm4b:s6+s11] =	stream.strided.scatter [tilespmem:s10], [sflag:$0x4], $0x8000, s10, s11, $0x38;
	[tilespmem:$0x10000] =	vst v63  }
0xc3: {  	_ = 	snop  }
0xc4: {  	[hbm4b:s7+s11] =	stream.strided.scatter [tilespmem:s10], [sflag:$0x4], $0x8000, s10, s11, $0x38;
	[tilespmem:$0x10000] =	vst v63  }
0xc5: {  	_ = 	snop  }
0xc6: {  	[hbm4b:s8+s11] =	stream.strided.scatter [tilespmem:s10], [sflag:$0x4], $0x8000, s10, s11, $0x38;
	[tilespmem:$0x10000] =	vst v63  }
0xc7: {  	_ = 	snop  }
0xc8: {  	[hbm4b:s9+s11] =	stream.strided.scatter [tilespmem:s10], [sflag:$0x4], $0x8000, s10, s11, $0x38;
	[tilespmem:$0x10000] =	vst v63  }
0xc9: {  	_ =	swait.ge [sflag:s4], $0x8000  }
0xca: {  	[sflag:s4] =	ssyncset.done $0x0  }
0xcb: {  	[sflag:s4] =	ssyncadd.s32 $0xFFFF8000  }
0xcc: {  	_ =	swait.ge [sflag:s4], $0x8000  }
0xcd: {  	[sflag:s4] =	ssyncset.done $0x0  }
0xce: {  	[sflag:s4] =	ssyncadd.s32 $0xFFFF8000  }
0xcf: {  	_ =	swait.ge [sflag:s4], $0x8000  }
0xd0: {  	[sflag:s4] =	ssyncset.done $0x0  }
0xd1: {  	[sflag:s4] =	ssyncadd.s32 $0xFFFF8000  }
0xd2: {  	_ =	swait.ge [sflag:s4], $0x8000  }
0xd3: {  	[sflag:s4] =	ssyncset.done $0x0  }
0xd4: {  	[sflag:s4] =	ssyncadd.s32 $0xFFFF8000  }
0xd5: {  	_ =	swait.ge [sflag:s3], $0x8000  }
0xd6: {  	[sflag:s3] =	ssyncset.done $0x0  }
0xd7: {  	[sflag:s3] =	ssyncadd.s32 $0xFFFF8000  }
0xd8: {  	_ =	swait.ge [sflag:s3], $0x8000  }
0xd9: {  	[sflag:s3] =	ssyncset.done $0x0  }
0xda: {  	[sflag:s3] =	ssyncadd.s32 $0xFFFF8000  }
0xdb: {  	_ =	swait.ge [sflag:s3], $0x8000  }
0xdc: {  	s1 =	rddreg [dreg:$0x16]  }
0xdd: {  	p1 =	sne.s32 s1, $0x1  }
.Ltmp1:
0xde: {  	_ = 	snop;
	(pc) =	sbr.rel @!p1 .LBB2_3-.Ltmp1, $4  }
0xdf: {  	[sflag:s3] =	ssyncset.done $0x0  }
0xe0: {  	[sflag:s3] =	ssyncadd.s32 $0xFFFF8000  }
0xe1: {  	p0 =	por $0x1, $0x1;
	_ =	swait.ge [sflag:s3], $0x8000;
	[dreg:$0x15] =	wrdreg s2  }
0xe2: {  	s1 =	sadd.s32 $0xFFFFFFFF, s1;
	s0 =	rddreg [dreg:$0x3];
	[sflag:s3] =	ssyncset.done $0x0  }
.LBB2_2:
0xe3: {  	[sflag:s3] =	ssyncadd.s32 $0xFFFF8000;
	s2 =	simm.s32 $0x1;
	s12 =	smov.u32 s30  }
0xe4: {  	s30 =	smov.u32 s29;
	s29 =	smov.u32 s28;
	s28 =	smov.u32 s26  }
0xe5: {  	s26 =	smov.u32 s25;
	s25 =	smov.u32 s24;
	s24 =	smov.u32 s22  }
0xe6: {  	s22 =	smov.u32 s21;
	s21 =	smov.u32 s20;
	s20 =	smov.u32 s19  }
0xe7: {  	s19 =	smov.u32 s18;
	s18 =	smov.u32 s17;
	s17 =	smov.u32 s16  }
0xe8: {  	s16 =	smov.u32 s15;
	s15 =	smov.u32 s14;
	s14 =	smov.u32 s13  }
0xe9: {  	s13 =	smov.u32 s9;
	s9 =	smov.u32 s8;
	s8 =	smov.u32 s7  }
0xea: {  	[tilespmem:s31], [sflag:$0x1] =	stream.linear.gather [hbm4b:s0+s31], $0x8000, $0x38;
	[tilespmem:$0x10000] =	vst v63  }
0xeb: {  	s7 =	smov.u32 s6;
	s6 =	smov.u32 s5;
	s5 =	rddreg [dreg:$0x4]  }
0xec: {  	[tilespmem:s10], [sflag:$0x2] =	stream.linear.gather [hbm4b:s5+s31], $0x8000, $0x38;
	[tilespmem:$0x10000] =	vst v63  }
0xed: {  	_ =	swait.ge [sflag:s2], $0x8000  }
0xee: {  	[sflag:s2] =	ssyncset.done $0x0  }
0xef: {  	s0 =	rddreg [dreg:$0x5];
	[sflag:s2] =	ssyncadd.s32 $0xFFFF8000  }
0xf0: {  	[hbm4b:s0+s11] =	stream.strided.scatter [tilespmem:s31], [sflag:$0x3], $0x8000, s10, s11, $0x38;
	[tilespmem:$0x10000] =	vst v63  }
0xf1: {  	s5 =	rddreg [dreg:$0x6]  }
0xf2: {  	[hbm4b:s5+s11] =	stream.strided.scatter [tilespmem:s31], [sflag:$0x3], $0x8000, s10, s11, $0x38;
	[tilespmem:$0x10000] =	vst v63  }
0xf3: {  	s0 =	rddreg [dreg:$0x7]  }
0xf4: {  	[hbm4b:s0+s11] =	stream.strided.scatter [tilespmem:s31], [sflag:$0x3], $0x8000, s10, s11, $0x38;
	[tilespmem:$0x10000] =	vst v63  }
0xf5: {  	s23 =	simm.s32 $0x2;
	s5 =	rddreg [dreg:$0x8]  }
0xf6: {  	[hbm4b:s5+s11] =	stream.strided.scatter [tilespmem:s31], [sflag:$0x3], $0x8000, s10, s11, $0x38;
	[tilespmem:$0x10000] =	vst v63  }
0xf7: {  	_ =	swait.ge [sflag:s23], $0x8000  }
0xf8: {  	[sflag:s23] =	ssyncset.done $0x0  }
0xf9: {  	s0 =	rddreg [dreg:$0x9];
	[sflag:s23] =	ssyncadd.s32 $0xFFFF8000  }
0xfa: {  	[hbm4b:s0+s11] =	stream.strided.scatter [tilespmem:s10], [sflag:$0x4], $0x8000, s10, s11, $0x38;
	[tilespmem:$0x10000] =	vst v63  }
0xfb: {  	s5 =	rddreg [dreg:$0xa]  }
0xfc: {  	[hbm4b:s5+s11] =	stream.strided.scatter [tilespmem:s10], [sflag:$0x4], $0x8000, s10, s11, $0x38;
	[tilespmem:$0x10000] =	vst v63  }
0xfd: {  	s0 =	rddreg [dreg:$0xb]  }
0xfe: {  	[hbm4b:s0+s11] =	stream.strided.scatter [tilespmem:s10], [sflag:$0x4], $0x8000, s10, s11, $0x38;
	[tilespmem:$0x10000] =	vst v63  }
0xff: {  	s5 =	rddreg [dreg:$0xc]  }
0x100: {  	[hbm4b:s5+s11] =	stream.strided.scatter [tilespmem:s10], [sflag:$0x4], $0x8000, s10, s11, $0x38;
	[tilespmem:$0x10000] =	vst v63  }
0x101: {  	_ =	swait.ge [sflag:s4], $0x8000  }
0x102: {  	[sflag:s4] =	ssyncset.done $0x0  }
0x103: {  	[sflag:s4] =	ssyncadd.s32 $0xFFFF8000  }
0x104: {  	_ =	swait.ge [sflag:s4], $0x8000  }
0x105: {  	[sflag:s4] =	ssyncset.done $0x0  }
0x106: {  	[sflag:s4] =	ssyncadd.s32 $0xFFFF8000  }
0x107: {  	_ =	swait.ge [sflag:s4], $0x8000  }
0x108: {  	[sflag:s4] =	ssyncset.done $0x0  }
0x109: {  	[sflag:s4] =	ssyncadd.s32 $0xFFFF8000  }
0x10a: {  	_ =	swait.ge [sflag:s4], $0x8000  }
0x10b: {  	[sflag:s4] =	ssyncset.done $0x0  }
0x10c: {  	s5 =	rddreg [dreg:$0xd];
	[sflag:s4] =	ssyncadd.s32 $0xFFFF8000  }
0x10d: {  	[tilespmem:s31], [sflag:$0x1] =	stream.linear.gather [hbm4b:s5+s31], $0x8000, $0x38;
	[tilespmem:$0x10000] =	vst v63  }
0x10e: {  	_ =	swait.ge [sflag:s2], $0x8000  }
0x10f: {  	[sflag:s2] =	ssyncset.done $0x0  }
0x110: {  	s5 =	rddreg [dreg:$0xe];
	[sflag:s2] =	ssyncadd.s32 $0xFFFF8000  }
0x111: {  	[hbm4b:s5+s11] =	stream.strided.scatter [tilespmem:s31], [sflag:$0x3], $0x8000, s10, s11, $0x38;
	[tilespmem:$0x10000] =	vst v63  }
0x112: {  	s2 =	rddreg [dreg:$0xf]  }
0x113: {  	[hbm4b:s2+s11] =	stream.strided.scatter [tilespmem:s31], [sflag:$0x3], $0x8000, s10, s11, $0x38;
	[tilespmem:$0x10000] =	vst v63  }
0x114: {  	s0 =	rddreg [dreg:$0x10]  }
0x115: {  	[hbm4b:s0+s11] =	stream.strided.scatter [tilespmem:s31], [sflag:$0x3], $0x8000, s10, s11, $0x38;
	[tilespmem:$0x10000] =	vst v63  }
0x116: {  	s2 =	rddreg [dreg:$0x11]  }
0x117: {  	[hbm4b:s2+s11] =	stream.strided.scatter [tilespmem:s31], [sflag:$0x3], $0x8000, s10, s11, $0x38;
	[tilespmem:$0x10000] =	vst v63  }
0x118: {  	_ =	swait.ge [sflag:s3], $0x8000  }
0x119: {  	[sflag:s3] =	ssyncset.done $0x0  }
0x11a: {  	[sflag:s3] =	ssyncadd.s32 $0xFFFF8000  }
0x11b: {  	_ =	swait.ge [sflag:s3], $0x8000  }
0x11c: {  	[sflag:s3] =	ssyncset.done $0x0  }
0x11d: {  	[sflag:s3] =	ssyncadd.s32 $0xFFFF8000  }
0x11e: {  	s0 =	smov.u32 s6;
	s6 =	smov.u32 s7;
	_ =	swait.ge [sflag:s3], $0x8000  }
0x11f: {  	s7 =	smov.u32 s8;
	s8 =	smov.u32 s9;
	[sflag:s3] =	ssyncset.done $0x0  }
0x120: {  	s9 =	smov.u32 s13;
	s13 =	smov.u32 s14;
	[sflag:s3] =	ssyncadd.s32 $0xFFFF8000  }
0x121: {  	s14 =	smov.u32 s15;
	s15 =	smov.u32 s16;
	_ =	swait.ge [sflag:s3], $0x8000  }
0x122: {  	s16 =	smov.u32 s17;
	s17 =	smov.u32 s18;
	[sflag:s3] =	ssyncset.done $0x0  }
0x123: {  	s18 =	smov.u32 s19;
	s2 =	rddreg [dreg:$0x12];
	[sflag:s3] =	ssyncadd.s32 $0xFFFF8000  }
0x124: {  	[tilespmem:s10], [sflag:$0x2] =	stream.linear.gather [hbm4b:s2+s31], $0x8000, $0x38;
	[tilespmem:$0x10000] =	vst v63  }
0x125: {  	s19 =	smov.u32 s20;
	s20 =	smov.u32 s21;
	_ =	swait.ge [sflag:s23], $0x8000  }
0x126: {  	s21 =	smov.u32 s22;
	s22 =	smov.u32 s24;
	[sflag:s23] =	ssyncset.done $0x0  }
0x127: {  	s24 =	smov.u32 s25;
	s5 =	rddreg [dreg:$0x13];
	[sflag:s23] =	ssyncadd.s32 $0xFFFF8000  }
0x128: {  	[hbm4b:s5+s11] =	stream.strided.scatter [tilespmem:s10], [sflag:$0x4], $0x8000, s10, s11, $0x38;
	[tilespmem:$0x10000] =	vst v63  }
0x129: {  	s25 =	smov.u32 s26;
	s26 =	smov.u32 s28;
	s2 =	rddreg [dreg:$0x14]  }
0x12a: {  	[hbm4b:s2+s11] =	stream.strided.scatter [tilespmem:s10], [sflag:$0x4], $0x8000, s10, s11, $0x38;
	[tilespmem:$0x10000] =	vst v63  }
0x12b: {  	s28 =	smov.u32 s29;
	s29 =	smov.u32 s30;
	s30 =	smov.u32 s12  }
0x12c: {  	[hbm4b:s30+s11] =	stream.strided.scatter [tilespmem:s10], [sflag:$0x4], $0x8000, s10, s11, $0x38;
	[tilespmem:$0x10000] =	vst v63  }
0x12d: {  	s2 =	rddreg [dreg:$0x15]  }
0x12e: {  	[hbm4b:s2+s11] =	stream.strided.scatter [tilespmem:s10], [sflag:$0x4], $0x8000, s10, s11, $0x38;
	[tilespmem:$0x10000] =	vst v63  }
0x12f: {  	_ =	swait.ge [sflag:s4], $0x8000  }
0x130: {  	[sflag:s4] =	ssyncset.done $0x0  }
0x131: {  	[sflag:s4] =	ssyncadd.s32 $0xFFFF8000  }
0x132: {  	_ =	swait.ge [sflag:s4], $0x8000  }
0x133: {  	[sflag:s4] =	ssyncset.done $0x0  }
0x134: {  	[sflag:s4] =	ssyncadd.s32 $0xFFFF8000  }
0x135: {  	_ =	swait.ge [sflag:s4], $0x8000  }
0x136: {  	[sflag:s4] =	ssyncset.done $0x0  }
0x137: {  	[sflag:s4] =	ssyncadd.s32 $0xFFFF8000  }
0x138: {  	_ =	swait.ge [sflag:s4], $0x8000  }
0x139: {  	[sflag:s4] =	ssyncset.done $0x0  }
0x13a: {  	s23 =	simm.s32 $0x1;
	[sflag:s4] =	ssyncadd.s32 $0xFFFF8000  }
0x13b: {  	[tilespmem:s31], [sflag:$0x1] =	stream.linear.gather [hbm4b:s28+s31], $0x8000, $0x38;
	[tilespmem:$0x10000] =	vst v63  }
0x13c: {  	_ =	swait.ge [sflag:s23], $0x8000  }
0x13d: {  	[sflag:s23] =	ssyncset.done $0x0  }
0x13e: {  	[sflag:s23] =	ssyncadd.s32 $0xFFFF8000  }
0x13f: {  	[hbm4b:s24+s11] =	stream.strided.scatter [tilespmem:s31], [sflag:$0x3], $0x8000, s10, s11, $0x38;
	[tilespmem:$0x10000] =	vst v63  }
0x140: {  	_ = 	snop  }
0x141: {  	[hbm4b:s25+s11] =	stream.strided.scatter [tilespmem:s31], [sflag:$0x3], $0x8000, s10, s11, $0x38;
	[tilespmem:$0x10000] =	vst v63  }
0x142: {  	_ = 	snop  }
0x143: {  	[hbm4b:s26+s11] =	stream.strided.scatter [tilespmem:s31], [sflag:$0x3], $0x8000, s10, s11, $0x38;
	[tilespmem:$0x10000] =	vst v63  }
0x144: {  	_ = 	snop  }
0x145: {  	[hbm4b:s29+s11] =	stream.strided.scatter [tilespmem:s31], [sflag:$0x3], $0x8000, s10, s11, $0x38;
	[tilespmem:$0x10000] =	vst v63  }
0x146: {  	_ =	swait.ge [sflag:s3], $0x8000  }
0x147: {  	[sflag:s3] =	ssyncset.done $0x0  }
0x148: {  	[sflag:s3] =	ssyncadd.s32 $0xFFFF8000  }
0x149: {  	_ =	swait.ge [sflag:s3], $0x8000  }
0x14a: {  	[sflag:s3] =	ssyncset.done $0x0  }
0x14b: {  	[sflag:s3] =	ssyncadd.s32 $0xFFFF8000  }
0x14c: {  	_ =	swait.ge [sflag:s3], $0x8000  }
0x14d: {  	[sflag:s3] =	ssyncset.done $0x0  }
0x14e: {  	[sflag:s3] =	ssyncadd.s32 $0xFFFF8000  }
0x14f: {  	_ =	swait.ge [sflag:s3], $0x8000  }
0x150: {  	[sflag:s3] =	ssyncset.done $0x0  }
0x151: {  	s12 =	simm.s32 $0x2;
	[sflag:s3] =	ssyncadd.s32 $0xFFFF8000  }
0x152: {  	[tilespmem:s10], [sflag:$0x2] =	stream.linear.gather [hbm4b:s22+s31], $0x8000, $0x38;
	[tilespmem:$0x10000] =	vst v63  }
0x153: {  	_ =	swait.ge [sflag:s12], $0x8000  }
0x154: {  	[sflag:s12] =	ssyncset.done $0x0  }
0x155: {  	[sflag:s12] =	ssyncadd.s32 $0xFFFF8000  }
0x156: {  	[hbm4b:s18+s11] =	stream.strided.scatter [tilespmem:s10], [sflag:$0x4], $0x8000, s10, s11, $0x38;
	[tilespmem:$0x10000] =	vst v63  }
0x157: {  	_ = 	snop  }
0x158: {  	[hbm4b:s19+s11] =	stream.strided.scatter [tilespmem:s10], [sflag:$0x4], $0x8000, s10, s11, $0x38;
	[tilespmem:$0x10000] =	vst v63  }
0x159: {  	_ = 	snop  }
0x15a: {  	[hbm4b:s20+s11] =	stream.strided.scatter [tilespmem:s10], [sflag:$0x4], $0x8000, s10, s11, $0x38;
	[tilespmem:$0x10000] =	vst v63  }
0x15b: {  	_ = 	snop  }
0x15c: {  	[hbm4b:s21+s11] =	stream.strided.scatter [tilespmem:s10], [sflag:$0x4], $0x8000, s10, s11, $0x38;
	[tilespmem:$0x10000] =	vst v63  }
0x15d: {  	_ =	swait.ge [sflag:s4], $0x8000  }
0x15e: {  	[sflag:s4] =	ssyncset.done $0x0  }
0x15f: {  	[sflag:s4] =	ssyncadd.s32 $0xFFFF8000  }
0x160: {  	_ =	swait.ge [sflag:s4], $0x8000  }
0x161: {  	[sflag:s4] =	ssyncset.done $0x0  }
0x162: {  	[sflag:s4] =	ssyncadd.s32 $0xFFFF8000  }
0x163: {  	_ =	swait.ge [sflag:s4], $0x8000  }
0x164: {  	[sflag:s4] =	ssyncset.done $0x0  }
0x165: {  	[sflag:s4] =	ssyncadd.s32 $0xFFFF8000  }
0x166: {  	_ =	swait.ge [sflag:s4], $0x8000  }
0x167: {  	[sflag:s4] =	ssyncset.done $0x0  }
0x168: {  	[sflag:s4] =	ssyncadd.s32 $0xFFFF8000  }
0x169: {  	[tilespmem:s31], [sflag:$0x1] =	stream.linear.gather [hbm4b:s14+s31], $0x8000, $0x38;
	[tilespmem:$0x10000] =	vst v63  }
0x16a: {  	_ =	swait.ge [sflag:s23], $0x8000  }
0x16b: {  	[sflag:s23] =	ssyncset.done $0x0  }
0x16c: {  	[sflag:s23] =	ssyncadd.s32 $0xFFFF8000  }
0x16d: {  	[hbm4b:s13+s11] =	stream.strided.scatter [tilespmem:s31], [sflag:$0x3], $0x8000, s10, s11, $0x38;
	[tilespmem:$0x10000] =	vst v63  }
0x16e: {  	_ = 	snop  }
0x16f: {  	[hbm4b:s15+s11] =	stream.strided.scatter [tilespmem:s31], [sflag:$0x3], $0x8000, s10, s11, $0x38;
	[tilespmem:$0x10000] =	vst v63  }
0x170: {  	_ = 	snop  }
0x171: {  	[hbm4b:s16+s11] =	stream.strided.scatter [tilespmem:s31], [sflag:$0x3], $0x8000, s10, s11, $0x38;
	[tilespmem:$0x10000] =	vst v63  }
0x172: {  	_ = 	snop  }
0x173: {  	[hbm4b:s17+s11] =	stream.strided.scatter [tilespmem:s31], [sflag:$0x3], $0x8000, s10, s11, $0x38;
	[tilespmem:$0x10000] =	vst v63  }
0x174: {  	_ =	swait.ge [sflag:s3], $0x8000  }
0x175: {  	[sflag:s3] =	ssyncset.done $0x0  }
0x176: {  	[sflag:s3] =	ssyncadd.s32 $0xFFFF8000  }
0x177: {  	_ =	swait.ge [sflag:s3], $0x8000  }
0x178: {  	[sflag:s3] =	ssyncset.done $0x0  }
0x179: {  	[sflag:s3] =	ssyncadd.s32 $0xFFFF8000  }
0x17a: {  	_ =	swait.ge [sflag:s3], $0x8000  }
0x17b: {  	[sflag:s3] =	ssyncset.done $0x0  }
0x17c: {  	[sflag:s3] =	ssyncadd.s32 $0xFFFF8000  }
0x17d: {  	_ =	swait.ge [sflag:s3], $0x8000  }
0x17e: {  	[sflag:s3] =	ssyncset.done $0x0  }
0x17f: {  	[sflag:s3] =	ssyncadd.s32 $0xFFFF8000  }
0x180: {  	[tilespmem:s10], [sflag:$0x2] =	stream.linear.gather [hbm4b:s0+s31], $0x8000, $0x38;
	[tilespmem:$0x10000] =	vst v63  }
0x181: {  	_ =	swait.ge [sflag:s12], $0x8000  }
0x182: {  	[sflag:s12] =	ssyncset.done $0x0  }
0x183: {  	[sflag:s12] =	ssyncadd.s32 $0xFFFF8000  }
0x184: {  	[hbm4b:s6+s11] =	stream.strided.scatter [tilespmem:s10], [sflag:$0x4], $0x8000, s10, s11, $0x38;
	[tilespmem:$0x10000] =	vst v63  }
0x185: {  	_ = 	snop  }
0x186: {  	[hbm4b:s7+s11] =	stream.strided.scatter [tilespmem:s10], [sflag:$0x4], $0x8000, s10, s11, $0x38;
	[tilespmem:$0x10000] =	vst v63  }
0x187: {  	_ = 	snop  }
0x188: {  	[hbm4b:s8+s11] =	stream.strided.scatter [tilespmem:s10], [sflag:$0x4], $0x8000, s10, s11, $0x38;
	[tilespmem:$0x10000] =	vst v63  }
0x189: {  	_ = 	snop  }
0x18a: {  	[hbm4b:s9+s11] =	stream.strided.scatter [tilespmem:s10], [sflag:$0x4], $0x8000, s10, s11, $0x38;
	[tilespmem:$0x10000] =	vst v63  }
0x18b: {  	_ =	swait.ge [sflag:s4], $0x8000  }
0x18c: {  	[sflag:s4] =	ssyncset.done $0x0  }
0x18d: {  	[sflag:s4] =	ssyncadd.s32 $0xFFFF8000  }
0x18e: {  	_ =	swait.ge [sflag:s4], $0x8000  }
0x18f: {  	[sflag:s4] =	ssyncset.done $0x0  }
0x190: {  	[sflag:s4] =	ssyncadd.s32 $0xFFFF8000  }
0x191: {  	_ =	swait.ge [sflag:s4], $0x8000  }
0x192: {  	[sflag:s4] =	ssyncset.done $0x0  }
0x193: {  	[sflag:s4] =	ssyncadd.s32 $0xFFFF8000  }
0x194: {  	_ =	swait.ge [sflag:s4], $0x8000  }
0x195: {  	[sflag:s4] =	ssyncset.done $0x0  }
0x196: {  	[sflag:s4] =	ssyncadd.s32 $0xFFFF8000  }
0x197: {  	_ =	swait.ge [sflag:s3], $0x8000  }
0x198: {  	[sflag:s3] =	ssyncset.done $0x0  }
0x199: {  	[sflag:s3] =	ssyncadd.s32 $0xFFFF8000  }
0x19a: {  	_ =	swait.ge [sflag:s3], $0x8000  }
0x19b: {  	[sflag:s3] =	ssyncset.done $0x0  }
0x19c: {  	p1 =	sne.s32 s1, $0x1;
	[sflag:s3] =	ssyncadd.s32 $0xFFFF8000  }
.Ltmp2:
0x19d: {  	_ =	swait.ge [sflag:s3], $0x8000;
	(pc) =	sbr.rel @p1 .LBB2_2-.Ltmp2, $4  }
0x19e: {  	[sflag:s3] =	ssyncset.done $0x0  }
0x19f: {  	[sflag:s3] =	ssyncadd.s32 $0xFFFF8000  }
0x1a0: {  	s1 =	sadd.s32 $0xFFFFFFFF, s1;
	_ =	swait.ge [sflag:s3], $0x8000  }
0x1a1: {  	s5 =	smov.u32 s0;
	s0 =	rddreg [dreg:$0x3];
	[sflag:s3] =	ssyncset.done $0x0  }
.LBB2_3:
0x1a2: {  	[sflag:s3] =	ssyncadd.s32 @p0 $0xFFFF8000  }
0x1a3: {  	[tilespmem:s31], [sflag:$0x1] =	stream.linear.gather [hbm4b:s0+s31], $0x8000, $0x38;
	[tilespmem:$0x10000] =	vst v63  }
0x1a4: {  	s1 =	rddreg [dreg:$0x4]  }
0x1a5: {  	[tilespmem:s10], [sflag:$0x2] =	stream.linear.gather [hbm4b:s1+s31], $0x8000, $0x38;
	[tilespmem:$0x10000] =	vst v63  }
0x1a6: {  	_ =	swait.ge [sflag:s23], $0x8000  }
0x1a7: {  	[sflag:s23] =	ssyncset.done $0x0  }
0x1a8: {  	s0 =	rddreg [dreg:$0x5];
	[sflag:s23] =	ssyncadd.s32 $0xFFFF8000  }
0x1a9: {  	[hbm4b:s0+s11] =	stream.strided.scatter [tilespmem:s31], [sflag:$0x3], $0x8000, s10, s11, $0x38;
	[tilespmem:$0x10000] =	vst v63  }
0x1aa: {  	s1 =	rddreg [dreg:$0x6]  }
0x1ab: {  	[hbm4b:s1+s11] =	stream.strided.scatter [tilespmem:s31], [sflag:$0x3], $0x8000, s10, s11, $0x38;
	[tilespmem:$0x10000] =	vst v63  }
0x1ac: {  	s0 =	rddreg [dreg:$0x7]  }
0x1ad: {  	[hbm4b:s0+s11] =	stream.strided.scatter [tilespmem:s31], [sflag:$0x3], $0x8000, s10, s11, $0x38;
	[tilespmem:$0x10000] =	vst v63  }
0x1ae: {  	s1 =	rddreg [dreg:$0x8]  }
0x1af: {  	[hbm4b:s1+s11] =	stream.strided.scatter [tilespmem:s31], [sflag:$0x3], $0x8000, s10, s11, $0x38;
	[tilespmem:$0x10000] =	vst v63  }
0x1b0: {  	_ =	swait.ge [sflag:s12], $0x8000  }
0x1b1: {  	[sflag:s12] =	ssyncset.done $0x0  }
0x1b2: {  	s0 =	rddreg [dreg:$0x9];
	[sflag:s12] =	ssyncadd.s32 $0xFFFF8000  }
0x1b3: {  	[hbm4b:s0+s11] =	stream.strided.scatter [tilespmem:s10], [sflag:$0x4], $0x8000, s10, s11, $0x38;
	[tilespmem:$0x10000] =	vst v63  }
0x1b4: {  	s1 =	rddreg [dreg:$0xa]  }
0x1b5: {  	[hbm4b:s1+s11] =	stream.strided.scatter [tilespmem:s10], [sflag:$0x4], $0x8000, s10, s11, $0x38;
	[tilespmem:$0x10000] =	vst v63  }
0x1b6: {  	s0 =	rddreg [dreg:$0xb]  }
0x1b7: {  	[hbm4b:s0+s11] =	stream.strided.scatter [tilespmem:s10], [sflag:$0x4], $0x8000, s10, s11, $0x38;
	[tilespmem:$0x10000] =	vst v63  }
0x1b8: {  	s1 =	rddreg [dreg:$0xc]  }
0x1b9: {  	[hbm4b:s1+s11] =	stream.strided.scatter [tilespmem:s10], [sflag:$0x4], $0x8000, s10, s11, $0x38;
	[tilespmem:$0x10000] =	vst v63  }
0x1ba: {  	_ =	swait.ge [sflag:s4], $0x8000  }
0x1bb: {  	[sflag:s4] =	ssyncset.done $0x0  }
0x1bc: {  	[sflag:s4] =	ssyncadd.s32 $0xFFFF8000  }
0x1bd: {  	_ =	swait.ge [sflag:s4], $0x8000  }
0x1be: {  	[sflag:s4] =	ssyncset.done $0x0  }
0x1bf: {  	[sflag:s4] =	ssyncadd.s32 $0xFFFF8000  }
0x1c0: {  	_ =	swait.ge [sflag:s4], $0x8000  }
0x1c1: {  	[sflag:s4] =	ssyncset.done $0x0  }
0x1c2: {  	[sflag:s4] =	ssyncadd.s32 $0xFFFF8000  }
0x1c3: {  	_ =	swait.ge [sflag:s4], $0x8000  }
0x1c4: {  	[sflag:s4] =	ssyncset.done $0x0  }
0x1c5: {  	s1 =	rddreg [dreg:$0xd];
	[sflag:s4] =	ssyncadd.s32 $0xFFFF8000  }
0x1c6: {  	[tilespmem:s31], [sflag:$0x1] =	stream.linear.gather [hbm4b:s1+s31], $0x8000, $0x38;
	[tilespmem:$0x10000] =	vst v63  }
0x1c7: {  	_ =	swait.ge [sflag:s23], $0x8000  }
0x1c8: {  	[sflag:s23] =	ssyncset.done $0x0  }
0x1c9: {  	s0 =	rddreg [dreg:$0xe];
	[sflag:s23] =	ssyncadd.s32 $0xFFFF8000  }
0x1ca: {  	[hbm4b:s0+s11] =	stream.strided.scatter [tilespmem:s31], [sflag:$0x3], $0x8000, s10, s11, $0x38;
	[tilespmem:$0x10000] =	vst v63  }
0x1cb: {  	s1 =	rddreg [dreg:$0xf]  }
0x1cc: {  	[hbm4b:s1+s11] =	stream.strided.scatter [tilespmem:s31], [sflag:$0x3], $0x8000, s10, s11, $0x38;
	[tilespmem:$0x10000] =	vst v63  }
0x1cd: {  	s0 =	rddreg [dreg:$0x10]  }
0x1ce: {  	[hbm4b:s0+s11] =	stream.strided.scatter [tilespmem:s31], [sflag:$0x3], $0x8000, s10, s11, $0x38;
	[tilespmem:$0x10000] =	vst v63  }
0x1cf: {  	s1 =	rddreg [dreg:$0x11]  }
0x1d0: {  	[hbm4b:s1+s11] =	stream.strided.scatter [tilespmem:s31], [sflag:$0x3], $0x8000, s10, s11, $0x38;
	[tilespmem:$0x10000] =	vst v63  }
0x1d1: {  	_ =	swait.ge [sflag:s3], $0x8000  }
0x1d2: {  	[sflag:s3] =	ssyncset.done $0x0  }
0x1d3: {  	[sflag:s3] =	ssyncadd.s32 $0xFFFF8000  }
0x1d4: {  	_ =	swait.ge [sflag:s3], $0x8000  }
0x1d5: {  	[sflag:s3] =	ssyncset.done $0x0  }
0x1d6: {  	[sflag:s3] =	ssyncadd.s32 $0xFFFF8000  }
0x1d7: {  	_ =	swait.ge [sflag:s3], $0x8000  }
0x1d8: {  	[sflag:s3] =	ssyncset.done $0x0  }
0x1d9: {  	[sflag:s3] =	ssyncadd.s32 $0xFFFF8000  }
0x1da: {  	_ =	swait.ge [sflag:s3], $0x8000  }
0x1db: {  	[sflag:s3] =	ssyncset.done $0x0  }
0x1dc: {  	s1 =	rddreg [dreg:$0x12];
	[sflag:s3] =	ssyncadd.s32 $0xFFFF8000  }
0x1dd: {  	[tilespmem:s10], [sflag:$0x2] =	stream.linear.gather [hbm4b:s1+s31], $0x8000, $0x38;
	[tilespmem:$0x10000] =	vst v63  }
0x1de: {  	_ =	swait.ge [sflag:s12], $0x8000  }
0x1df: {  	[sflag:s12] =	ssyncset.done $0x0  }
0x1e0: {  	s0 =	rddreg [dreg:$0x13];
	[sflag:s12] =	ssyncadd.s32 $0xFFFF8000  }
0x1e1: {  	[hbm4b:s0+s11] =	stream.strided.scatter [tilespmem:s10], [sflag:$0x4], $0x8000, s10, s11, $0x38;
	[tilespmem:$0x10000] =	vst v63  }
0x1e2: {  	s1 =	rddreg [dreg:$0x14]  }
0x1e3: {  	[hbm4b:s1+s11] =	stream.strided.scatter [tilespmem:s10], [sflag:$0x4], $0x8000, s10, s11, $0x38;
	[tilespmem:$0x10000] =	vst v63  }
0x1e4: {  	_ = 	snop  }
0x1e5: {  	[hbm4b:s30+s11] =	stream.strided.scatter [tilespmem:s10], [sflag:$0x4], $0x8000, s10, s11, $0x38;
	[tilespmem:$0x10000] =	vst v63  }
0x1e6: {  	_ = 	snop  }
0x1e7: {  	[hbm4b:s2+s11] =	stream.strided.scatter [tilespmem:s10], [sflag:$0x4], $0x8000, s10, s11, $0x38;
	[tilespmem:$0x10000] =	vst v63  }
0x1e8: {  	_ =	swait.ge [sflag:s4], $0x8000  }
0x1e9: {  	[sflag:s4] =	ssyncset.done $0x0  }
0x1ea: {  	[sflag:s4] =	ssyncadd.s32 $0xFFFF8000  }
0x1eb: {  	_ =	swait.ge [sflag:s4], $0x8000  }
0x1ec: {  	[sflag:s4] =	ssyncset.done $0x0  }
0x1ed: {  	[sflag:s4] =	ssyncadd.s32 $0xFFFF8000  }
0x1ee: {  	_ =	swait.ge [sflag:s4], $0x8000  }
0x1ef: {  	[sflag:s4] =	ssyncset.done $0x0  }
0x1f0: {  	[sflag:s4] =	ssyncadd.s32 $0xFFFF8000  }
0x1f1: {  	_ =	swait.ge [sflag:s4], $0x8000  }
0x1f2: {  	[sflag:s4] =	ssyncset.done $0x0  }
0x1f3: {  	[sflag:s4] =	ssyncadd.s32 $0xFFFF8000  }
0x1f4: {  	[tilespmem:s31], [sflag:$0x1] =	stream.linear.gather [hbm4b:s28+s31], $0x8000, $0x38;
	[tilespmem:$0x10000] =	vst v63  }
0x1f5: {  	_ =	swait.ge [sflag:s23], $0x8000  }
0x1f6: {  	[sflag:s23] =	ssyncset.done $0x0  }
0x1f7: {  	[sflag:s23] =	ssyncadd.s32 $0xFFFF8000  }
0x1f8: {  	[hbm4b:s24+s11] =	stream.strided.scatter [tilespmem:s31], [sflag:$0x3], $0x8000, s10, s11, $0x38;
	[tilespmem:$0x10000] =	vst v63  }
0x1f9: {  	_ = 	snop  }
0x1fa: {  	[hbm4b:s25+s11] =	stream.strided.scatter [tilespmem:s31], [sflag:$0x3], $0x8000, s10, s11, $0x38;
	[tilespmem:$0x10000] =	vst v63  }
0x1fb: {  	_ = 	snop  }
0x1fc: {  	[hbm4b:s26+s11] =	stream.strided.scatter [tilespmem:s31], [sflag:$0x3], $0x8000, s10, s11, $0x38;
	[tilespmem:$0x10000] =	vst v63  }
0x1fd: {  	_ = 	snop  }
0x1fe: {  	[hbm4b:s29+s11] =	stream.strided.scatter [tilespmem:s31], [sflag:$0x3], $0x8000, s10, s11, $0x38;
	[tilespmem:$0x10000] =	vst v63  }
0x1ff: {  	_ =	swait.ge [sflag:s3], $0x8000  }
0x200: {  	[sflag:s3] =	ssyncset.done $0x0  }
0x201: {  	[sflag:s3] =	ssyncadd.s32 $0xFFFF8000  }
0x202: {  	_ =	swait.ge [sflag:s3], $0x8000  }
0x203: {  	[sflag:s3] =	ssyncset.done $0x0  }
0x204: {  	[sflag:s3] =	ssyncadd.s32 $0xFFFF8000  }
0x205: {  	_ =	swait.ge [sflag:s3], $0x8000  }
0x206: {  	[sflag:s3] =	ssyncset.done $0x0  }
0x207: {  	[sflag:s3] =	ssyncadd.s32 $0xFFFF8000  }
0x208: {  	_ =	swait.ge [sflag:s3], $0x8000  }
0x209: {  	[sflag:s3] =	ssyncset.done $0x0  }
0x20a: {  	[sflag:s3] =	ssyncadd.s32 $0xFFFF8000  }
0x20b: {  	[tilespmem:s10], [sflag:$0x2] =	stream.linear.gather [hbm4b:s22+s31], $0x8000, $0x38;
	[tilespmem:$0x10000] =	vst v63  }
0x20c: {  	_ =	swait.ge [sflag:s12], $0x8000  }
0x20d: {  	[sflag:s12] =	ssyncset.done $0x0  }
0x20e: {  	[sflag:s12] =	ssyncadd.s32 $0xFFFF8000  }
0x20f: {  	[hbm4b:s18+s11] =	stream.strided.scatter [tilespmem:s10], [sflag:$0x4], $0x8000, s10, s11, $0x38;
	[tilespmem:$0x10000] =	vst v63  }
0x210: {  	_ = 	snop  }
0x211: {  	[hbm4b:s19+s11] =	stream.strided.scatter [tilespmem:s10], [sflag:$0x4], $0x8000, s10, s11, $0x38;
	[tilespmem:$0x10000] =	vst v63  }
0x212: {  	_ = 	snop  }
0x213: {  	[hbm4b:s20+s11] =	stream.strided.scatter [tilespmem:s10], [sflag:$0x4], $0x8000, s10, s11, $0x38;
	[tilespmem:$0x10000] =	vst v63  }
0x214: {  	_ = 	snop  }
0x215: {  	[hbm4b:s21+s11] =	stream.strided.scatter [tilespmem:s10], [sflag:$0x4], $0x8000, s10, s11, $0x38;
	[tilespmem:$0x10000] =	vst v63  }
0x216: {  	_ =	swait.ge [sflag:s4], $0x8000  }
0x217: {  	[sflag:s4] =	ssyncset.done $0x0  }
0x218: {  	[sflag:s4] =	ssyncadd.s32 $0xFFFF8000  }
0x219: {  	_ =	swait.ge [sflag:s4], $0x8000  }
0x21a: {  	[sflag:s4] =	ssyncset.done $0x0  }
0x21b: {  	[sflag:s4] =	ssyncadd.s32 $0xFFFF8000  }
0x21c: {  	_ =	swait.ge [sflag:s4], $0x8000  }
0x21d: {  	[sflag:s4] =	ssyncset.done $0x0  }
0x21e: {  	[sflag:s4] =	ssyncadd.s32 $0xFFFF8000  }
0x21f: {  	_ =	swait.ge [sflag:s4], $0x8000  }
0x220: {  	[sflag:s4] =	ssyncset.done $0x0  }
0x221: {  	[sflag:s4] =	ssyncadd.s32 $0xFFFF8000  }
0x222: {  	[tilespmem:s31], [sflag:$0x1] =	stream.linear.gather [hbm4b:s14+s31], $0x8000, $0x38;
	[tilespmem:$0x10000] =	vst v63  }
0x223: {  	_ =	swait.ge [sflag:s23], $0x8000  }
0x224: {  	[sflag:s23] =	ssyncset.done $0x0  }
0x225: {  	[sflag:s23] =	ssyncadd.s32 $0xFFFF8000  }
0x226: {  	[hbm4b:s13+s11] =	stream.strided.scatter [tilespmem:s31], [sflag:$0x3], $0x8000, s10, s11, $0x38;
	[tilespmem:$0x10000] =	vst v63  }
0x227: {  	_ = 	snop  }
0x228: {  	[hbm4b:s15+s11] =	stream.strided.scatter [tilespmem:s31], [sflag:$0x3], $0x8000, s10, s11, $0x38;
	[tilespmem:$0x10000] =	vst v63  }
0x229: {  	_ = 	snop  }
0x22a: {  	[hbm4b:s16+s11] =	stream.strided.scatter [tilespmem:s31], [sflag:$0x3], $0x8000, s10, s11, $0x38;
	[tilespmem:$0x10000] =	vst v63  }
0x22b: {  	_ = 	snop  }
0x22c: {  	[hbm4b:s17+s11] =	stream.strided.scatter [tilespmem:s31], [sflag:$0x3], $0x8000, s10, s11, $0x38;
	[tilespmem:$0x10000] =	vst v63  }
0x22d: {  	_ =	swait.ge [sflag:s3], $0x8000  }
0x22e: {  	[sflag:s3] =	ssyncset.done $0x0  }
0x22f: {  	[sflag:s3] =	ssyncadd.s32 $0xFFFF8000  }
0x230: {  	_ =	swait.ge [sflag:s3], $0x8000  }
0x231: {  	[sflag:s3] =	ssyncset.done $0x0  }
0x232: {  	[sflag:s3] =	ssyncadd.s32 $0xFFFF8000  }
0x233: {  	_ =	swait.ge [sflag:s3], $0x8000  }
0x234: {  	[sflag:s3] =	ssyncset.done $0x0  }
0x235: {  	[sflag:s3] =	ssyncadd.s32 $0xFFFF8000  }
0x236: {  	_ =	swait.ge [sflag:s3], $0x8000  }
0x237: {  	[sflag:s3] =	ssyncset.done $0x0  }
0x238: {  	[sflag:s3] =	ssyncadd.s32 $0xFFFF8000  }
0x239: {  	[tilespmem:s10], [sflag:$0x2] =	stream.linear.gather [hbm4b:s5+s31], $0x8000, $0x38;
	[tilespmem:$0x10000] =	vst v63  }
0x23a: {  	_ =	swait.ge [sflag:s12], $0x8000  }
0x23b: {  	[sflag:s12] =	ssyncset.done $0x0  }
0x23c: {  	[sflag:s12] =	ssyncadd.s32 $0xFFFF8000  }
0x23d: {  	[hbm4b:s6+s11] =	stream.strided.scatter [tilespmem:s10], [sflag:$0x4], $0x8000, s10, s11, $0x38;
	[tilespmem:$0x10000] =	vst v63  }
0x23e: {  	_ = 	snop  }
0x23f: {  	[hbm4b:s7+s11] =	stream.strided.scatter [tilespmem:s10], [sflag:$0x4], $0x8000, s10, s11, $0x38;
	[tilespmem:$0x10000] =	vst v63  }
0x240: {  	_ = 	snop  }
0x241: {  	[hbm4b:s8+s11] =	stream.strided.scatter [tilespmem:s10], [sflag:$0x4], $0x8000, s10, s11, $0x38;
	[tilespmem:$0x10000] =	vst v63  }
0x242: {  	_ = 	snop  }
0x243: {  	[hbm4b:s9+s11] =	stream.strided.scatter [tilespmem:s10], [sflag:$0x4], $0x8000, s10, s11, $0x38;
	[tilespmem:$0x10000] =	vst v63  }
0x244: {  	_ =	swait.ge [sflag:s4], $0x8000  }
0x245: {  	[sflag:s4] =	ssyncset.done $0x0  }
0x246: {  	[sflag:s4] =	ssyncadd.s32 $0xFFFF8000  }
0x247: {  	_ =	swait.ge [sflag:s4], $0x8000  }
0x248: {  	[sflag:s4] =	ssyncset.done $0x0  }
0x249: {  	[sflag:s4] =	ssyncadd.s32 $0xFFFF8000  }
0x24a: {  	_ =	swait.ge [sflag:s4], $0x8000  }
0x24b: {  	[sflag:s4] =	ssyncset.done $0x0  }
0x24c: {  	[sflag:s4] =	ssyncadd.s32 $0xFFFF8000  }
0x24d: {  	_ =	swait.ge [sflag:s4], $0x8000  }
0x24e: {  	[sflag:s4] =	ssyncset.done $0x0  }
0x24f: {  	[sflag:s4] =	ssyncadd.s32 $0xFFFF8000  }
0x250: {  	_ =	swait.ge [sflag:s3], $0x8000  }
0x251: {  	[sflag:s3] =	ssyncset.done $0x0  }
0x252: {  	[sflag:s3] =	ssyncadd.s32 $0xFFFF8000  }
0x253: {  	_ =	swait.ge [sflag:s3], $0x8000  }
0x254: {  	[sflag:s3] =	ssyncset.done $0x0  }
0x255: {  	[sflag:s3] =	ssyncadd.s32 $0xFFFF8000  }
0x256: {  	_ =	swait.ge [sflag:s3], $0x8000  }
0x257: {  	[sflag:s3] =	ssyncset.done $0x0  }
0x258: {  	[sflag:s3] =	ssyncadd.s32 $0xFFFF8000  }
0x259: {  	_ =	swait.ge [sflag:s3], $0x8000  }
0x25a: {  	[sflag:s3] =	ssyncset.done $0x0  }
0x25b: {  	[sflag:s3] =	ssyncadd.s32 $0xFFFF8000  }
0x25c: {  	_ =	sfence.sel $0x180000  }
0x25d: {  	[bflag:$0x0] =	sbarrier.arrive $0xFFFF  }
0x25e: {  	_ =	strace $0x90000047  }
0x25f: {  	s31 =	stileid.u32;
	[bflag:$0x2] =	sbarrier.arrive $0xFFFF  }
0x260: {  	p0 =	sne.s32 s31, $0x0;
	s0 =	rddreg [dreg:$0x2]  }
0x261: {  	s0 =	sadd.s32 @!p0 $0x100000, s0  }
0x262: {  	[sflag:s0] =	ssyncadd.tile.s32 @!p0 $0x1;
	_ =	shalt  }
.Lfunc_end2:
_tile_overlayer_lowered:
.L_overlay_start_2:
0x263: {  	(tag) =	ssettag $0x2  }
0x264: {  	s0 =	rddreg [dreg:$0x0];
	s2 =	stileid.u32  }
0x265: {  	s1 =	rddreg [dreg:$0x1];
	p0 =	sne.s32 s2, $0x0  }
0x266: {  	s3 =	rddreg [dreg:$0x2];
	[bflag:$0x3] =	sbarrier.arrive $0xFFFF;
	s2 =	simm.s32 @!p0 $0x1C05  }
0x267: {  	[timem:s3], [sflag:s2] =	dma.local @!p0 [hbm:s0], s1  }
0x268: {  	s0 =	simm.s32 @!p0 $0x5  }
0x269: {  	_ =	swait.ge @!p0 [sflag:s0], s1  }
0x26a: {  	s1 =	ssub.s32 @!p0 $0x0, s1;
	[sflag:s0] =	ssyncset.done @!p0 $0x0  }
0x26b: {  	[sflag:s0] =	ssyncadd.s32 @!p0 s1  }
0x26c: {  	[bflag:$0x3] =	sbarrier.arrive $0xFFFF  }
0x26d: {  	_ =	shalt  }

</sc_bundles>
